<compile_context>
chip_gen: v7x
topology: tpu7x:2x2x1
jax: 0.10.2.dev20260603
libtpu: 0.0.44.dev20260713+nightly
codegen_flags: <defaults>
</compile_context>

<pallas_src>
import functools

import jax
import jax.numpy as jnp
from jax import lax
from jax.experimental import pallas as pl
from jax.experimental.pallas import tpu as pltpu
from jax.experimental.pallas import tpu_sc as plsc

B = 16384
L = 200
D = 64
V = 20
IDXW = 128
NROWS = (B * L) // IDXW
NW = 32
ROWS_PER_W = NROWS // NW
CHUNK = 4
NITER = ROWS_PER_W // CHUNK
NBUF = 3
NBLK = (NITER + NBUF - 1) // NBUF

_mesh = plsc.VectorSubcoreMesh(core_axis_name="c", subcore_axis_name="s")


@functools.partial(
    pl.kernel,
    mesh=_mesh,
    out_type=jax.ShapeDtypeStruct((NROWS, IDXW, D), jnp.float32),
    scratch_types=[
        pltpu.VMEM_SHARED((16 * V, D), jnp.float32),
        pltpu.VMEM((NBUF, CHUNK, IDXW), jnp.int32),
        pltpu.VMEM((NBUF, CHUNK, IDXW, D), jnp.float32),
        [pltpu.SemaphoreType.DMA] * NBUF,
        [pltpu.SemaphoreType.DMA] * NBUF,
        [pltpu.SemaphoreType.DMA] * NBUF,
    ],
    compiler_params=pltpu.CompilerParams(use_tc_tiling_on_sc=False),
)
def _emb_lookup(table_hbm, idx_hbm, out_hbm, table_sh, idx_v, rows_v,
                sem_g, sem_o, sem_i):
    sid = lax.axis_index("s")
    wid = sid * 2 + lax.axis_index("c")
    base = wid * ROWS_PER_W

    pltpu.sync_copy(table_hbm, table_sh.at[pl.ds(sid * V, V)])
    plsc.subcore_barrier()

    off = jnp.broadcast_to((sid * V).astype(jnp.int32), (16,))

    def idx_start(b, t):
        pltpu.async_copy(idx_hbm.at[pl.ds(base + t * CHUNK, CHUNK)],
                         idx_v.at[b], sem_i[b])

    def idx_wait(b):
        pltpu.make_async_copy(idx_hbm.at[pl.ds(0, CHUNK)], idx_v.at[b],
                              sem_i[b]).wait()

    def gather(b):
        for j in range(CHUNK):
            for q in range(IDXW // 16):
                sl = pl.ds(q * 16, 16)
                idx_v[b, j, sl] = idx_v[b, j, sl] + off
            pltpu.async_copy(table_sh.at[idx_v.at[b, j]], rows_v.at[b, j],
                             sem_g[b])

    def wait_gathers(b):
        pltpu.make_async_copy(out_hbm.at[pl.ds(0, CHUNK)], rows_v.at[b],
                              sem_g[b]).wait()

    def out_start(b, t):
        pltpu.async_copy(rows_v.at[b],
                         out_hbm.at[pl.ds(base + t * CHUNK, CHUNK)],
                         sem_o[b])

    def out_wait(b):
        pltpu.make_async_copy(out_hbm.at[pl.ds(0, CHUNK)], rows_v.at[b],
                              sem_o[b]).wait()

    for b in range(NBUF):
        idx_start(b, b)

    def body(k, carry):
        for b in range(NBUF):
            t = k * NBUF + b

            @pl.when(t < NITER)
            def _step():
                @pl.when(t >= NBUF)
                def _drain():
                    out_wait(b)

                idx_wait(b)
                gather(b)
                wait_gathers(b)

                @pl.when(t + NBUF < NITER)
                def _prefetch_idx():
                    idx_start(b, t + NBUF)

                out_start(b, t)

        return carry

    lax.fori_loop(0, NBLK, body, 0)

    for b in range(NBUF):
        out_wait(b)


def kernel(segment_ids, embed_table):
    ids = segment_ids.astype(jnp.int32).reshape(NROWS, IDXW)
    out = _emb_lookup(embed_table, ids)
    return out.reshape(B, L, D)

# --- scband reference (transcript-rebuilt; emitter-appended) ---
"""Pipeline reference for scband-segment-embedding-21809843929199 (READ-ONLY COPY).

The authoritative reference and input builder live on the scoring server;
editing this copy changes nothing except your own understanding.
"""

import jax, jax.numpy as jnp
import numpy as np

D_EMB = 64
MAX_SEGMENT = 20
B = 16384
L = 200

def setup_inputs(seed: int = 0) -> dict:
    key = jax.random.key(seed)
    k1, k2 = jax.random.split(key)
    segment_ids = jax.random.randint(k1, (B, L), 0, MAX_SEGMENT, dtype=jnp.int64 if jax.config.read('jax_enable_x64') else jnp.int32)
    embed_table = jax.random.normal(k2, (MAX_SEGMENT, D_EMB), dtype=jnp.float32)
    return {"segment_ids": segment_ids, "embed_table": embed_table}

def reference(segment_ids, embed_table):
    # nn.Embedding forward: gather rows of the table by index
    emb = jnp.take(embed_table, segment_ids, axis=0)
    return emb

if __name__ == "__main__":
    import jax
    _d = setup_inputs()
    print(jax.jit(kernel)(*tuple(_d.values())))

</pallas_src>

<mosaic_0001>
#map = affine_map<(d0, d1) -> (0, 0)>
#map1 = affine_map<(d0, d1) -> (0, 0, 0)>
module attributes {stable_mosaic.version = 14 : i64} {
  func.func @_emb_lookup(%arg0: i32, %arg1: i32, %arg2: memref<20x64xf32, #tpu.memory_space<hbm>>, %arg3: memref<25600x128xi32, #tpu.memory_space<hbm>>, %arg4: memref<25600x128x64xf32, #tpu.memory_space<hbm>>, %arg5: memref<320x64xf32, #tpu.memory_space<vmem_shared>>, %arg6: memref<3x4x128xi32, #tpu.memory_space<vmem>>, %arg7: memref<3x4x128x64xf32, #tpu.memory_space<vmem>>, %arg8: memref<!tpu.dma_semaphore, #tpu.memory_space<semaphore_mem>>, %arg9: memref<!tpu.dma_semaphore, #tpu.memory_space<semaphore_mem>>, %arg10: memref<!tpu.dma_semaphore, #tpu.memory_space<semaphore_mem>>, %arg11: memref<!tpu.dma_semaphore, #tpu.memory_space<semaphore_mem>>, %arg12: memref<!tpu.dma_semaphore, #tpu.memory_space<semaphore_mem>>, %arg13: memref<!tpu.dma_semaphore, #tpu.memory_space<semaphore_mem>>, %arg14: memref<!tpu.dma_semaphore, #tpu.memory_space<semaphore_mem>>, %arg15: memref<!tpu.dma_semaphore, #tpu.memory_space<semaphore_mem>>, %arg16: memref<!tpu.dma_semaphore, #tpu.memory_space<semaphore_mem>>) attributes {dimension_semantics = [#tpu.dimension_semantics<core_parallel>, #tpu.dimension_semantics<subcore_parallel>], iteration_bounds = array<i64: 2, 16>, scalar_prefetch = 0 : i64, scratch_operands = 12 : i64, tpu.core_type = #tpu.core_type<sc_vector_subcore>, window_params = [{transform_indices = #map}, {transform_indices = #map}, {transform_indices = #map1}]} {
    %mul3A = arith.constant 2 : i32
    %mul3A_0 = arith.muli %arg1, %mul3A : i32
    %add3A = arith.addi %mul3A_0, %arg0 : i32
    %mul3A_1 = arith.constant 800 : i32
    %mul3A_2 = arith.muli %add3A, %mul3A_1 : i32
    %mul3A_3 = arith.constant 20 : i32
    %mul3A_4 = arith.muli %arg1, %mul3A_3 : i32
    "tpu.region"() ({
      %run_scoped3A = tpu.sem_alloc : memref<!tpu.dma_semaphore, #tpu.memory_space<semaphore_mem>>
      %dma_start3A_112 = arith.constant 0 : i32
      %dma_start3A_113 = tpu.memref_slice %arg5[%mul3A_4, %dma_start3A_112] : memref<320x64xf32, #tpu.memory_space<vmem_shared>> -> memref<20x64xf32, #tpu.memory_space<vmem_shared>>
      tpu.enqueue_dma source(%arg2 : memref<20x64xf32, #tpu.memory_space<hbm>>) target(%dma_start3A_113 : memref<20x64xf32, #tpu.memory_space<vmem_shared>>) target_semaphore(%run_scoped3A : memref<!tpu.dma_semaphore, #tpu.memory_space<semaphore_mem>>)
      %dma_wait3A_114 = arith.constant 0 : i32
      %dma_wait3A_115 = tpu.memref_slice %arg5[%mul3A_4, %dma_wait3A_114] : memref<320x64xf32, #tpu.memory_space<vmem_shared>> -> memref<20x64xf32, #tpu.memory_space<vmem_shared>>
      tpu.wait_dma2 semaphore(%run_scoped3A : memref<!tpu.dma_semaphore, #tpu.memory_space<semaphore_mem>>) src(%arg2 : memref<20x64xf32, #tpu.memory_space<hbm>>) dst(%dma_wait3A_115 : memref<20x64xf32, #tpu.memory_space<vmem_shared>>)
      tpu.yield
    }) : () -> ()
    %barrier3A = arith.constant 0 : index
    tpu.barrier barrier_id(%barrier3A)
    %mul3A_5 = arith.constant 20 : i32
    %mul3A_6 = arith.muli %arg1, %mul3A_5 : i32
    %broadcast_in_dim3A = vector.broadcast %mul3A_6 : i32 to vector<16xi32>
    %add3A_7 = arith.constant 0 : i32
    %add3A_8 = arith.addi %mul3A_2, %add3A_7 : i32
    %dma_start3A = arith.constant 0 : i32
    %dma_start3A_9 = arith.constant 0 : i32
    %dma_start3A_10 = arith.constant 0 : i32
    %dma_start3A_11 = tpu.memref_slice %arg6[%dma_start3A, %dma_start3A_9, %dma_start3A_10] : memref<3x4x128xi32, #tpu.memory_space<vmem>> -> memref<1x4x128xi32, #tpu.memory_space<vmem>>
    %dma_start3A_12 = tpu.memref_squeeze %dma_start3A_11 : memref<1x4x128xi32, #tpu.memory_space<vmem>> -> memref<4x128xi32, #tpu.memory_space<vmem>>
    %dma_start3A_13 = arith.constant 0 : i32
    %dma_start3A_14 = tpu.memref_slice %arg3[%add3A_8, %dma_start3A_13] : memref<25600x128xi32, #tpu.memory_space<hbm>> -> memref<4x128xi32, #tpu.memory_space<hbm>>
    %dma_start3A_15 = arith.constant 0 : i32
    %dma_start3A_16 = arith.constant 0 : i32
    %dma_start3A_17 = tpu.memref_slice %arg6[%dma_start3A, %dma_start3A_15, %dma_start3A_16] : memref<3x4x128xi32, #tpu.memory_space<vmem>> -> memref<1x4x128xi32, #tpu.memory_space<vmem>>
    %dma_start3A_18 = tpu.memref_squeeze %dma_start3A_17 : memref<1x4x128xi32, #tpu.memory_space<vmem>> -> memref<4x128xi32, #tpu.memory_space<vmem>>
    %dma_start3A_19 = arith.constant 0 : i32
    %dma_start3A_20 = tpu.memref_slice %arg3[%add3A_8, %dma_start3A_19] : memref<25600x128xi32, #tpu.memory_space<hbm>> -> memref<4x128xi32, #tpu.memory_space<hbm>>
    tpu.enqueue_dma source(%dma_start3A_20 : memref<4x128xi32, #tpu.memory_space<hbm>>) target(%dma_start3A_18 : memref<4x128xi32, #tpu.memory_space<vmem>>) target_semaphore(%arg14 : memref<!tpu.dma_semaphore, #tpu.memory_space<semaphore_mem>>)
    %add3A_21 = arith.constant 4 : i32
    %add3A_22 = arith.addi %mul3A_2, %add3A_21 : i32
    %dma_start3A_23 = arith.constant 1 : i32
    %dma_start3A_24 = arith.constant 0 : i32
    %dma_start3A_25 = arith.constant 0 : i32
    %dma_start3A_26 = tpu.memref_slice %arg6[%dma_start3A_23, %dma_start3A_24, %dma_start3A_25] : memref<3x4x128xi32, #tpu.memory_space<vmem>> -> memref<1x4x128xi32, #tpu.memory_space<vmem>>
    %dma_start3A_27 = tpu.memref_squeeze %dma_start3A_26 : memref<1x4x128xi32, #tpu.memory_space<vmem>> -> memref<4x128xi32, #tpu.memory_space<vmem>>
    %dma_start3A_28 = arith.constant 0 : i32
    %dma_start3A_29 = tpu.memref_slice %arg3[%add3A_22, %dma_start3A_28] : memref<25600x128xi32, #tpu.memory_space<hbm>> -> memref<4x128xi32, #tpu.memory_space<hbm>>
    %dma_start3A_30 = arith.constant 0 : i32
    %dma_start3A_31 = arith.constant 0 : i32
    %dma_start3A_32 = tpu.memref_slice %arg6[%dma_start3A_23, %dma_start3A_30, %dma_start3A_31] : memref<3x4x128xi32, #tpu.memory_space<vmem>> -> memref<1x4x128xi32, #tpu.memory_space<vmem>>
    %dma_start3A_33 = tpu.memref_squeeze %dma_start3A_32 : memref<1x4x128xi32, #tpu.memory_space<vmem>> -> memref<4x128xi32, #tpu.memory_space<vmem>>
    %dma_start3A_34 = arith.constant 0 : i32
    %dma_start3A_35 = tpu.memref_slice %arg3[%add3A_22, %dma_start3A_34] : memref<25600x128xi32, #tpu.memory_space<hbm>> -> memref<4x128xi32, #tpu.memory_space<hbm>>
    tpu.enqueue_dma source(%dma_start3A_35 : memref<4x128xi32, #tpu.memory_space<hbm>>) target(%dma_start3A_33 : memref<4x128xi32, #tpu.memory_space<vmem>>) target_semaphore(%arg15 : memref<!tpu.dma_semaphore, #tpu.memory_space<semaphore_mem>>)
    %add3A_36 = arith.constant 8 : i32
    %add3A_37 = arith.addi %mul3A_2, %add3A_36 : i32
    %dma_start3A_38 = arith.constant 2 : i32
    %dma_start3A_39 = arith.constant 0 : i32
    %dma_start3A_40 = arith.constant 0 : i32
    %dma_start3A_41 = tpu.memref_slice %arg6[%dma_start3A_38, %dma_start3A_39, %dma_start3A_40] : memref<3x4x128xi32, #tpu.memory_space<vmem>> -> memref<1x4x128xi32, #tpu.memory_space<vmem>>
    %dma_start3A_42 = tpu.memref_squeeze %dma_start3A_41 : memref<1x4x128xi32, #tpu.memory_space<vmem>> -> memref<4x128xi32, #tpu.memory_space<vmem>>
    %dma_start3A_43 = arith.constant 0 : i32
    %dma_start3A_44 = tpu.memref_slice %arg3[%add3A_37, %dma_start3A_43] : memref<25600x128xi32, #tpu.memory_space<hbm>> -> memref<4x128xi32, #tpu.memory_space<hbm>>
    %dma_start3A_45 = arith.constant 0 : i32
    %dma_start3A_46 = arith.constant 0 : i32
    %dma_start3A_47 = tpu.memref_slice %arg6[%dma_start3A_38, %dma_start3A_45, %dma_start3A_46] : memref<3x4x128xi32, #tpu.memory_space<vmem>> -> memref<1x4x128xi32, #tpu.memory_space<vmem>>
    %dma_start3A_48 = tpu.memref_squeeze %dma_start3A_47 : memref<1x4x128xi32, #tpu.memory_space<vmem>> -> memref<4x128xi32, #tpu.memory_space<vmem>>
    %dma_start3A_49 = arith.constant 0 : i32
    %dma_start3A_50 = tpu.memref_slice %arg3[%add3A_37, %dma_start3A_49] : memref<25600x128xi32, #tpu.memory_space<hbm>> -> memref<4x128xi32, #tpu.memory_space<hbm>>
    tpu.enqueue_dma source(%dma_start3A_50 : memref<4x128xi32, #tpu.memory_space<hbm>>) target(%dma_start3A_48 : memref<4x128xi32, #tpu.memory_space<vmem>>) target_semaphore(%arg16 : memref<!tpu.dma_semaphore, #tpu.memory_space<semaphore_mem>>)
    %scan3A = arith.constant 0 : i32
    %scan3A_51 = arith.constant 0 : i32
    %scan3A_52 = arith.constant 67 : i32
    %scan3A_53 = arith.addi %scan3A_51, %scan3A_52 : i32
    %scan3A_54 = arith.constant 1 : i32
    scf.for %scan3A_112 = %scan3A_51 to %scan3A_53 step %scan3A_54  : i32 {
      %mul3A_113 = arith.constant 3 : i32
      %mul3A_114 = arith.muli %scan3A_112, %mul3A_113 : i32
      %add3A_115 = arith.constant 0 : i32
      %add3A_116 = arith.addi %mul3A_114, %add3A_115 : i32
      %lt3A = arith.constant 200 : i32
      %lt3A_117 = arith.cmpi slt, %add3A_116, %lt3A : i32
      %convert_element_type3A = arith.extui %lt3A_117 : i1 to i32
      %cond3A = arith.constant 0 : i32
      %cond3A_118 = arith.cmpi ne, %convert_element_type3A, %cond3A : i32
      scf.if %cond3A_118 {
        %ge3A = arith.constant 3 : i32
        %ge3A_137 = arith.cmpi sge, %add3A_116, %ge3A : i32
        %convert_element_type3A_138 = arith.extui %ge3A_137 : i1 to i32
        %cond3A_139 = arith.constant 0 : i32
        %cond3A_140 = arith.cmpi ne, %convert_element_type3A_138, %cond3A_139 : i32
        scf.if %cond3A_140 {
          %dma_wait3A_768 = arith.constant 0 : i32
          %dma_wait3A_769 = arith.constant 0 : i32
          %dma_wait3A_770 = arith.constant 0 : i32
          %dma_wait3A_771 = arith.constant 0 : i32
          %dma_wait3A_772 = tpu.memref_slice %arg7[%dma_wait3A_768, %dma_wait3A_769, %dma_wait3A_770, %dma_wait3A_771] : memref<3x4x128x64xf32, #tpu.memory_space<vmem>> -> memref<1x4x128x64xf32, #tpu.memory_space<vmem>>
          %dma_wait3A_773 = tpu.memref_squeeze %dma_wait3A_772 : memref<1x4x128x64xf32, #tpu.memory_space<vmem>> -> memref<4x128x64xf32, #tpu.memory_space<vmem>>
          %dma_wait3A_774 = arith.constant 0 : i32
          %dma_wait3A_775 = arith.constant 0 : i32
          %dma_wait3A_776 = arith.constant 0 : i32
          %dma_wait3A_777 = tpu.memref_slice %arg4[%dma_wait3A_774, %dma_wait3A_775, %dma_wait3A_776] : memref<25600x128x64xf32, #tpu.memory_space<hbm>> -> memref<4x128x64xf32, #tpu.memory_space<hbm>>
          %dma_wait3A_778 = arith.constant 0 : i32
          %dma_wait3A_779 = arith.constant 0 : i32
          %dma_wait3A_780 = arith.constant 0 : i32
          %dma_wait3A_781 = tpu.memref_slice %arg7[%dma_wait3A_768, %dma_wait3A_778, %dma_wait3A_779, %dma_wait3A_780] : memref<3x4x128x64xf32, #tpu.memory_space<vmem>> -> memref<1x4x128x64xf32, #tpu.memory_space<vmem>>
          %dma_wait3A_782 = tpu.memref_squeeze %dma_wait3A_781 : memref<1x4x128x64xf32, #tpu.memory_space<vmem>> -> memref<4x128x64xf32, #tpu.memory_space<vmem>>
          %dma_wait3A_783 = arith.constant 0 : i32
          %dma_wait3A_784 = arith.constant 0 : i32
          %dma_wait3A_785 = arith.constant 0 : i32
          %dma_wait3A_786 = tpu.memref_slice %arg4[%dma_wait3A_783, %dma_wait3A_784, %dma_wait3A_785] : memref<25600x128x64xf32, #tpu.memory_space<hbm>> -> memref<4x128x64xf32, #tpu.memory_space<hbm>>
          tpu.wait_dma2 semaphore(%arg11 : memref<!tpu.dma_semaphore, #tpu.memory_space<semaphore_mem>>) src(%dma_wait3A_786 : memref<4x128x64xf32, #tpu.memory_space<hbm>>) dst(%dma_wait3A_782 : memref<4x128x64xf32, #tpu.memory_space<vmem>>)
        } else {
        }
        %dma_wait3A_141 = arith.constant 0 : i32
        %dma_wait3A_142 = arith.constant 0 : i32
        %dma_wait3A_143 = arith.constant 0 : i32
        %dma_wait3A_144 = tpu.memref_slice %arg6[%dma_wait3A_141, %dma_wait3A_142, %dma_wait3A_143] : memref<3x4x128xi32, #tpu.memory_space<vmem>> -> memref<1x4x128xi32, #tpu.memory_space<vmem>>
        %dma_wait3A_145 = tpu.memref_squeeze %dma_wait3A_144 : memref<1x4x128xi32, #tpu.memory_space<vmem>> -> memref<4x128xi32, #tpu.memory_space<vmem>>
        %dma_wait3A_146 = arith.constant 0 : i32
        %dma_wait3A_147 = arith.constant 0 : i32
        %dma_wait3A_148 = tpu.memref_slice %arg3[%dma_wait3A_146, %dma_wait3A_147] : memref<25600x128xi32, #tpu.memory_space<hbm>> -> memref<4x128xi32, #tpu.memory_space<hbm>>
        %dma_wait3A_149 = arith.constant 0 : i32
        %dma_wait3A_150 = arith.constant 0 : i32
        %dma_wait3A_151 = tpu.memref_slice %arg6[%dma_wait3A_141, %dma_wait3A_149, %dma_wait3A_150] : memref<3x4x128xi32, #tpu.memory_space<vmem>> -> memref<1x4x128xi32, #tpu.memory_space<vmem>>
        %dma_wait3A_152 = tpu.memref_squeeze %dma_wait3A_151 : memref<1x4x128xi32, #tpu.memory_space<vmem>> -> memref<4x128xi32, #tpu.memory_space<vmem>>
        %dma_wait3A_153 = arith.constant 0 : i32
        %dma_wait3A_154 = arith.constant 0 : i32
        %dma_wait3A_155 = tpu.memref_slice %arg3[%dma_wait3A_153, %dma_wait3A_154] : memref<25600x128xi32, #tpu.memory_space<hbm>> -> memref<4x128xi32, #tpu.memory_space<hbm>>
        tpu.wait_dma2 semaphore(%arg14 : memref<!tpu.dma_semaphore, #tpu.memory_space<semaphore_mem>>) src(%dma_wait3A_155 : memref<4x128xi32, #tpu.memory_space<hbm>>) dst(%dma_wait3A_152 : memref<4x128xi32, #tpu.memory_space<vmem>>)
        %get3A = arith.constant 0 : i32
        %get3A_156 = arith.constant 0 : i32
        %get3A_157 = arith.index_cast %get3A : i32 to index
        %get3A_158 = arith.index_cast %get3A_156 : i32 to index
        %get3A_159 = arith.constant 0 : index
        %get3A_160 = tpu.vector_load %arg6[%get3A_157, %get3A_158, %get3A_159] {strides = array<i32>} : memref<3x4x128xi32, #tpu.memory_space<vmem>>, vector<1x1x16xi32>,
        %get3A_161 = vector.shape_cast %get3A_160 : vector<1x1x16xi32> to vector<16xi32>
        %add3A_162 = arith.addi %get3A_161, %broadcast_in_dim3A : vector<16xi32>
        %swap3A = arith.constant 0 : i32
        %swap3A_163 = arith.constant 0 : i32
        %swap3A_164 = arith.index_cast %swap3A : i32 to index
        %swap3A_165 = arith.index_cast %swap3A_163 : i32 to index
        %swap3A_166 = arith.constant 0 : index
        %swap3A_167 = tpu.vector_load %arg6[%swap3A_164, %swap3A_165, %swap3A_166] {strides = array<i32>} : memref<3x4x128xi32, #tpu.memory_space<vmem>>, vector<1x1x16xi32>,
        %swap3A_168 = vector.shape_cast %swap3A_167 : vector<1x1x16xi32> to vector<16xi32>
        %swap3A_169 = vector.shape_cast %add3A_162 : vector<16xi32> to vector<1x1x16xi32>
        tpu.vector_store %arg6[%swap3A_164, %swap3A_165, %swap3A_166], %swap3A_169 {strides = array<i32>} : memref<3x4x128xi32, #tpu.memory_space<vmem>>, vector<1x1x16xi32>,
        %get3A_170 = arith.constant 0 : i32
        %get3A_171 = arith.constant 0 : i32
        %get3A_172 = arith.index_cast %get3A_170 : i32 to index
        %get3A_173 = arith.index_cast %get3A_171 : i32 to index
        %get3A_174 = arith.constant 16 : index
        %get3A_175 = tpu.vector_load %arg6[%get3A_172, %get3A_173, %get3A_174] {strides = array<i32>} : memref<3x4x128xi32, #tpu.memory_space<vmem>>, vector<1x1x16xi32>,
        %get3A_176 = vector.shape_cast %get3A_175 : vector<1x1x16xi32> to vector<16xi32>
        %add3A_177 = arith.addi %get3A_176, %broadcast_in_dim3A : vector<16xi32>
        %swap3A_178 = arith.constant 0 : i32
        %swap3A_179 = arith.constant 0 : i32
        %swap3A_180 = arith.index_cast %swap3A_178 : i32 to index
        %swap3A_181 = arith.index_cast %swap3A_179 : i32 to index
        %swap3A_182 = arith.constant 16 : index
        %swap3A_183 = tpu.vector_load %arg6[%swap3A_180, %swap3A_181, %swap3A_182] {strides = array<i32>} : memref<3x4x128xi32, #tpu.memory_space<vmem>>, vector<1x1x16xi32>,
        %swap3A_184 = vector.shape_cast %swap3A_183 : vector<1x1x16xi32> to vector<16xi32>
        %swap3A_185 = vector.shape_cast %add3A_177 : vector<16xi32> to vector<1x1x16xi32>
        tpu.vector_store %arg6[%swap3A_180, %swap3A_181, %swap3A_182], %swap3A_185 {strides = array<i32>} : memref<3x4x128xi32, #tpu.memory_space<vmem>>, vector<1x1x16xi32>,
        %get3A_186 = arith.constant 0 : i32
        %get3A_187 = arith.constant 0 : i32
        %get3A_188 = arith.index_cast %get3A_186 : i32 to index
        %get3A_189 = arith.index_cast %get3A_187 : i32 to index
        %get3A_190 = arith.constant 32 : index
        %get3A_191 = tpu.vector_load %arg6[%get3A_188, %get3A_189, %get3A_190] {strides = array<i32>} : memref<3x4x128xi32, #tpu.memory_space<vmem>>, vector<1x1x16xi32>,
        %get3A_192 = vector.shape_cast %get3A_191 : vector<1x1x16xi32> to vector<16xi32>
        %add3A_193 = arith.addi %get3A_192, %broadcast_in_dim3A : vector<16xi32>
        %swap3A_194 = arith.constant 0 : i32
        %swap3A_195 = arith.constant 0 : i32
        %swap3A_196 = arith.index_cast %swap3A_194 : i32 to index
        %swap3A_197 = arith.index_cast %swap3A_195 : i32 to index
        %swap3A_198 = arith.constant 32 : index
        %swap3A_199 = tpu.vector_load %arg6[%swap3A_196, %swap3A_197, %swap3A_198] {strides = array<i32>} : memref<3x4x128xi32, #tpu.memory_space<vmem>>, vector<1x1x16xi32>,
        %swap3A_200 = vector.shape_cast %swap3A_199 : vector<1x1x16xi32> to vector<16xi32>
        %swap3A_201 = vector.shape_cast %add3A_193 : vector<16xi32> to vector<1x1x16xi32>
        tpu.vector_store %arg6[%swap3A_196, %swap3A_197, %swap3A_198], %swap3A_201 {strides = array<i32>} : memref<3x4x128xi32, #tpu.memory_space<vmem>>, vector<1x1x16xi32>,
        %get3A_202 = arith.constant 0 : i32
        %get3A_203 = arith.constant 0 : i32
        %get3A_204 = arith.index_cast %get3A_202 : i32 to index
        %get3A_205 = arith.index_cast %get3A_203 : i32 to index
        %get3A_206 = arith.constant 48 : index
        %get3A_207 = tpu.vector_load %arg6[%get3A_204, %get3A_205, %get3A_206] {strides = array<i32>} : memref<3x4x128xi32, #tpu.memory_space<vmem>>, vector<1x1x16xi32>,
        %get3A_208 = vector.shape_cast %get3A_207 : vector<1x1x16xi32> to vector<16xi32>
        %add3A_209 = arith.addi %get3A_208, %broadcast_in_dim3A : vector<16xi32>
        %swap3A_210 = arith.constant 0 : i32
        %swap3A_211 = arith.constant 0 : i32
        %swap3A_212 = arith.index_cast %swap3A_210 : i32 to index
        %swap3A_213 = arith.index_cast %swap3A_211 : i32 to index
        %swap3A_214 = arith.constant 48 : index
        %swap3A_215 = tpu.vector_load %arg6[%swap3A_212, %swap3A_213, %swap3A_214] {strides = array<i32>} : memref<3x4x128xi32, #tpu.memory_space<vmem>>, vector<1x1x16xi32>,
        %swap3A_216 = vector.shape_cast %swap3A_215 : vector<1x1x16xi32> to vector<16xi32>
        %swap3A_217 = vector.shape_cast %add3A_209 : vector<16xi32> to vector<1x1x16xi32>
        tpu.vector_store %arg6[%swap3A_212, %swap3A_213, %swap3A_214], %swap3A_217 {strides = array<i32>} : memref<3x4x128xi32, #tpu.memory_space<vmem>>, vector<1x1x16xi32>,
        %get3A_218 = arith.constant 0 : i32
        %get3A_219 = arith.constant 0 : i32
        %get3A_220 = arith.index_cast %get3A_218 : i32 to index
        %get3A_221 = arith.index_cast %get3A_219 : i32 to index
        %get3A_222 = arith.constant 64 : index
        %get3A_223 = tpu.vector_load %arg6[%get3A_220, %get3A_221, %get3A_222] {strides = array<i32>} : memref<3x4x128xi32, #tpu.memory_space<vmem>>, vector<1x1x16xi32>,
        %get3A_224 = vector.shape_cast %get3A_223 : vector<1x1x16xi32> to vector<16xi32>
        %add3A_225 = arith.addi %get3A_224, %broadcast_in_dim3A : vector<16xi32>
        %swap3A_226 = arith.constant 0 : i32
        %swap3A_227 = arith.constant 0 : i32
        %swap3A_228 = arith.index_cast %swap3A_226 : i32 to index
        %swap3A_229 = arith.index_cast %swap3A_227 : i32 to index
        %swap3A_230 = arith.constant 64 : index
        %swap3A_231 = tpu.vector_load %arg6[%swap3A_228, %swap3A_229, %swap3A_230] {strides = array<i32>} : memref<3x4x128xi32, #tpu.memory_space<vmem>>, vector<1x1x16xi32>,
        %swap3A_232 = vector.shape_cast %swap3A_231 : vector<1x1x16xi32> to vector<16xi32>
        %swap3A_233 = vector.shape_cast %add3A_225 : vector<16xi32> to vector<1x1x16xi32>
        tpu.vector_store %arg6[%swap3A_228, %swap3A_229, %swap3A_230], %swap3A_233 {strides = array<i32>} : memref<3x4x128xi32, #tpu.memory_space<vmem>>, vector<1x1x16xi32>,
        %get3A_234 = arith.constant 0 : i32
        %get3A_235 = arith.constant 0 : i32
        %get3A_236 = arith.index_cast %get3A_234 : i32 to index
        %get3A_237 = arith.index_cast %get3A_235 : i32 to index
        %get3A_238 = arith.constant 80 : index
        %get3A_239 = tpu.vector_load %arg6[%get3A_236, %get3A_237, %get3A_238] {strides = array<i32>} : memref<3x4x128xi32, #tpu.memory_space<vmem>>, vector<1x1x16xi32>,
        %get3A_240 = vector.shape_cast %get3A_239 : vector<1x1x16xi32> to vector<16xi32>
        %add3A_241 = arith.addi %get3A_240, %broadcast_in_dim3A : vector<16xi32>
        %swap3A_242 = arith.constant 0 : i32
        %swap3A_243 = arith.constant 0 : i32
        %swap3A_244 = arith.index_cast %swap3A_242 : i32 to index
        %swap3A_245 = arith.index_cast %swap3A_243 : i32 to index
        %swap3A_246 = arith.constant 80 : index
        %swap3A_247 = tpu.vector_load %arg6[%swap3A_244, %swap3A_245, %swap3A_246] {strides = array<i32>} : memref<3x4x128xi32, #tpu.memory_space<vmem>>, vector<1x1x16xi32>,
        %swap3A_248 = vector.shape_cast %swap3A_247 : vector<1x1x16xi32> to vector<16xi32>
        %swap3A_249 = vector.shape_cast %add3A_241 : vector<16xi32> to vector<1x1x16xi32>
        tpu.vector_store %arg6[%swap3A_244, %swap3A_245, %swap3A_246], %swap3A_249 {strides = array<i32>} : memref<3x4x128xi32, #tpu.memory_space<vmem>>, vector<1x1x16xi32>,
        %get3A_250 = arith.constant 0 : i32
        %get3A_251 = arith.constant 0 : i32
        %get3A_252 = arith.index_cast %get3A_250 : i32 to index
        %get3A_253 = arith.index_cast %get3A_251 : i32 to index
        %get3A_254 = arith.constant 96 : index
        %get3A_255 = tpu.vector_load %arg6[%get3A_252, %get3A_253, %get3A_254] {strides = array<i32>} : memref<3x4x128xi32, #tpu.memory_space<vmem>>, vector<1x1x16xi32>,
        %get3A_256 = vector.shape_cast %get3A_255 : vector<1x1x16xi32> to vector<16xi32>
        %add3A_257 = arith.addi %get3A_256, %broadcast_in_dim3A : vector<16xi32>
        %swap3A_258 = arith.constant 0 : i32
        %swap3A_259 = arith.constant 0 : i32
        %swap3A_260 = arith.index_cast %swap3A_258 : i32 to index
        %swap3A_261 = arith.index_cast %swap3A_259 : i32 to index
        %swap3A_262 = arith.constant 96 : index
        %swap3A_263 = tpu.vector_load %arg6[%swap3A_260, %swap3A_261, %swap3A_262] {strides = array<i32>} : memref<3x4x128xi32, #tpu.memory_space<vmem>>, vector<1x1x16xi32>,
        %swap3A_264 = vector.shape_cast %swap3A_263 : vector<1x1x16xi32> to vector<16xi32>
        %swap3A_265 = vector.shape_cast %add3A_257 : vector<16xi32> to vector<1x1x16xi32>
        tpu.vector_store %arg6[%swap3A_260, %swap3A_261, %swap3A_262], %swap3A_265 {strides = array<i32>} : memref<3x4x128xi32, #tpu.memory_space<vmem>>, vector<1x1x16xi32>,
        %get3A_266 = arith.constant 0 : i32
        %get3A_267 = arith.constant 0 : i32
        %get3A_268 = arith.index_cast %get3A_266 : i32 to index
        %get3A_269 = arith.index_cast %get3A_267 : i32 to index
        %get3A_270 = arith.constant 112 : index
        %get3A_271 = tpu.vector_load %arg6[%get3A_268, %get3A_269, %get3A_270] {strides = array<i32>} : memref<3x4x128xi32, #tpu.memory_space<vmem>>, vector<1x1x16xi32>,
        %get3A_272 = vector.shape_cast %get3A_271 : vector<1x1x16xi32> to vector<16xi32>
        %add3A_273 = arith.addi %get3A_272, %broadcast_in_dim3A : vector<16xi32>
        %swap3A_274 = arith.constant 0 : i32
        %swap3A_275 = arith.constant 0 : i32
        %swap3A_276 = arith.index_cast %swap3A_274 : i32 to index
        %swap3A_277 = arith.index_cast %swap3A_275 : i32 to index
        %swap3A_278 = arith.constant 112 : index
        %swap3A_279 = tpu.vector_load %arg6[%swap3A_276, %swap3A_277, %swap3A_278] {strides = array<i32>} : memref<3x4x128xi32, #tpu.memory_space<vmem>>, vector<1x1x16xi32>,
        %swap3A_280 = vector.shape_cast %swap3A_279 : vector<1x1x16xi32> to vector<16xi32>
        %swap3A_281 = vector.shape_cast %add3A_273 : vector<16xi32> to vector<1x1x16xi32>
        tpu.vector_store %arg6[%swap3A_276, %swap3A_277, %swap3A_278], %swap3A_281 {strides = array<i32>} : memref<3x4x128xi32, #tpu.memory_space<vmem>>, vector<1x1x16xi32>,
        %dma_start3A_282 = arith.constant 0 : i32
        %dma_start3A_283 = arith.constant 0 : i32
        %dma_start3A_284 = arith.constant 0 : i32
        %dma_start3A_285 = arith.constant 0 : i32
        %dma_start3A_286 = arith.constant 0 : i32
        %dma_start3A_287 = arith.constant 0 : i32
        %dma_start3A_288 = tpu.memref_slice %arg7[%dma_start3A_284, %dma_start3A_285, %dma_start3A_286, %dma_start3A_287] : memref<3x4x128x64xf32, #tpu.memory_space<vmem>> -> memref<1x1x128x64xf32, #tpu.memory_space<vmem>>
        %dma_start3A_289 = tpu.memref_squeeze %dma_start3A_288 : memref<1x1x128x64xf32, #tpu.memory_space<vmem>> -> memref<128x64xf32, #tpu.memory_space<vmem>>
        %dma_start3A_290 = arith.constant 0 : i32
        %dma_start3A_291 = tpu.memref_slice %arg6[%dma_start3A_282, %dma_start3A_283, %dma_start3A_290] : memref<3x4x128xi32, #tpu.memory_space<vmem>> -> memref<1x1x128xi32, #tpu.memory_space<vmem>>
        %dma_start3A_292 = tpu.memref_squeeze %dma_start3A_291 : memref<1x1x128xi32, #tpu.memory_space<vmem>> -> memref<128xi32, #tpu.memory_space<vmem>>
        %dma_start3A_293 = arith.constant 0 : i32
        %dma_start3A_294 = arith.constant 0 : i32
        %dma_start3A_295 = tpu.memref_slice %arg5[%dma_start3A_293, %dma_start3A_294] : memref<320x64xf32, #tpu.memory_space<vmem_shared>> -> memref<320x64xf32, #tpu.memory_space<vmem_shared>>
        tpu.enqueue_indirect_dma source(%dma_start3A_295 : memref<320x64xf32, #tpu.memory_space<vmem_shared>>) target(%dma_start3A_289 : memref<128x64xf32, #tpu.memory_space<vmem>>) offsets(%dma_start3A_292 : memref<128xi32, #tpu.memory_space<vmem>>) semaphore(%arg8 : memref<!tpu.dma_semaphore, #tpu.memory_space<semaphore_mem>>)
        %get3A_296 = arith.constant 0 : i32
        %get3A_297 = arith.constant 1 : i32
        %get3A_298 = arith.index_cast %get3A_296 : i32 to index
        %get3A_299 = arith.index_cast %get3A_297 : i32 to index
        %get3A_300 = arith.constant 0 : index
        %get3A_301 = tpu.vector_load %arg6[%get3A_298, %get3A_299, %get3A_300] {strides = array<i32>} : memref<3x4x128xi32, #tpu.memory_space<vmem>>, vector<1x1x16xi32>,
        %get3A_302 = vector.shape_cast %get3A_301 : vector<1x1x16xi32> to vector<16xi32>
        %add3A_303 = arith.addi %get3A_302, %broadcast_in_dim3A : vector<16xi32>
        %swap3A_304 = arith.constant 0 : i32
        %swap3A_305 = arith.constant 1 : i32
        %swap3A_306 = arith.index_cast %swap3A_304 : i32 to index
        %swap3A_307 = arith.index_cast %swap3A_305 : i32 to index
        %swap3A_308 = arith.constant 0 : index
        %swap3A_309 = tpu.vector_load %arg6[%swap3A_306, %swap3A_307, %swap3A_308] {strides = array<i32>} : memref<3x4x128xi32, #tpu.memory_space<vmem>>, vector<1x1x16xi32>,
        %swap3A_310 = vector.shape_cast %swap3A_309 : vector<1x1x16xi32> to vector<16xi32>
        %swap3A_311 = vector.shape_cast %add3A_303 : vector<16xi32> to vector<1x1x16xi32>
        tpu.vector_store %arg6[%swap3A_306, %swap3A_307, %swap3A_308], %swap3A_311 {strides = array<i32>} : memref<3x4x128xi32, #tpu.memory_space<vmem>>, vector<1x1x16xi32>,
        %get3A_312 = arith.constant 0 : i32
        %get3A_313 = arith.constant 1 : i32
        %get3A_314 = arith.index_cast %get3A_312 : i32 to index
        %get3A_315 = arith.index_cast %get3A_313 : i32 to index
        %get3A_316 = arith.constant 16 : index
        %get3A_317 = tpu.vector_load %arg6[%get3A_314, %get3A_315, %get3A_316] {strides = array<i32>} : memref<3x4x128xi32, #tpu.memory_space<vmem>>, vector<1x1x16xi32>,
        %get3A_318 = vector.shape_cast %get3A_317 : vector<1x1x16xi32> to vector<16xi32>
        %add3A_319 = arith.addi %get3A_318, %broadcast_in_dim3A : vector<16xi32>
        %swap3A_320 = arith.constant 0 : i32
        %swap3A_321 = arith.constant 1 : i32
        %swap3A_322 = arith.index_cast %swap3A_320 : i32 to index
        %swap3A_323 = arith.index_cast %swap3A_321 : i32 to index
        %swap3A_324 = arith.constant 16 : index
        %swap3A_325 = tpu.vector_load %arg6[%swap3A_322, %swap3A_323, %swap3A_324] {strides = array<i32>} : memref<3x4x128xi32, #tpu.memory_space<vmem>>, vector<1x1x16xi32>,
        %swap3A_326 = vector.shape_cast %swap3A_325 : vector<1x1x16xi32> to vector<16xi32>
        %swap3A_327 = vector.shape_cast %add3A_319 : vector<16xi32> to vector<1x1x16xi32>
        tpu.vector_store %arg6[%swap3A_322, %swap3A_323, %swap3A_324], %swap3A_327 {strides = array<i32>} : memref<3x4x128xi32, #tpu.memory_space<vmem>>, vector<1x1x16xi32>,
        %get3A_328 = arith.constant 0 : i32
        %get3A_329 = arith.constant 1 : i32
        %get3A_330 = arith.index_cast %get3A_328 : i32 to index
        %get3A_331 = arith.index_cast %get3A_329 : i32 to index
        %get3A_332 = arith.constant 32 : index
        %get3A_333 = tpu.vector_load %arg6[%get3A_330, %get3A_331, %get3A_332] {strides = array<i32>} : memref<3x4x128xi32, #tpu.memory_space<vmem>>, vector<1x1x16xi32>,
        %get3A_334 = vector.shape_cast %get3A_333 : vector<1x1x16xi32> to vector<16xi32>
        %add3A_335 = arith.addi %get3A_334, %broadcast_in_dim3A : vector<16xi32>
        %swap3A_336 = arith.constant 0 : i32
        %swap3A_337 = arith.constant 1 : i32
        %swap3A_338 = arith.index_cast %swap3A_336 : i32 to index
        %swap3A_339 = arith.index_cast %swap3A_337 : i32 to index
        %swap3A_340 = arith.constant 32 : index
        %swap3A_341 = tpu.vector_load %arg6[%swap3A_338, %swap3A_339, %swap3A_340] {strides = array<i32>} : memref<3x4x128xi32, #tpu.memory_space<vmem>>, vector<1x1x16xi32>,
        %swap3A_342 = vector.shape_cast %swap3A_341 : vector<1x1x16xi32> to vector<16xi32>
        %swap3A_343 = vector.shape_cast %add3A_335 : vector<16xi32> to vector<1x1x16xi32>
        tpu.vector_store %arg6[%swap3A_338, %swap3A_339, %swap3A_340], %swap3A_343 {strides = array<i32>} : memref<3x4x128xi32, #tpu.memory_space<vmem>>, vector<1x1x16xi32>,
        %get3A_344 = arith.constant 0 : i32
        %get3A_345 = arith.constant 1 : i32
        %get3A_346 = arith.index_cast %get3A_344 : i32 to index
        %get3A_347 = arith.index_cast %get3A_345 : i32 to index
        %get3A_348 = arith.constant 48 : index
        %get3A_349 = tpu.vector_load %arg6[%get3A_346, %get3A_347, %get3A_348] {strides = array<i32>} : memref<3x4x128xi32, #tpu.memory_space<vmem>>, vector<1x1x16xi32>,
        %get3A_350 = vector.shape_cast %get3A_349 : vector<1x1x16xi32> to vector<16xi32>
        %add3A_351 = arith.addi %get3A_350, %broadcast_in_dim3A : vector<16xi32>
        %swap3A_352 = arith.constant 0 : i32
        %swap3A_353 = arith.constant 1 : i32
        %swap3A_354 = arith.index_cast %swap3A_352 : i32 to index
        %swap3A_355 = arith.index_cast %swap3A_353 : i32 to index
        %swap3A_356 = arith.constant 48 : index
        %swap3A_357 = tpu.vector_load %arg6[%swap3A_354, %swap3A_355, %swap3A_356] {strides = array<i32>} : memref<3x4x128xi32, #tpu.memory_space<vmem>>, vector<1x1x16xi32>,
        %swap3A_358 = vector.shape_cast %swap3A_357 : vector<1x1x16xi32> to vector<16xi32>
        %swap3A_359 = vector.shape_cast %add3A_351 : vector<16xi32> to vector<1x1x16xi32>
        tpu.vector_store %arg6[%swap3A_354, %swap3A_355, %swap3A_356], %swap3A_359 {strides = array<i32>} : memref<3x4x128xi32, #tpu.memory_space<vmem>>, vector<1x1x16xi32>,
        %get3A_360 = arith.constant 0 : i32
        %get3A_361 = arith.constant 1 : i32
        %get3A_362 = arith.index_cast %get3A_360 : i32 to index
        %get3A_363 = arith.index_cast %get3A_361 : i32 to index
        %get3A_364 = arith.constant 64 : index
        %get3A_365 = tpu.vector_load %arg6[%get3A_362, %get3A_363, %get3A_364] {strides = array<i32>} : memref<3x4x128xi32, #tpu.memory_space<vmem>>, vector<1x1x16xi32>,
        %get3A_366 = vector.shape_cast %get3A_365 : vector<1x1x16xi32> to vector<16xi32>
        %add3A_367 = arith.addi %get3A_366, %broadcast_in_dim3A : vector<16xi32>
        %swap3A_368 = arith.constant 0 : i32
        %swap3A_369 = arith.constant 1 : i32
        %swap3A_370 = arith.index_cast %swap3A_368 : i32 to index
        %swap3A_371 = arith.index_cast %swap3A_369 : i32 to index
        %swap3A_372 = arith.constant 64 : index
        %swap3A_373 = tpu.vector_load %arg6[%swap3A_370, %swap3A_371, %swap3A_372] {strides = array<i32>} : memref<3x4x128xi32, #tpu.memory_space<vmem>>, vector<1x1x16xi32>,
        %swap3A_374 = vector.shape_cast %swap3A_373 : vector<1x1x16xi32> to vector<16xi32>
        %swap3A_375 = vector.shape_cast %add3A_367 : vector<16xi32> to vector<1x1x16xi32>
        tpu.vector_store %arg6[%swap3A_370, %swap3A_371, %swap3A_372], %swap3A_375 {strides = array<i32>} : memref<3x4x128xi32, #tpu.memory_space<vmem>>, vector<1x1x16xi32>,
        %get3A_376 = arith.constant 0 : i32
        %get3A_377 = arith.constant 1 : i32
        %get3A_378 = arith.index_cast %get3A_376 : i32 to index
        %get3A_379 = arith.index_cast %get3A_377 : i32 to index
        %get3A_380 = arith.constant 80 : index
        %get3A_381 = tpu.vector_load %arg6[%get3A_378, %get3A_379, %get3A_380] {strides = array<i32>} : memref<3x4x128xi32, #tpu.memory_space<vmem>>, vector<1x1x16xi32>,
        %get3A_382 = vector.shape_cast %get3A_381 : vector<1x1x16xi32> to vector<16xi32>
        %add3A_383 = arith.addi %get3A_382, %broadcast_in_dim3A : vector<16xi32>
        %swap3A_384 = arith.constant 0 : i32
        %swap3A_385 = arith.constant 1 : i32
        %swap3A_386 = arith.index_cast %swap3A_384 : i32 to index
        %swap3A_387 = arith.index_cast %swap3A_385 : i32 to index
        %swap3A_388 = arith.constant 80 : index
        %swap3A_389 = tpu.vector_load %arg6[%swap3A_386, %swap3A_387, %swap3A_388] {strides = array<i32>} : memref<3x4x128xi32, #tpu.memory_space<vmem>>, vector<1x1x16xi32>,
        %swap3A_390 = vector.shape_cast %swap3A_389 : vector<1x1x16xi32> to vector<16xi32>
        %swap3A_391 = vector.shape_cast %add3A_383 : vector<16xi32> to vector<1x1x16xi32>
        tpu.vector_store %arg6[%swap3A_386, %swap3A_387, %swap3A_388], %swap3A_391 {strides = array<i32>} : memref<3x4x128xi32, #tpu.memory_space<vmem>>, vector<1x1x16xi32>,
        %get3A_392 = arith.constant 0 : i32
        %get3A_393 = arith.constant 1 : i32
        %get3A_394 = arith.index_cast %get3A_392 : i32 to index
        %get3A_395 = arith.index_cast %get3A_393 : i32 to index
        %get3A_396 = arith.constant 96 : index
        %get3A_397 = tpu.vector_load %arg6[%get3A_394, %get3A_395, %get3A_396] {strides = array<i32>} : memref<3x4x128xi32, #tpu.memory_space<vmem>>, vector<1x1x16xi32>,
        %get3A_398 = vector.shape_cast %get3A_397 : vector<1x1x16xi32> to vector<16xi32>
        %add3A_399 = arith.addi %get3A_398, %broadcast_in_dim3A : vector<16xi32>
        %swap3A_400 = arith.constant 0 : i32
        %swap3A_401 = arith.constant 1 : i32
        %swap3A_402 = arith.index_cast %swap3A_400 : i32 to index
        %swap3A_403 = arith.index_cast %swap3A_401 : i32 to index
        %swap3A_404 = arith.constant 96 : index
        %swap3A_405 = tpu.vector_load %arg6[%swap3A_402, %swap3A_403, %swap3A_404] {strides = array<i32>} : memref<3x4x128xi32, #tpu.memory_space<vmem>>, vector<1x1x16xi32>,
        %swap3A_406 = vector.shape_cast %swap3A_405 : vector<1x1x16xi32> to vector<16xi32>
        %swap3A_407 = vector.shape_cast %add3A_399 : vector<16xi32> to vector<1x1x16xi32>
        tpu.vector_store %arg6[%swap3A_402, %swap3A_403, %swap3A_404], %swap3A_407 {strides = array<i32>} : memref<3x4x128xi32, #tpu.memory_space<vmem>>, vector<1x1x16xi32>,
        %get3A_408 = arith.constant 0 : i32
        %get3A_409 = arith.constant 1 : i32
        %get3A_410 = arith.index_cast %get3A_408 : i32 to index
        %get3A_411 = arith.index_cast %get3A_409 : i32 to index
        %get3A_412 = arith.constant 112 : index
        %get3A_413 = tpu.vector_load %arg6[%get3A_410, %get3A_411, %get3A_412] {strides = array<i32>} : memref<3x4x128xi32, #tpu.memory_space<vmem>>, vector<1x1x16xi32>,
        %get3A_414 = vector.shape_cast %get3A_413 : vector<1x1x16xi32> to vector<16xi32>
        %add3A_415 = arith.addi %get3A_414, %broadcast_in_dim3A : vector<16xi32>
        %swap3A_416 = arith.constant 0 : i32
        %swap3A_417 = arith.constant 1 : i32
        %swap3A_418 = arith.index_cast %swap3A_416 : i32 to index
        %swap3A_419 = arith.index_cast %swap3A_417 : i32 to index
        %swap3A_420 = arith.constant 112 : index
        %swap3A_421 = tpu.vector_load %arg6[%swap3A_418, %swap3A_419, %swap3A_420] {strides = array<i32>} : memref<3x4x128xi32, #tpu.memory_space<vmem>>, vector<1x1x16xi32>,
        %swap3A_422 = vector.shape_cast %swap3A_421 : vector<1x1x16xi32> to vector<16xi32>
        %swap3A_423 = vector.shape_cast %add3A_415 : vector<16xi32> to vector<1x1x16xi32>
        tpu.vector_store %arg6[%swap3A_418, %swap3A_419, %swap3A_420], %swap3A_423 {strides = array<i32>} : memref<3x4x128xi32, #tpu.memory_space<vmem>>, vector<1x1x16xi32>,
        %dma_start3A_424 = arith.constant 0 : i32
        %dma_start3A_425 = arith.constant 1 : i32
        %dma_start3A_426 = arith.constant 0 : i32
        %dma_start3A_427 = arith.constant 1 : i32
        %dma_start3A_428 = arith.constant 0 : i32
        %dma_start3A_429 = arith.constant 0 : i32
        %dma_start3A_430 = tpu.memref_slice %arg7[%dma_start3A_426, %dma_start3A_427, %dma_start3A_428, %dma_start3A_429] : memref<3x4x128x64xf32, #tpu.memory_space<vmem>> -> memref<1x1x128x64xf32, #tpu.memory_space<vmem>>
        %dma_start3A_431 = tpu.memref_squeeze %dma_start3A_430 : memref<1x1x128x64xf32, #tpu.memory_space<vmem>> -> memref<128x64xf32, #tpu.memory_space<vmem>>
        %dma_start3A_432 = arith.constant 0 : i32
        %dma_start3A_433 = tpu.memref_slice %arg6[%dma_start3A_424, %dma_start3A_425, %dma_start3A_432] : memref<3x4x128xi32, #tpu.memory_space<vmem>> -> memref<1x1x128xi32, #tpu.memory_space<vmem>>
        %dma_start3A_434 = tpu.memref_squeeze %dma_start3A_433 : memref<1x1x128xi32, #tpu.memory_space<vmem>> -> memref<128xi32, #tpu.memory_space<vmem>>
        %dma_start3A_435 = arith.constant 0 : i32
        %dma_start3A_436 = arith.constant 0 : i32
        %dma_start3A_437 = tpu.memref_slice %arg5[%dma_start3A_435, %dma_start3A_436] : memref<320x64xf32, #tpu.memory_space<vmem_shared>> -> memref<320x64xf32, #tpu.memory_space<vmem_shared>>
        tpu.enqueue_indirect_dma source(%dma_start3A_437 : memref<320x64xf32, #tpu.memory_space<vmem_shared>>) target(%dma_start3A_431 : memref<128x64xf32, #tpu.memory_space<vmem>>) offsets(%dma_start3A_434 : memref<128xi32, #tpu.memory_space<vmem>>) semaphore(%arg8 : memref<!tpu.dma_semaphore, #tpu.memory_space<semaphore_mem>>)
        %get3A_438 = arith.constant 0 : i32
        %get3A_439 = arith.constant 2 : i32
        %get3A_440 = arith.index_cast %get3A_438 : i32 to index
        %get3A_441 = arith.index_cast %get3A_439 : i32 to index
        %get3A_442 = arith.constant 0 : index
        %get3A_443 = tpu.vector_load %arg6[%get3A_440, %get3A_441, %get3A_442] {strides = array<i32>} : memref<3x4x128xi32, #tpu.memory_space<vmem>>, vector<1x1x16xi32>,
        %get3A_444 = vector.shape_cast %get3A_443 : vector<1x1x16xi32> to vector<16xi32>
        %add3A_445 = arith.addi %get3A_444, %broadcast_in_dim3A : vector<16xi32>
        %swap3A_446 = arith.constant 0 : i32
        %swap3A_447 = arith.constant 2 : i32
        %swap3A_448 = arith.index_cast %swap3A_446 : i32 to index
        %swap3A_449 = arith.index_cast %swap3A_447 : i32 to index
        %swap3A_450 = arith.constant 0 : index
        %swap3A_451 = tpu.vector_load %arg6[%swap3A_448, %swap3A_449, %swap3A_450] {strides = array<i32>} : memref<3x4x128xi32, #tpu.memory_space<vmem>>, vector<1x1x16xi32>,
        %swap3A_452 = vector.shape_cast %swap3A_451 : vector<1x1x16xi32> to vector<16xi32>
        %swap3A_453 = vector.shape_cast %add3A_445 : vector<16xi32> to vector<1x1x16xi32>
        tpu.vector_store %arg6[%swap3A_448, %swap3A_449, %swap3A_450], %swap3A_453 {strides = array<i32>} : memref<3x4x128xi32, #tpu.memory_space<vmem>>, vector<1x1x16xi32>,
        %get3A_454 = arith.constant 0 : i32
        %get3A_455 = arith.constant 2 : i32
        %get3A_456 = arith.index_cast %get3A_454 : i32 to index
        %get3A_457 = arith.index_cast %get3A_455 : i32 to index
        %get3A_458 = arith.constant 16 : index
        %get3A_459 = tpu.vector_load %arg6[%get3A_456, %get3A_457, %get3A_458] {strides = array<i32>} : memref<3x4x128xi32, #tpu.memory_space<vmem>>, vector<1x1x16xi32>,
        %get3A_460 = vector.shape_cast %get3A_459 : vector<1x1x16xi32> to vector<16xi32>
        %add3A_461 = arith.addi %get3A_460, %broadcast_in_dim3A : vector<16xi32>
        %swap3A_462 = arith.constant 0 : i32
        %swap3A_463 = arith.constant 2 : i32
        %swap3A_464 = arith.index_cast %swap3A_462 : i32 to index
        %swap3A_465 = arith.index_cast %swap3A_463 : i32 to index
        %swap3A_466 = arith.constant 16 : index
        %swap3A_467 = tpu.vector_load %arg6[%swap3A_464, %swap3A_465, %swap3A_466] {strides = array<i32>} : memref<3x4x128xi32, #tpu.memory_space<vmem>>, vector<1x1x16xi32>,
        %swap3A_468 = vector.shape_cast %swap3A_467 : vector<1x1x16xi32> to vector<16xi32>
        %swap3A_469 = vector.shape_cast %add3A_461 : vector<16xi32> to vector<1x1x16xi32>
        tpu.vector_store %arg6[%swap3A_464, %swap3A_465, %swap3A_466], %swap3A_469 {strides = array<i32>} : memref<3x4x128xi32, #tpu.memory_space<vmem>>, vector<1x1x16xi32>,
        %get3A_470 = arith.constant 0 : i32
        %get3A_471 = arith.constant 2 : i32
        %get3A_472 = arith.index_cast %get3A_470 : i32 to index
        %get3A_473 = arith.index_cast %get3A_471 : i32 to index
        %get3A_474 = arith.constant 32 : index
        %get3A_475 = tpu.vector_load %arg6[%get3A_472, %get3A_473, %get3A_474] {strides = array<i32>} : memref<3x4x128xi32, #tpu.memory_space<vmem>>, vector<1x1x16xi32>,
        %get3A_476 = vector.shape_cast %get3A_475 : vector<1x1x16xi32> to vector<16xi32>
        %add3A_477 = arith.addi %get3A_476, %broadcast_in_dim3A : vector<16xi32>
        %swap3A_478 = arith.constant 0 : i32
        %swap3A_479 = arith.constant 2 : i32
        %swap3A_480 = arith.index_cast %swap3A_478 : i32 to index
        %swap3A_481 = arith.index_cast %swap3A_479 : i32 to index
        %swap3A_482 = arith.constant 32 : index
        %swap3A_483 = tpu.vector_load %arg6[%swap3A_480, %swap3A_481, %swap3A_482] {strides = array<i32>} : memref<3x4x128xi32, #tpu.memory_space<vmem>>, vector<1x1x16xi32>,
        %swap3A_484 = vector.shape_cast %swap3A_483 : vector<1x1x16xi32> to vector<16xi32>
        %swap3A_485 = vector.shape_cast %add3A_477 : vector<16xi32> to vector<1x1x16xi32>
        tpu.vector_store %arg6[%swap3A_480, %swap3A_481, %swap3A_482], %swap3A_485 {strides = array<i32>} : memref<3x4x128xi32, #tpu.memory_space<vmem>>, vector<1x1x16xi32>,
        %get3A_486 = arith.constant 0 : i32
        %get3A_487 = arith.constant 2 : i32
        %get3A_488 = arith.index_cast %get3A_486 : i32 to index
        %get3A_489 = arith.index_cast %get3A_487 : i32 to index
        %get3A_490 = arith.constant 48 : index
        %get3A_491 = tpu.vector_load %arg6[%get3A_488, %get3A_489, %get3A_490] {strides = array<i32>} : memref<3x4x128xi32, #tpu.memory_space<vmem>>, vector<1x1x16xi32>,
        %get3A_492 = vector.shape_cast %get3A_491 : vector<1x1x16xi32> to vector<16xi32>
        %add3A_493 = arith.addi %get3A_492, %broadcast_in_dim3A : vector<16xi32>
        %swap3A_494 = arith.constant 0 : i32
        %swap3A_495 = arith.constant 2 : i32
        %swap3A_496 = arith.index_cast %swap3A_494 : i32 to index
        %swap3A_497 = arith.index_cast %swap3A_495 : i32 to index
        %swap3A_498 = arith.constant 48 : index
        %swap3A_499 = tpu.vector_load %arg6[%swap3A_496, %swap3A_497, %swap3A_498] {strides = array<i32>} : memref<3x4x128xi32, #tpu.memory_space<vmem>>, vector<1x1x16xi32>,
        %swap3A_500 = vector.shape_cast %swap3A_499 : vector<1x1x16xi32> to vector<16xi32>
        %swap3A_501 = vector.shape_cast %add3A_493 : vector<16xi32> to vector<1x1x16xi32>
        tpu.vector_store %arg6[%swap3A_496, %swap3A_497, %swap3A_498], %swap3A_501 {strides = array<i32>} : memref<3x4x128xi32, #tpu.memory_space<vmem>>, vector<1x1x16xi32>,
        %get3A_502 = arith.constant 0 : i32
        %get3A_503 = arith.constant 2 : i32
        %get3A_504 = arith.index_cast %get3A_502 : i32 to index
        %get3A_505 = arith.index_cast %get3A_503 : i32 to index
        %get3A_506 = arith.constant 64 : index
        %get3A_507 = tpu.vector_load %arg6[%get3A_504, %get3A_505, %get3A_506] {strides = array<i32>} : memref<3x4x128xi32, #tpu.memory_space<vmem>>, vector<1x1x16xi32>,
        %get3A_508 = vector.shape_cast %get3A_507 : vector<1x1x16xi32> to vector<16xi32>
        %add3A_509 = arith.addi %get3A_508, %broadcast_in_dim3A : vector<16xi32>
        %swap3A_510 = arith.constant 0 : i32
        %swap3A_511 = arith.constant 2 : i32
        %swap3A_512 = arith.index_cast %swap3A_510 : i32 to index
        %swap3A_513 = arith.index_cast %swap3A_511 : i32 to index
        %swap3A_514 = arith.constant 64 : index
        %swap3A_515 = tpu.vector_load %arg6[%swap3A_512, %swap3A_513, %swap3A_514] {strides = array<i32>} : memref<3x4x128xi32, #tpu.memory_space<vmem>>, vector<1x1x16xi32>,
        %swap3A_516 = vector.shape_cast %swap3A_515 : vector<1x1x16xi32> to vector<16xi32>
        %swap3A_517 = vector.shape_cast %add3A_509 : vector<16xi32> to vector<1x1x16xi32>
        tpu.vector_store %arg6[%swap3A_512, %swap3A_513, %swap3A_514], %swap3A_517 {strides = array<i32>} : memref<3x4x128xi32, #tpu.memory_space<vmem>>, vector<1x1x16xi32>,
        %get3A_518 = arith.constant 0 : i32
        %get3A_519 = arith.constant 2 : i32
        %get3A_520 = arith.index_cast %get3A_518 : i32 to index
        %get3A_521 = arith.index_cast %get3A_519 : i32 to index
        %get3A_522 = arith.constant 80 : index
        %get3A_523 = tpu.vector_load %arg6[%get3A_520, %get3A_521, %get3A_522] {strides = array<i32>} : memref<3x4x128xi32, #tpu.memory_space<vmem>>, vector<1x1x16xi32>,
        %get3A_524 = vector.shape_cast %get3A_523 : vector<1x1x16xi32> to vector<16xi32>
        %add3A_525 = arith.addi %get3A_524, %broadcast_in_dim3A : vector<16xi32>
        %swap3A_526 = arith.constant 0 : i32
        %swap3A_527 = arith.constant 2 : i32
        %swap3A_528 = arith.index_cast %swap3A_526 : i32 to index
        %swap3A_529 = arith.index_cast %swap3A_527 : i32 to index
        %swap3A_530 = arith.constant 80 : index
        %swap3A_531 = tpu.vector_load %arg6[%swap3A_528, %swap3A_529, %swap3A_530] {strides = array<i32>} : memref<3x4x128xi32, #tpu.memory_space<vmem>>, vector<1x1x16xi32>,
        %swap3A_532 = vector.shape_cast %swap3A_531 : vector<1x1x16xi32> to vector<16xi32>
        %swap3A_533 = vector.shape_cast %add3A_525 : vector<16xi32> to vector<1x1x16xi32>
        tpu.vector_store %arg6[%swap3A_528, %swap3A_529, %swap3A_530], %swap3A_533 {strides = array<i32>} : memref<3x4x128xi32, #tpu.memory_space<vmem>>, vector<1x1x16xi32>,
        %get3A_534 = arith.constant 0 : i32
        %get3A_535 = arith.constant 2 : i32
        %get3A_536 = arith.index_cast %get3A_534 : i32 to index
        %get3A_537 = arith.index_cast %get3A_535 : i32 to index
        %get3A_538 = arith.constant 96 : index
        %get3A_539 = tpu.vector_load %arg6[%get3A_536, %get3A_537, %get3A_538] {strides = array<i32>} : memref<3x4x128xi32, #tpu.memory_space<vmem>>, vector<1x1x16xi32>,
        %get3A_540 = vector.shape_cast %get3A_539 : vector<1x1x16xi32> to vector<16xi32>
        %add3A_541 = arith.addi %get3A_540, %broadcast_in_dim3A : vector<16xi32>
        %swap3A_542 = arith.constant 0 : i32
        %swap3A_543 = arith.constant 2 : i32
        %swap3A_544 = arith.index_cast %swap3A_542 : i32 to index
        %swap3A_545 = arith.index_cast %swap3A_543 : i32 to index
        %swap3A_546 = arith.constant 96 : index
        %swap3A_547 = tpu.vector_load %arg6[%swap3A_544, %swap3A_545, %swap3A_546] {strides = array<i32>} : memref<3x4x128xi32, #tpu.memory_space<vmem>>, vector<1x1x16xi32>,
        %swap3A_548 = vector.shape_cast %swap3A_547 : vector<1x1x16xi32> to vector<16xi32>
        %swap3A_549 = vector.shape_cast %add3A_541 : vector<16xi32> to vector<1x1x16xi32>
        tpu.vector_store %arg6[%swap3A_544, %swap3A_545, %swap3A_546], %swap3A_549 {strides = array<i32>} : memref<3x4x128xi32, #tpu.memory_space<vmem>>, vector<1x1x16xi32>,
        %get3A_550 = arith.constant 0 : i32
        %get3A_551 = arith.constant 2 : i32
        %get3A_552 = arith.index_cast %get3A_550 : i32 to index
        %get3A_553 = arith.index_cast %get3A_551 : i32 to index
        %get3A_554 = arith.constant 112 : index
        %get3A_555 = tpu.vector_load %arg6[%get3A_552, %get3A_553, %get3A_554] {strides = array<i32>} : memref<3x4x128xi32, #tpu.memory_space<vmem>>, vector<1x1x16xi32>,
        %get3A_556 = vector.shape_cast %get3A_555 : vector<1x1x16xi32> to vector<16xi32>
        %add3A_557 = arith.addi %get3A_556, %broadcast_in_dim3A : vector<16xi32>
        %swap3A_558 = arith.constant 0 : i32
        %swap3A_559 = arith.constant 2 : i32
        %swap3A_560 = arith.index_cast %swap3A_558 : i32 to index
        %swap3A_561 = arith.index_cast %swap3A_559 : i32 to index
        %swap3A_562 = arith.constant 112 : index
        %swap3A_563 = tpu.vector_load %arg6[%swap3A_560, %swap3A_561, %swap3A_562] {strides = array<i32>} : memref<3x4x128xi32, #tpu.memory_space<vmem>>, vector<1x1x16xi32>,
        %swap3A_564 = vector.shape_cast %swap3A_563 : vector<1x1x16xi32> to vector<16xi32>
        %swap3A_565 = vector.shape_cast %add3A_557 : vector<16xi32> to vector<1x1x16xi32>
        tpu.vector_store %arg6[%swap3A_560, %swap3A_561, %swap3A_562], %swap3A_565 {strides = array<i32>} : memref<3x4x128xi32, #tpu.memory_space<vmem>>, vector<1x1x16xi32>,
        %dma_start3A_566 = arith.constant 0 : i32
        %dma_start3A_567 = arith.constant 2 : i32
        %dma_start3A_568 = arith.constant 0 : i32
        %dma_start3A_569 = arith.constant 2 : i32
        %dma_start3A_570 = arith.constant 0 : i32
        %dma_start3A_571 = arith.constant 0 : i32
        %dma_start3A_572 = tpu.memref_slice %arg7[%dma_start3A_568, %dma_start3A_569, %dma_start3A_570, %dma_start3A_571] : memref<3x4x128x64xf32, #tpu.memory_space<vmem>> -> memref<1x1x128x64xf32, #tpu.memory_space<vmem>>
        %dma_start3A_573 = tpu.memref_squeeze %dma_start3A_572 : memref<1x1x128x64xf32, #tpu.memory_space<vmem>> -> memref<128x64xf32, #tpu.memory_space<vmem>>
        %dma_start3A_574 = arith.constant 0 : i32
        %dma_start3A_575 = tpu.memref_slice %arg6[%dma_start3A_566, %dma_start3A_567, %dma_start3A_574] : memref<3x4x128xi32, #tpu.memory_space<vmem>> -> memref<1x1x128xi32, #tpu.memory_space<vmem>>
        %dma_start3A_576 = tpu.memref_squeeze %dma_start3A_575 : memref<1x1x128xi32, #tpu.memory_space<vmem>> -> memref<128xi32, #tpu.memory_space<vmem>>
        %dma_start3A_577 = arith.constant 0 : i32
        %dma_start3A_578 = arith.constant 0 : i32
        %dma_start3A_579 = tpu.memref_slice %arg5[%dma_start3A_577, %dma_start3A_578] : memref<320x64xf32, #tpu.memory_space<vmem_shared>> -> memref<320x64xf32, #tpu.memory_space<vmem_shared>>
        tpu.enqueue_indirect_dma source(%dma_start3A_579 : memref<320x64xf32, #tpu.memory_space<vmem_shared>>) target(%dma_start3A_573 : memref<128x64xf32, #tpu.memory_space<vmem>>) offsets(%dma_start3A_576 : memref<128xi32, #tpu.memory_space<vmem>>) semaphore(%arg8 : memref<!tpu.dma_semaphore, #tpu.memory_space<semaphore_mem>>)
        %get3A_580 = arith.constant 0 : i32
        %get3A_581 = arith.constant 3 : i32
        %get3A_582 = arith.index_cast %get3A_580 : i32 to index
        %get3A_583 = arith.index_cast %get3A_581 : i32 to index
        %get3A_584 = arith.constant 0 : index
        %get3A_585 = tpu.vector_load %arg6[%get3A_582, %get3A_583, %get3A_584] {strides = array<i32>} : memref<3x4x128xi32, #tpu.memory_space<vmem>>, vector<1x1x16xi32>,
        %get3A_586 = vector.shape_cast %get3A_585 : vector<1x1x16xi32> to vector<16xi32>
        %add3A_587 = arith.addi %get3A_586, %broadcast_in_dim3A : vector<16xi32>
        %swap3A_588 = arith.constant 0 : i32
        %swap3A_589 = arith.constant 3 : i32
        %swap3A_590 = arith.index_cast %swap3A_588 : i32 to index
        %swap3A_591 = arith.index_cast %swap3A_589 : i32 to index
        %swap3A_592 = arith.constant 0 : index
        %swap3A_593 = tpu.vector_load %arg6[%swap3A_590, %swap3A_591, %swap3A_592] {strides = array<i32>} : memref<3x4x128xi32, #tpu.memory_space<vmem>>, vector<1x1x16xi32>,
        %swap3A_594 = vector.shape_cast %swap3A_593 : vector<1x1x16xi32> to vector<16xi32>
        %swap3A_595 = vector.shape_cast %add3A_587 : vector<16xi32> to vector<1x1x16xi32>
        tpu.vector_store %arg6[%swap3A_590, %swap3A_591, %swap3A_592], %swap3A_595 {strides = array<i32>} : memref<3x4x128xi32, #tpu.memory_space<vmem>>, vector<1x1x16xi32>,
        %get3A_596 = arith.constant 0 : i32
        %get3A_597 = arith.constant 3 : i32
        %get3A_598 = arith.index_cast %get3A_596 : i32 to index
        %get3A_599 = arith.index_cast %get3A_597 : i32 to index
        %get3A_600 = arith.constant 16 : index
        %get3A_601 = tpu.vector_load %arg6[%get3A_598, %get3A_599, %get3A_600] {strides = array<i32>} : memref<3x4x128xi32, #tpu.memory_space<vmem>>, vector<1x1x16xi32>,
        %get3A_602 = vector.shape_cast %get3A_601 : vector<1x1x16xi32> to vector<16xi32>
        %add3A_603 = arith.addi %get3A_602, %broadcast_in_dim3A : vector<16xi32>
        %swap3A_604 = arith.constant 0 : i32
        %swap3A_605 = arith.constant 3 : i32
        %swap3A_606 = arith.index_cast %swap3A_604 : i32 to index
        %swap3A_607 = arith.index_cast %swap3A_605 : i32 to index
        %swap3A_608 = arith.constant 16 : index
        %swap3A_609 = tpu.vector_load %arg6[%swap3A_606, %swap3A_607, %swap3A_608] {strides = array<i32>} : memref<3x4x128xi32, #tpu.memory_space<vmem>>, vector<1x1x16xi32>,
        %swap3A_610 = vector.shape_cast %swap3A_609 : vector<1x1x16xi32> to vector<16xi32>
        %swap3A_611 = vector.shape_cast %add3A_603 : vector<16xi32> to vector<1x1x16xi32>
        tpu.vector_store %arg6[%swap3A_606, %swap3A_607, %swap3A_608], %swap3A_611 {strides = array<i32>} : memref<3x4x128xi32, #tpu.memory_space<vmem>>, vector<1x1x16xi32>,
        %get3A_612 = arith.constant 0 : i32
        %get3A_613 = arith.constant 3 : i32
        %get3A_614 = arith.index_cast %get3A_612 : i32 to index
        %get3A_615 = arith.index_cast %get3A_613 : i32 to index
        %get3A_616 = arith.constant 32 : index
        %get3A_617 = tpu.vector_load %arg6[%get3A_614, %get3A_615, %get3A_616] {strides = array<i32>} : memref<3x4x128xi32, #tpu.memory_space<vmem>>, vector<1x1x16xi32>,
        %get3A_618 = vector.shape_cast %get3A_617 : vector<1x1x16xi32> to vector<16xi32>
        %add3A_619 = arith.addi %get3A_618, %broadcast_in_dim3A : vector<16xi32>
        %swap3A_620 = arith.constant 0 : i32
        %swap3A_621 = arith.constant 3 : i32
        %swap3A_622 = arith.index_cast %swap3A_620 : i32 to index
        %swap3A_623 = arith.index_cast %swap3A_621 : i32 to index
        %swap3A_624 = arith.constant 32 : index
        %swap3A_625 = tpu.vector_load %arg6[%swap3A_622, %swap3A_623, %swap3A_624] {strides = array<i32>} : memref<3x4x128xi32, #tpu.memory_space<vmem>>, vector<1x1x16xi32>,
        %swap3A_626 = vector.shape_cast %swap3A_625 : vector<1x1x16xi32> to vector<16xi32>
        %swap3A_627 = vector.shape_cast %add3A_619 : vector<16xi32> to vector<1x1x16xi32>
        tpu.vector_store %arg6[%swap3A_622, %swap3A_623, %swap3A_624], %swap3A_627 {strides = array<i32>} : memref<3x4x128xi32, #tpu.memory_space<vmem>>, vector<1x1x16xi32>,
        %get3A_628 = arith.constant 0 : i32
        %get3A_629 = arith.constant 3 : i32
        %get3A_630 = arith.index_cast %get3A_628 : i32 to index
        %get3A_631 = arith.index_cast %get3A_629 : i32 to index
        %get3A_632 = arith.constant 48 : index
        %get3A_633 = tpu.vector_load %arg6[%get3A_630, %get3A_631, %get3A_632] {strides = array<i32>} : memref<3x4x128xi32, #tpu.memory_space<vmem>>, vector<1x1x16xi32>,
        %get3A_634 = vector.shape_cast %get3A_633 : vector<1x1x16xi32> to vector<16xi32>
        %add3A_635 = arith.addi %get3A_634, %broadcast_in_dim3A : vector<16xi32>
        %swap3A_636 = arith.constant 0 : i32
        %swap3A_637 = arith.constant 3 : i32
        %swap3A_638 = arith.index_cast %swap3A_636 : i32 to index
        %swap3A_639 = arith.index_cast %swap3A_637 : i32 to index
        %swap3A_640 = arith.constant 48 : index
        %swap3A_641 = tpu.vector_load %arg6[%swap3A_638, %swap3A_639, %swap3A_640] {strides = array<i32>} : memref<3x4x128xi32, #tpu.memory_space<vmem>>, vector<1x1x16xi32>,
        %swap3A_642 = vector.shape_cast %swap3A_641 : vector<1x1x16xi32> to vector<16xi32>
        %swap3A_643 = vector.shape_cast %add3A_635 : vector<16xi32> to vector<1x1x16xi32>
        tpu.vector_store %arg6[%swap3A_638, %swap3A_639, %swap3A_640], %swap3A_643 {strides = array<i32>} : memref<3x4x128xi32, #tpu.memory_space<vmem>>, vector<1x1x16xi32>,
        %get3A_644 = arith.constant 0 : i32
        %get3A_645 = arith.constant 3 : i32
        %get3A_646 = arith.index_cast %get3A_644 : i32 to index
        %get3A_647 = arith.index_cast %get3A_645 : i32 to index
        %get3A_648 = arith.constant 64 : index
        %get3A_649 = tpu.vector_load %arg6[%get3A_646, %get3A_647, %get3A_648] {strides = array<i32>} : memref<3x4x128xi32, #tpu.memory_space<vmem>>, vector<1x1x16xi32>,
        %get3A_650 = vector.shape_cast %get3A_649 : vector<1x1x16xi32> to vector<16xi32>
        %add3A_651 = arith.addi %get3A_650, %broadcast_in_dim3A : vector<16xi32>
        %swap3A_652 = arith.constant 0 : i32
        %swap3A_653 = arith.constant 3 : i32
        %swap3A_654 = arith.index_cast %swap3A_652 : i32 to index
        %swap3A_655 = arith.index_cast %swap3A_653 : i32 to index
        %swap3A_656 = arith.constant 64 : index
        %swap3A_657 = tpu.vector_load %arg6[%swap3A_654, %swap3A_655, %swap3A_656] {strides = array<i32>} : memref<3x4x128xi32, #tpu.memory_space<vmem>>, vector<1x1x16xi32>,
        %swap3A_658 = vector.shape_cast %swap3A_657 : vector<1x1x16xi32> to vector<16xi32>
        %swap3A_659 = vector.shape_cast %add3A_651 : vector<16xi32> to vector<1x1x16xi32>
        tpu.vector_store %arg6[%swap3A_654, %swap3A_655, %swap3A_656], %swap3A_659 {strides = array<i32>} : memref<3x4x128xi32, #tpu.memory_space<vmem>>, vector<1x1x16xi32>,
        %get3A_660 = arith.constant 0 : i32
        %get3A_661 = arith.constant 3 : i32
        %get3A_662 = arith.index_cast %get3A_660 : i32 to index
        %get3A_663 = arith.index_cast %get3A_661 : i32 to index
        %get3A_664 = arith.constant 80 : index
        %get3A_665 = tpu.vector_load %arg6[%get3A_662, %get3A_663, %get3A_664] {strides = array<i32>} : memref<3x4x128xi32, #tpu.memory_space<vmem>>, vector<1x1x16xi32>,
        %get3A_666 = vector.shape_cast %get3A_665 : vector<1x1x16xi32> to vector<16xi32>
        %add3A_667 = arith.addi %get3A_666, %broadcast_in_dim3A : vector<16xi32>
        %swap3A_668 = arith.constant 0 : i32
        %swap3A_669 = arith.constant 3 : i32
        %swap3A_670 = arith.index_cast %swap3A_668 : i32 to index
        %swap3A_671 = arith.index_cast %swap3A_669 : i32 to index
        %swap3A_672 = arith.constant 80 : index
        %swap3A_673 = tpu.vector_load %arg6[%swap3A_670, %swap3A_671, %swap3A_672] {strides = array<i32>} : memref<3x4x128xi32, #tpu.memory_space<vmem>>, vector<1x1x16xi32>,
        %swap3A_674 = vector.shape_cast %swap3A_673 : vector<1x1x16xi32> to vector<16xi32>
        %swap3A_675 = vector.shape_cast %add3A_667 : vector<16xi32> to vector<1x1x16xi32>
        tpu.vector_store %arg6[%swap3A_670, %swap3A_671, %swap3A_672], %swap3A_675 {strides = array<i32>} : memref<3x4x128xi32, #tpu.memory_space<vmem>>, vector<1x1x16xi32>,
        %get3A_676 = arith.constant 0 : i32
        %get3A_677 = arith.constant 3 : i32
        %get3A_678 = arith.index_cast %get3A_676 : i32 to index
        %get3A_679 = arith.index_cast %get3A_677 : i32 to index
        %get3A_680 = arith.constant 96 : index
        %get3A_681 = tpu.vector_load %arg6[%get3A_678, %get3A_679, %get3A_680] {strides = array<i32>} : memref<3x4x128xi32, #tpu.memory_space<vmem>>, vector<1x1x16xi32>,
        %get3A_682 = vector.shape_cast %get3A_681 : vector<1x1x16xi32> to vector<16xi32>
        %add3A_683 = arith.addi %get3A_682, %broadcast_in_dim3A : vector<16xi32>
        %swap3A_684 = arith.constant 0 : i32
        %swap3A_685 = arith.constant 3 : i32
        %swap3A_686 = arith.index_cast %swap3A_684 : i32 to index
        %swap3A_687 = arith.index_cast %swap3A_685 : i32 to index
        %swap3A_688 = arith.constant 96 : index
        %swap3A_689 = tpu.vector_load %arg6[%swap3A_686, %swap3A_687, %swap3A_688] {strides = array<i32>} : memref<3x4x128xi32, #tpu.memory_space<vmem>>, vector<1x1x16xi32>,
        %swap3A_690 = vector.shape_cast %swap3A_689 : vector<1x1x16xi32> to vector<16xi32>
        %swap3A_691 = vector.shape_cast %add3A_683 : vector<16xi32> to vector<1x1x16xi32>
        tpu.vector_store %arg6[%swap3A_686, %swap3A_687, %swap3A_688], %swap3A_691 {strides = array<i32>} : memref<3x4x128xi32, #tpu.memory_space<vmem>>, vector<1x1x16xi32>,
        %get3A_692 = arith.constant 0 : i32
        %get3A_693 = arith.constant 3 : i32
        %get3A_694 = arith.index_cast %get3A_692 : i32 to index
        %get3A_695 = arith.index_cast %get3A_693 : i32 to index
        %get3A_696 = arith.constant 112 : index
        %get3A_697 = tpu.vector_load %arg6[%get3A_694, %get3A_695, %get3A_696] {strides = array<i32>} : memref<3x4x128xi32, #tpu.memory_space<vmem>>, vector<1x1x16xi32>,
        %get3A_698 = vector.shape_cast %get3A_697 : vector<1x1x16xi32> to vector<16xi32>
        %add3A_699 = arith.addi %get3A_698, %broadcast_in_dim3A : vector<16xi32>
        %swap3A_700 = arith.constant 0 : i32
        %swap3A_701 = arith.constant 3 : i32
        %swap3A_702 = arith.index_cast %swap3A_700 : i32 to index
        %swap3A_703 = arith.index_cast %swap3A_701 : i32 to index
        %swap3A_704 = arith.constant 112 : index
        %swap3A_705 = tpu.vector_load %arg6[%swap3A_702, %swap3A_703, %swap3A_704] {strides = array<i32>} : memref<3x4x128xi32, #tpu.memory_space<vmem>>, vector<1x1x16xi32>,
        %swap3A_706 = vector.shape_cast %swap3A_705 : vector<1x1x16xi32> to vector<16xi32>
        %swap3A_707 = vector.shape_cast %add3A_699 : vector<16xi32> to vector<1x1x16xi32>
        tpu.vector_store %arg6[%swap3A_702, %swap3A_703, %swap3A_704], %swap3A_707 {strides = array<i32>} : memref<3x4x128xi32, #tpu.memory_space<vmem>>, vector<1x1x16xi32>,
        %dma_start3A_708 = arith.constant 0 : i32
        %dma_start3A_709 = arith.constant 3 : i32
        %dma_start3A_710 = arith.constant 0 : i32
        %dma_start3A_711 = arith.constant 3 : i32
        %dma_start3A_712 = arith.constant 0 : i32
        %dma_start3A_713 = arith.constant 0 : i32
        %dma_start3A_714 = tpu.memref_slice %arg7[%dma_start3A_710, %dma_start3A_711, %dma_start3A_712, %dma_start3A_713] : memref<3x4x128x64xf32, #tpu.memory_space<vmem>> -> memref<1x1x128x64xf32, #tpu.memory_space<vmem>>
        %dma_start3A_715 = tpu.memref_squeeze %dma_start3A_714 : memref<1x1x128x64xf32, #tpu.memory_space<vmem>> -> memref<128x64xf32, #tpu.memory_space<vmem>>
        %dma_start3A_716 = arith.constant 0 : i32
        %dma_start3A_717 = tpu.memref_slice %arg6[%dma_start3A_708, %dma_start3A_709, %dma_start3A_716] : memref<3x4x128xi32, #tpu.memory_space<vmem>> -> memref<1x1x128xi32, #tpu.memory_space<vmem>>
        %dma_start3A_718 = tpu.memref_squeeze %dma_start3A_717 : memref<1x1x128xi32, #tpu.memory_space<vmem>> -> memref<128xi32, #tpu.memory_space<vmem>>
        %dma_start3A_719 = arith.constant 0 : i32
        %dma_start3A_720 = arith.constant 0 : i32
        %dma_start3A_721 = tpu.memref_slice %arg5[%dma_start3A_719, %dma_start3A_720] : memref<320x64xf32, #tpu.memory_space<vmem_shared>> -> memref<320x64xf32, #tpu.memory_space<vmem_shared>>
        tpu.enqueue_indirect_dma source(%dma_start3A_721 : memref<320x64xf32, #tpu.memory_space<vmem_shared>>) target(%dma_start3A_715 : memref<128x64xf32, #tpu.memory_space<vmem>>) offsets(%dma_start3A_718 : memref<128xi32, #tpu.memory_space<vmem>>) semaphore(%arg8 : memref<!tpu.dma_semaphore, #tpu.memory_space<semaphore_mem>>)
        %dma_wait3A_722 = arith.constant 0 : i32
        %dma_wait3A_723 = arith.constant 0 : i32
        %dma_wait3A_724 = arith.constant 0 : i32
        %dma_wait3A_725 = arith.constant 0 : i32
        %dma_wait3A_726 = tpu.memref_slice %arg7[%dma_wait3A_722, %dma_wait3A_723, %dma_wait3A_724, %dma_wait3A_725] : memref<3x4x128x64xf32, #tpu.memory_space<vmem>> -> memref<1x4x128x64xf32, #tpu.memory_space<vmem>>
        %dma_wait3A_727 = tpu.memref_squeeze %dma_wait3A_726 : memref<1x4x128x64xf32, #tpu.memory_space<vmem>> -> memref<4x128x64xf32, #tpu.memory_space<vmem>>
        %dma_wait3A_728 = arith.constant 0 : i32
        %dma_wait3A_729 = arith.constant 0 : i32
        %dma_wait3A_730 = arith.constant 0 : i32
        %dma_wait3A_731 = tpu.memref_slice %arg4[%dma_wait3A_728, %dma_wait3A_729, %dma_wait3A_730] : memref<25600x128x64xf32, #tpu.memory_space<hbm>> -> memref<4x128x64xf32, #tpu.memory_space<hbm>>
        %dma_wait3A_732 = arith.constant 0 : i32
        %dma_wait3A_733 = arith.constant 0 : i32
        %dma_wait3A_734 = arith.constant 0 : i32
        %dma_wait3A_735 = tpu.memref_slice %arg7[%dma_wait3A_722, %dma_wait3A_732, %dma_wait3A_733, %dma_wait3A_734] : memref<3x4x128x64xf32, #tpu.memory_space<vmem>> -> memref<1x4x128x64xf32, #tpu.memory_space<vmem>>
        %dma_wait3A_736 = tpu.memref_squeeze %dma_wait3A_735 : memref<1x4x128x64xf32, #tpu.memory_space<vmem>> -> memref<4x128x64xf32, #tpu.memory_space<vmem>>
        %dma_wait3A_737 = arith.constant 0 : i32
        %dma_wait3A_738 = arith.constant 0 : i32
        %dma_wait3A_739 = arith.constant 0 : i32
        %dma_wait3A_740 = tpu.memref_slice %arg4[%dma_wait3A_737, %dma_wait3A_738, %dma_wait3A_739] : memref<25600x128x64xf32, #tpu.memory_space<hbm>> -> memref<4x128x64xf32, #tpu.memory_space<hbm>>
        tpu.wait_dma2 semaphore(%arg8 : memref<!tpu.dma_semaphore, #tpu.memory_space<semaphore_mem>>) src(%dma_wait3A_740 : memref<4x128x64xf32, #tpu.memory_space<hbm>>) dst(%dma_wait3A_736 : memref<4x128x64xf32, #tpu.memory_space<vmem>>)
        %add3A_741 = arith.constant 3 : i32
        %add3A_742 = arith.addi %add3A_116, %add3A_741 : i32
        %lt3A_743 = arith.constant 200 : i32
        %lt3A_744 = arith.cmpi slt, %add3A_742, %lt3A_743 : i32
        %convert_element_type3A_745 = arith.extui %lt3A_744 : i1 to i32
        %cond3A_746 = arith.constant 0 : i32
        %cond3A_747 = arith.cmpi ne, %convert_element_type3A_745, %cond3A_746 : i32
        scf.if %cond3A_747 {
          %add3A_768 = arith.constant 3 : i32
          %add3A_769 = arith.addi %add3A_116, %add3A_768 : i32
          %mul3A_770 = arith.constant 4 : i32
          %mul3A_771 = arith.muli %add3A_769, %mul3A_770 : i32
          %add3A_772 = arith.addi %mul3A_2, %mul3A_771 : i32
          %dma_start3A_773 = arith.constant 0 : i32
          %dma_start3A_774 = arith.constant 0 : i32
          %dma_start3A_775 = arith.constant 0 : i32
          %dma_start3A_776 = tpu.memref_slice %arg6[%dma_start3A_773, %dma_start3A_774, %dma_start3A_775] : memref<3x4x128xi32, #tpu.memory_space<vmem>> -> memref<1x4x128xi32, #tpu.memory_space<vmem>>
          %dma_start3A_777 = tpu.memref_squeeze %dma_start3A_776 : memref<1x4x128xi32, #tpu.memory_space<vmem>> -> memref<4x128xi32, #tpu.memory_space<vmem>>
          %dma_start3A_778 = arith.constant 0 : i32
          %dma_start3A_779 = tpu.memref_slice %arg3[%add3A_772, %dma_start3A_778] : memref<25600x128xi32, #tpu.memory_space<hbm>> -> memref<4x128xi32, #tpu.memory_space<hbm>>
          %dma_start3A_780 = arith.constant 0 : i32
          %dma_start3A_781 = arith.constant 0 : i32
          %dma_start3A_782 = tpu.memref_slice %arg6[%dma_start3A_773, %dma_start3A_780, %dma_start3A_781] : memref<3x4x128xi32, #tpu.memory_space<vmem>> -> memref<1x4x128xi32, #tpu.memory_space<vmem>>
          %dma_start3A_783 = tpu.memref_squeeze %dma_start3A_782 : memref<1x4x128xi32, #tpu.memory_space<vmem>> -> memref<4x128xi32, #tpu.memory_space<vmem>>
          %dma_start3A_784 = arith.constant 0 : i32
          %dma_start3A_785 = tpu.memref_slice %arg3[%add3A_772, %dma_start3A_784] : memref<25600x128xi32, #tpu.memory_space<hbm>> -> memref<4x128xi32, #tpu.memory_space<hbm>>
          tpu.enqueue_dma source(%dma_start3A_785 : memref<4x128xi32, #tpu.memory_space<hbm>>) target(%dma_start3A_783 : memref<4x128xi32, #tpu.memory_space<vmem>>) target_semaphore(%arg14 : memref<!tpu.dma_semaphore, #tpu.memory_space<semaphore_mem>>)
        } else {
        }
        %mul3A_748 = arith.constant 4 : i32
        %mul3A_749 = arith.muli %add3A_116, %mul3A_748 : i32
        %add3A_750 = arith.addi %mul3A_2, %mul3A_749 : i32
        %dma_start3A_751 = arith.constant 0 : i32
        %dma_start3A_752 = arith.constant 0 : i32
        %dma_start3A_753 = arith.constant 0 : i32
        %dma_start3A_754 = arith.constant 0 : i32
        %dma_start3A_755 = tpu.memref_slice %arg7[%dma_start3A_751, %dma_start3A_752, %dma_start3A_753, %dma_start3A_754] : memref<3x4x128x64xf32, #tpu.memory_space<vmem>> -> memref<1x4x128x64xf32, #tpu.memory_space<vmem>>
        %dma_start3A_756 = tpu.memref_squeeze %dma_start3A_755 : memref<1x4x128x64xf32, #tpu.memory_space<vmem>> -> memref<4x128x64xf32, #tpu.memory_space<vmem>>
        %dma_start3A_757 = arith.constant 0 : i32
        %dma_start3A_758 = arith.constant 0 : i32
        %dma_start3A_759 = tpu.memref_slice %arg4[%add3A_750, %dma_start3A_757, %dma_start3A_758] : memref<25600x128x64xf32, #tpu.memory_space<hbm>> -> memref<4x128x64xf32, #tpu.memory_space<hbm>>
        %dma_start3A_760 = arith.constant 0 : i32
        %dma_start3A_761 = arith.constant 0 : i32
        %dma_start3A_762 = tpu.memref_slice %arg4[%add3A_750, %dma_start3A_760, %dma_start3A_761] : memref<25600x128x64xf32, #tpu.memory_space<hbm>> -> memref<4x128x64xf32, #tpu.memory_space<hbm>>
        %dma_start3A_763 = arith.constant 0 : i32
        %dma_start3A_764 = arith.constant 0 : i32
        %dma_start3A_765 = arith.constant 0 : i32
        %dma_start3A_766 = tpu.memref_slice %arg7[%dma_start3A_751, %dma_start3A_763, %dma_start3A_764, %dma_start3A_765] : memref<3x4x128x64xf32, #tpu.memory_space<vmem>> -> memref<1x4x128x64xf32, #tpu.memory_space<vmem>>
        %dma_start3A_767 = tpu.memref_squeeze %dma_start3A_766 : memref<1x4x128x64xf32, #tpu.memory_space<vmem>> -> memref<4x128x64xf32, #tpu.memory_space<vmem>>
        tpu.enqueue_dma source(%dma_start3A_767 : memref<4x128x64xf32, #tpu.memory_space<vmem>>) target(%dma_start3A_762 : memref<4x128x64xf32, #tpu.memory_space<hbm>>) target_semaphore(%arg11 : memref<!tpu.dma_semaphore, #tpu.memory_space<semaphore_mem>>)
      } else {
      }
      %mul3A_119 = arith.constant 3 : i32
      %mul3A_120 = arith.muli %scan3A_112, %mul3A_119 : i32
      %add3A_121 = arith.constant 1 : i32
      %add3A_122 = arith.addi %mul3A_120, %add3A_121 : i32
      %lt3A_123 = arith.constant 200 : i32
      %lt3A_124 = arith.cmpi slt, %add3A_122, %lt3A_123 : i32
      %convert_element_type3A_125 = arith.extui %lt3A_124 : i1 to i32
      %cond3A_126 = arith.constant 0 : i32
      %cond3A_127 = arith.cmpi ne, %convert_element_type3A_125, %cond3A_126 : i32
      scf.if %cond3A_127 {
        %ge3A = arith.constant 3 : i32
        %ge3A_137 = arith.cmpi sge, %add3A_122, %ge3A : i32
        %convert_element_type3A_138 = arith.extui %ge3A_137 : i1 to i32
        %cond3A_139 = arith.constant 0 : i32
        %cond3A_140 = arith.cmpi ne, %convert_element_type3A_138, %cond3A_139 : i32
        scf.if %cond3A_140 {
          %dma_wait3A_768 = arith.constant 1 : i32
          %dma_wait3A_769 = arith.constant 0 : i32
          %dma_wait3A_770 = arith.constant 0 : i32
          %dma_wait3A_771 = arith.constant 0 : i32
          %dma_wait3A_772 = tpu.memref_slice %arg7[%dma_wait3A_768, %dma_wait3A_769, %dma_wait3A_770, %dma_wait3A_771] : memref<3x4x128x64xf32, #tpu.memory_space<vmem>> -> memref<1x4x128x64xf32, #tpu.memory_space<vmem>>
          %dma_wait3A_773 = tpu.memref_squeeze %dma_wait3A_772 : memref<1x4x128x64xf32, #tpu.memory_space<vmem>> -> memref<4x128x64xf32, #tpu.memory_space<vmem>>
          %dma_wait3A_774 = arith.constant 0 : i32
          %dma_wait3A_775 = arith.constant 0 : i32
          %dma_wait3A_776 = arith.constant 0 : i32
          %dma_wait3A_777 = tpu.memref_slice %arg4[%dma_wait3A_774, %dma_wait3A_775, %dma_wait3A_776] : memref<25600x128x64xf32, #tpu.memory_space<hbm>> -> memref<4x128x64xf32, #tpu.memory_space<hbm>>
          %dma_wait3A_778 = arith.constant 0 : i32
          %dma_wait3A_779 = arith.constant 0 : i32
          %dma_wait3A_780 = arith.constant 0 : i32
          %dma_wait3A_781 = tpu.memref_slice %arg7[%dma_wait3A_768, %dma_wait3A_778, %dma_wait3A_779, %dma_wait3A_780] : memref<3x4x128x64xf32, #tpu.memory_space<vmem>> -> memref<1x4x128x64xf32, #tpu.memory_space<vmem>>
          %dma_wait3A_782 = tpu.memref_squeeze %dma_wait3A_781 : memref<1x4x128x64xf32, #tpu.memory_space<vmem>> -> memref<4x128x64xf32, #tpu.memory_space<vmem>>
          %dma_wait3A_783 = arith.constant 0 : i32
          %dma_wait3A_784 = arith.constant 0 : i32
          %dma_wait3A_785 = arith.constant 0 : i32
          %dma_wait3A_786 = tpu.memref_slice %arg4[%dma_wait3A_783, %dma_wait3A_784, %dma_wait3A_785] : memref<25600x128x64xf32, #tpu.memory_space<hbm>> -> memref<4x128x64xf32, #tpu.memory_space<hbm>>
          tpu.wait_dma2 semaphore(%arg12 : memref<!tpu.dma_semaphore, #tpu.memory_space<semaphore_mem>>) src(%dma_wait3A_786 : memref<4x128x64xf32, #tpu.memory_space<hbm>>) dst(%dma_wait3A_782 : memref<4x128x64xf32, #tpu.memory_space<vmem>>)
        } else {
        }
        %dma_wait3A_141 = arith.constant 1 : i32
        %dma_wait3A_142 = arith.constant 0 : i32
        %dma_wait3A_143 = arith.constant 0 : i32
        %dma_wait3A_144 = tpu.memref_slice %arg6[%dma_wait3A_141, %dma_wait3A_142, %dma_wait3A_143] : memref<3x4x128xi32, #tpu.memory_space<vmem>> -> memref<1x4x128xi32, #tpu.memory_space<vmem>>
        %dma_wait3A_145 = tpu.memref_squeeze %dma_wait3A_144 : memref<1x4x128xi32, #tpu.memory_space<vmem>> -> memref<4x128xi32, #tpu.memory_space<vmem>>
        %dma_wait3A_146 = arith.constant 0 : i32
        %dma_wait3A_147 = arith.constant 0 : i32
        %dma_wait3A_148 = tpu.memref_slice %arg3[%dma_wait3A_146, %dma_wait3A_147] : memref<25600x128xi32, #tpu.memory_space<hbm>> -> memref<4x128xi32, #tpu.memory_space<hbm>>
        %dma_wait3A_149 = arith.constant 0 : i32
        %dma_wait3A_150 = arith.constant 0 : i32
        %dma_wait3A_151 = tpu.memref_slice %arg6[%dma_wait3A_141, %dma_wait3A_149, %dma_wait3A_150] : memref<3x4x128xi32, #tpu.memory_space<vmem>> -> memref<1x4x128xi32, #tpu.memory_space<vmem>>
        %dma_wait3A_152 = tpu.memref_squeeze %dma_wait3A_151 : memref<1x4x128xi32, #tpu.memory_space<vmem>> -> memref<4x128xi32, #tpu.memory_space<vmem>>
        %dma_wait3A_153 = arith.constant 0 : i32
        %dma_wait3A_154 = arith.constant 0 : i32
        %dma_wait3A_155 = tpu.memref_slice %arg3[%dma_wait3A_153, %dma_wait3A_154] : memref<25600x128xi32, #tpu.memory_space<hbm>> -> memref<4x128xi32, #tpu.memory_space<hbm>>
        tpu.wait_dma2 semaphore(%arg15 : memref<!tpu.dma_semaphore, #tpu.memory_space<semaphore_mem>>) src(%dma_wait3A_155 : memref<4x128xi32, #tpu.memory_space<hbm>>) dst(%dma_wait3A_152 : memref<4x128xi32, #tpu.memory_space<vmem>>)
        %get3A = arith.constant 1 : i32
        %get3A_156 = arith.constant 0 : i32
        %get3A_157 = arith.index_cast %get3A : i32 to index
        %get3A_158 = arith.index_cast %get3A_156 : i32 to index
        %get3A_159 = arith.constant 0 : index
        %get3A_160 = tpu.vector_load %arg6[%get3A_157, %get3A_158, %get3A_159] {strides = array<i32>} : memref<3x4x128xi32, #tpu.memory_space<vmem>>, vector<1x1x16xi32>,
        %get3A_161 = vector.shape_cast %get3A_160 : vector<1x1x16xi32> to vector<16xi32>
        %add3A_162 = arith.addi %get3A_161, %broadcast_in_dim3A : vector<16xi32>
        %swap3A = arith.constant 1 : i32
        %swap3A_163 = arith.constant 0 : i32
        %swap3A_164 = arith.index_cast %swap3A : i32 to index
        %swap3A_165 = arith.index_cast %swap3A_163 : i32 to index
        %swap3A_166 = arith.constant 0 : index
        %swap3A_167 = tpu.vector_load %arg6[%swap3A_164, %swap3A_165, %swap3A_166] {strides = array<i32>} : memref<3x4x128xi32, #tpu.memory_space<vmem>>, vector<1x1x16xi32>,
        %swap3A_168 = vector.shape_cast %swap3A_167 : vector<1x1x16xi32> to vector<16xi32>
        %swap3A_169 = vector.shape_cast %add3A_162 : vector<16xi32> to vector<1x1x16xi32>
        tpu.vector_store %arg6[%swap3A_164, %swap3A_165, %swap3A_166], %swap3A_169 {strides = array<i32>} : memref<3x4x128xi32, #tpu.memory_space<vmem>>, vector<1x1x16xi32>,
        %get3A_170 = arith.constant 1 : i32
        %get3A_171 = arith.constant 0 : i32
        %get3A_172 = arith.index_cast %get3A_170 : i32 to index
        %get3A_173 = arith.index_cast %get3A_171 : i32 to index
        %get3A_174 = arith.constant 16 : index
        %get3A_175 = tpu.vector_load %arg6[%get3A_172, %get3A_173, %get3A_174] {strides = array<i32>} : memref<3x4x128xi32, #tpu.memory_space<vmem>>, vector<1x1x16xi32>,
        %get3A_176 = vector.shape_cast %get3A_175 : vector<1x1x16xi32> to vector<16xi32>
        %add3A_177 = arith.addi %get3A_176, %broadcast_in_dim3A : vector<16xi32>
        %swap3A_178 = arith.constant 1 : i32
        %swap3A_179 = arith.constant 0 : i32
        %swap3A_180 = arith.index_cast %swap3A_178 : i32 to index
        %swap3A_181 = arith.index_cast %swap3A_179 : i32 to index
        %swap3A_182 = arith.constant 16 : index
        %swap3A_183 = tpu.vector_load %arg6[%swap3A_180, %swap3A_181, %swap3A_182] {strides = array<i32>} : memref<3x4x128xi32, #tpu.memory_space<vmem>>, vector<1x1x16xi32>,
        %swap3A_184 = vector.shape_cast %swap3A_183 : vector<1x1x16xi32> to vector<16xi32>
        %swap3A_185 = vector.shape_cast %add3A_177 : vector<16xi32> to vector<1x1x16xi32>
        tpu.vector_store %arg6[%swap3A_180, %swap3A_181, %swap3A_182], %swap3A_185 {strides = array<i32>} : memref<3x4x128xi32, #tpu.memory_space<vmem>>, vector<1x1x16xi32>,
        %get3A_186 = arith.constant 1 : i32
        %get3A_187 = arith.constant 0 : i32
        %get3A_188 = arith.index_cast %get3A_186 : i32 to index
        %get3A_189 = arith.index_cast %get3A_187 : i32 to index
        %get3A_190 = arith.constant 32 : index
        %get3A_191 = tpu.vector_load %arg6[%get3A_188, %get3A_189, %get3A_190] {strides = array<i32>} : memref<3x4x128xi32, #tpu.memory_space<vmem>>, vector<1x1x16xi32>,
        %get3A_192 = vector.shape_cast %get3A_191 : vector<1x1x16xi32> to vector<16xi32>
        %add3A_193 = arith.addi %get3A_192, %broadcast_in_dim3A : vector<16xi32>
        %swap3A_194 = arith.constant 1 : i32
        %swap3A_195 = arith.constant 0 : i32
        %swap3A_196 = arith.index_cast %swap3A_194 : i32 to index
        %swap3A_197 = arith.index_cast %swap3A_195 : i32 to index
        %swap3A_198 = arith.constant 32 : index
        %swap3A_199 = tpu.vector_load %arg6[%swap3A_196, %swap3A_197, %swap3A_198] {strides = array<i32>} : memref<3x4x128xi32, #tpu.memory_space<vmem>>, vector<1x1x16xi32>,
        %swap3A_200 = vector.shape_cast %swap3A_199 : vector<1x1x16xi32> to vector<16xi32>
        %swap3A_201 = vector.shape_cast %add3A_193 : vector<16xi32> to vector<1x1x16xi32>
        tpu.vector_store %arg6[%swap3A_196, %swap3A_197, %swap3A_198], %swap3A_201 {strides = array<i32>} : memref<3x4x128xi32, #tpu.memory_space<vmem>>, vector<1x1x16xi32>,
        %get3A_202 = arith.constant 1 : i32
        %get3A_203 = arith.constant 0 : i32
        %get3A_204 = arith.index_cast %get3A_202 : i32 to index
        %get3A_205 = arith.index_cast %get3A_203 : i32 to index
        %get3A_206 = arith.constant 48 : index
        %get3A_207 = tpu.vector_load %arg6[%get3A_204, %get3A_205, %get3A_206] {strides = array<i32>} : memref<3x4x128xi32, #tpu.memory_space<vmem>>, vector<1x1x16xi32>,
        %get3A_208 = vector.shape_cast %get3A_207 : vector<1x1x16xi32> to vector<16xi32>
        %add3A_209 = arith.addi %get3A_208, %broadcast_in_dim3A : vector<16xi32>
        %swap3A_210 = arith.constant 1 : i32
        %swap3A_211 = arith.constant 0 : i32
        %swap3A_212 = arith.index_cast %swap3A_210 : i32 to index
        %swap3A_213 = arith.index_cast %swap3A_211 : i32 to index
        %swap3A_214 = arith.constant 48 : index
        %swap3A_215 = tpu.vector_load %arg6[%swap3A_212, %swap3A_213, %swap3A_214] {strides = array<i32>} : memref<3x4x128xi32, #tpu.memory_space<vmem>>, vector<1x1x16xi32>,
        %swap3A_216 = vector.shape_cast %swap3A_215 : vector<1x1x16xi32> to vector<16xi32>
        %swap3A_217 = vector.shape_cast %add3A_209 : vector<16xi32> to vector<1x1x16xi32>
        tpu.vector_store %arg6[%swap3A_212, %swap3A_213, %swap3A_214], %swap3A_217 {strides = array<i32>} : memref<3x4x128xi32, #tpu.memory_space<vmem>>, vector<1x1x16xi32>,
        %get3A_218 = arith.constant 1 : i32
        %get3A_219 = arith.constant 0 : i32
        %get3A_220 = arith.index_cast %get3A_218 : i32 to index
        %get3A_221 = arith.index_cast %get3A_219 : i32 to index
        %get3A_222 = arith.constant 64 : index
        %get3A_223 = tpu.vector_load %arg6[%get3A_220, %get3A_221, %get3A_222] {strides = array<i32>} : memref<3x4x128xi32, #tpu.memory_space<vmem>>, vector<1x1x16xi32>,
        %get3A_224 = vector.shape_cast %get3A_223 : vector<1x1x16xi32> to vector<16xi32>
        %add3A_225 = arith.addi %get3A_224, %broadcast_in_dim3A : vector<16xi32>
        %swap3A_226 = arith.constant 1 : i32
        %swap3A_227 = arith.constant 0 : i32
        %swap3A_228 = arith.index_cast %swap3A_226 : i32 to index
        %swap3A_229 = arith.index_cast %swap3A_227 : i32 to index
        %swap3A_230 = arith.constant 64 : index
        %swap3A_231 = tpu.vector_load %arg6[%swap3A_228, %swap3A_229, %swap3A_230] {strides = array<i32>} : memref<3x4x128xi32, #tpu.memory_space<vmem>>, vector<1x1x16xi32>,
        %swap3A_232 = vector.shape_cast %swap3A_231 : vector<1x1x16xi32> to vector<16xi32>
        %swap3A_233 = vector.shape_cast %add3A_225 : vector<16xi32> to vector<1x1x16xi32>
        tpu.vector_store %arg6[%swap3A_228, %swap3A_229, %swap3A_230], %swap3A_233 {strides = array<i32>} : memref<3x4x128xi32, #tpu.memory_space<vmem>>, vector<1x1x16xi32>,
        %get3A_234 = arith.constant 1 : i32
        %get3A_235 = arith.constant 0 : i32
        %get3A_236 = arith.index_cast %get3A_234 : i32 to index
        %get3A_237 = arith.index_cast %get3A_235 : i32 to index
        %get3A_238 = arith.constant 80 : index
        %get3A_239 = tpu.vector_load %arg6[%get3A_236, %get3A_237, %get3A_238] {strides = array<i32>} : memref<3x4x128xi32, #tpu.memory_space<vmem>>, vector<1x1x16xi32>,
        %get3A_240 = vector.shape_cast %get3A_239 : vector<1x1x16xi32> to vector<16xi32>
        %add3A_241 = arith.addi %get3A_240, %broadcast_in_dim3A : vector<16xi32>
        %swap3A_242 = arith.constant 1 : i32
        %swap3A_243 = arith.constant 0 : i32
        %swap3A_244 = arith.index_cast %swap3A_242 : i32 to index
        %swap3A_245 = arith.index_cast %swap3A_243 : i32 to index
        %swap3A_246 = arith.constant 80 : index
        %swap3A_247 = tpu.vector_load %arg6[%swap3A_244, %swap3A_245, %swap3A_246] {strides = array<i32>} : memref<3x4x128xi32, #tpu.memory_space<vmem>>, vector<1x1x16xi32>,
        %swap3A_248 = vector.shape_cast %swap3A_247 : vector<1x1x16xi32> to vector<16xi32>
        %swap3A_249 = vector.shape_cast %add3A_241 : vector<16xi32> to vector<1x1x16xi32>
        tpu.vector_store %arg6[%swap3A_244, %swap3A_245, %swap3A_246], %swap3A_249 {strides = array<i32>} : memref<3x4x128xi32, #tpu.memory_space<vmem>>, vector<1x1x16xi32>,
        %get3A_250 = arith.constant 1 : i32
        %get3A_251 = arith.constant 0 : i32
        %get3A_252 = arith.index_cast %get3A_250 : i32 to index
        %get3A_253 = arith.index_cast %get3A_251 : i32 to index
        %get3A_254 = arith.constant 96 : index
        %get3A_255 = tpu.vector_load %arg6[%get3A_252, %get3A_253, %get3A_254] {strides = array<i32>} : memref<3x4x128xi32, #tpu.memory_space<vmem>>, vector<1x1x16xi32>,
        %get3A_256 = vector.shape_cast %get3A_255 : vector<1x1x16xi32> to vector<16xi32>
        %add3A_257 = arith.addi %get3A_256, %broadcast_in_dim3A : vector<16xi32>
        %swap3A_258 = arith.constant 1 : i32
        %swap3A_259 = arith.constant 0 : i32
        %swap3A_260 = arith.index_cast %swap3A_258 : i32 to index
        %swap3A_261 = arith.index_cast %swap3A_259 : i32 to index
        %swap3A_262 = arith.constant 96 : index
        %swap3A_263 = tpu.vector_load %arg6[%swap3A_260, %swap3A_261, %swap3A_262] {strides = array<i32>} : memref<3x4x128xi32, #tpu.memory_space<vmem>>, vector<1x1x16xi32>,
        %swap3A_264 = vector.shape_cast %swap3A_263 : vector<1x1x16xi32> to vector<16xi32>
        %swap3A_265 = vector.shape_cast %add3A_257 : vector<16xi32> to vector<1x1x16xi32>
        tpu.vector_store %arg6[%swap3A_260, %swap3A_261, %swap3A_262], %swap3A_265 {strides = array<i32>} : memref<3x4x128xi32, #tpu.memory_space<vmem>>, vector<1x1x16xi32>,
        %get3A_266 = arith.constant 1 : i32
        %get3A_267 = arith.constant 0 : i32
        %get3A_268 = arith.index_cast %get3A_266 : i32 to index
        %get3A_269 = arith.index_cast %get3A_267 : i32 to index
        %get3A_270 = arith.constant 112 : index
        %get3A_271 = tpu.vector_load %arg6[%get3A_268, %get3A_269, %get3A_270] {strides = array<i32>} : memref<3x4x128xi32, #tpu.memory_space<vmem>>, vector<1x1x16xi32>,
        %get3A_272 = vector.shape_cast %get3A_271 : vector<1x1x16xi32> to vector<16xi32>
        %add3A_273 = arith.addi %get3A_272, %broadcast_in_dim3A : vector<16xi32>
        %swap3A_274 = arith.constant 1 : i32
        %swap3A_275 = arith.constant 0 : i32
        %swap3A_276 = arith.index_cast %swap3A_274 : i32 to index
        %swap3A_277 = arith.index_cast %swap3A_275 : i32 to index
        %swap3A_278 = arith.constant 112 : index
        %swap3A_279 = tpu.vector_load %arg6[%swap3A_276, %swap3A_277, %swap3A_278] {strides = array<i32>} : memref<3x4x128xi32, #tpu.memory_space<vmem>>, vector<1x1x16xi32>,
        %swap3A_280 = vector.shape_cast %swap3A_279 : vector<1x1x16xi32> to vector<16xi32>
        %swap3A_281 = vector.shape_cast %add3A_273 : vector<16xi32> to vector<1x1x16xi32>
        tpu.vector_store %arg6[%swap3A_276, %swap3A_277, %swap3A_278], %swap3A_281 {strides = array<i32>} : memref<3x4x128xi32, #tpu.memory_space<vmem>>, vector<1x1x16xi32>,
        %dma_start3A_282 = arith.constant 1 : i32
        %dma_start3A_283 = arith.constant 0 : i32
        %dma_start3A_284 = arith.constant 1 : i32
        %dma_start3A_285 = arith.constant 0 : i32
        %dma_start3A_286 = arith.constant 0 : i32
        %dma_start3A_287 = arith.constant 0 : i32
        %dma_start3A_288 = tpu.memref_slice %arg7[%dma_start3A_284, %dma_start3A_285, %dma_start3A_286, %dma_start3A_287] : memref<3x4x128x64xf32, #tpu.memory_space<vmem>> -> memref<1x1x128x64xf32, #tpu.memory_space<vmem>>
        %dma_start3A_289 = tpu.memref_squeeze %dma_start3A_288 : memref<1x1x128x64xf32, #tpu.memory_space<vmem>> -> memref<128x64xf32, #tpu.memory_space<vmem>>
        %dma_start3A_290 = arith.constant 0 : i32
        %dma_start3A_291 = tpu.memref_slice %arg6[%dma_start3A_282, %dma_start3A_283, %dma_start3A_290] : memref<3x4x128xi32, #tpu.memory_space<vmem>> -> memref<1x1x128xi32, #tpu.memory_space<vmem>>
        %dma_start3A_292 = tpu.memref_squeeze %dma_start3A_291 : memref<1x1x128xi32, #tpu.memory_space<vmem>> -> memref<128xi32, #tpu.memory_space<vmem>>
        %dma_start3A_293 = arith.constant 0 : i32
        %dma_start3A_294 = arith.constant 0 : i32
        %dma_start3A_295 = tpu.memref_slice %arg5[%dma_start3A_293, %dma_start3A_294] : memref<320x64xf32, #tpu.memory_space<vmem_shared>> -> memref<320x64xf32, #tpu.memory_space<vmem_shared>>
        tpu.enqueue_indirect_dma source(%dma_start3A_295 : memref<320x64xf32, #tpu.memory_space<vmem_shared>>) target(%dma_start3A_289 : memref<128x64xf32, #tpu.memory_space<vmem>>) offsets(%dma_start3A_292 : memref<128xi32, #tpu.memory_space<vmem>>) semaphore(%arg9 : memref<!tpu.dma_semaphore, #tpu.memory_space<semaphore_mem>>)
        %get3A_296 = arith.constant 1 : i32
        %get3A_297 = arith.constant 1 : i32
        %get3A_298 = arith.index_cast %get3A_296 : i32 to index
        %get3A_299 = arith.index_cast %get3A_297 : i32 to index
        %get3A_300 = arith.constant 0 : index
        %get3A_301 = tpu.vector_load %arg6[%get3A_298, %get3A_299, %get3A_300] {strides = array<i32>} : memref<3x4x128xi32, #tpu.memory_space<vmem>>, vector<1x1x16xi32>,
        %get3A_302 = vector.shape_cast %get3A_301 : vector<1x1x16xi32> to vector<16xi32>
        %add3A_303 = arith.addi %get3A_302, %broadcast_in_dim3A : vector<16xi32>
        %swap3A_304 = arith.constant 1 : i32
        %swap3A_305 = arith.constant 1 : i32
        %swap3A_306 = arith.index_cast %swap3A_304 : i32 to index
        %swap3A_307 = arith.index_cast %swap3A_305 : i32 to index
        %swap3A_308 = arith.constant 0 : index
        %swap3A_309 = tpu.vector_load %arg6[%swap3A_306, %swap3A_307, %swap3A_308] {strides = array<i32>} : memref<3x4x128xi32, #tpu.memory_space<vmem>>, vector<1x1x16xi32>,
        %swap3A_310 = vector.shape_cast %swap3A_309 : vector<1x1x16xi32> to vector<16xi32>
        %swap3A_311 = vector.shape_cast %add3A_303 : vector<16xi32> to vector<1x1x16xi32>
        tpu.vector_store %arg6[%swap3A_306, %swap3A_307, %swap3A_308], %swap3A_311 {strides = array<i32>} : memref<3x4x128xi32, #tpu.memory_space<vmem>>, vector<1x1x16xi32>,
        %get3A_312 = arith.constant 1 : i32
        %get3A_313 = arith.constant 1 : i32
        %get3A_314 = arith.index_cast %get3A_312 : i32 to index
        %get3A_315 = arith.index_cast %get3A_313 : i32 to index
        %get3A_316 = arith.constant 16 : index
        %get3A_317 = tpu.vector_load %arg6[%get3A_314, %get3A_315, %get3A_316] {strides = array<i32>} : memref<3x4x128xi32, #tpu.memory_space<vmem>>, vector<1x1x16xi32>,
        %get3A_318 = vector.shape_cast %get3A_317 : vector<1x1x16xi32> to vector<16xi32>
        %add3A_319 = arith.addi %get3A_318, %broadcast_in_dim3A : vector<16xi32>
        %swap3A_320 = arith.constant 1 : i32
        %swap3A_321 = arith.constant 1 : i32
        %swap3A_322 = arith.index_cast %swap3A_320 : i32 to index
        %swap3A_323 = arith.index_cast %swap3A_321 : i32 to index
        %swap3A_324 = arith.constant 16 : index
        %swap3A_325 = tpu.vector_load %arg6[%swap3A_322, %swap3A_323, %swap3A_324] {strides = array<i32>} : memref<3x4x128xi32, #tpu.memory_space<vmem>>, vector<1x1x16xi32>,
        %swap3A_326 = vector.shape_cast %swap3A_325 : vector<1x1x16xi32> to vector<16xi32>
        %swap3A_327 = vector.shape_cast %add3A_319 : vector<16xi32> to vector<1x1x16xi32>
        tpu.vector_store %arg6[%swap3A_322, %swap3A_323, %swap3A_324], %swap3A_327 {strides = array<i32>} : memref<3x4x128xi32, #tpu.memory_space<vmem>>, vector<1x1x16xi32>,
        %get3A_328 = arith.constant 1 : i32
        %get3A_329 = arith.constant 1 : i32
        %get3A_330 = arith.index_cast %get3A_328 : i32 to index
        %get3A_331 = arith.index_cast %get3A_329 : i32 to index
        %get3A_332 = arith.constant 32 : index
        %get3A_333 = tpu.vector_load %arg6[%get3A_330, %get3A_331, %get3A_332] {strides = array<i32>} : memref<3x4x128xi32, #tpu.memory_space<vmem>>, vector<1x1x16xi32>,
        %get3A_334 = vector.shape_cast %get3A_333 : vector<1x1x16xi32> to vector<16xi32>
        %add3A_335 = arith.addi %get3A_334, %broadcast_in_dim3A : vector<16xi32>
        %swap3A_336 = arith.constant 1 : i32
        %swap3A_337 = arith.constant 1 : i32
        %swap3A_338 = arith.index_cast %swap3A_336 : i32 to index
        %swap3A_339 = arith.index_cast %swap3A_337 : i32 to index
        %swap3A_340 = arith.constant 32 : index
        %swap3A_341 = tpu.vector_load %arg6[%swap3A_338, %swap3A_339, %swap3A_340] {strides = array<i32>} : memref<3x4x128xi32, #tpu.memory_space<vmem>>, vector<1x1x16xi32>,
        %swap3A_342 = vector.shape_cast %swap3A_341 : vector<1x1x16xi32> to vector<16xi32>
        %swap3A_343 = vector.shape_cast %add3A_335 : vector<16xi32> to vector<1x1x16xi32>
        tpu.vector_store %arg6[%swap3A_338, %swap3A_339, %swap3A_340], %swap3A_343 {strides = array<i32>} : memref<3x4x128xi32, #tpu.memory_space<vmem>>, vector<1x1x16xi32>,
        %get3A_344 = arith.constant 1 : i32
        %get3A_345 = arith.constant 1 : i32
        %get3A_346 = arith.index_cast %get3A_344 : i32 to index
        %get3A_347 = arith.index_cast %get3A_345 : i32 to index
        %get3A_348 = arith.constant 48 : index
        %get3A_349 = tpu.vector_load %arg6[%get3A_346, %get3A_347, %get3A_348] {strides = array<i32>} : memref<3x4x128xi32, #tpu.memory_space<vmem>>, vector<1x1x16xi32>,
        %get3A_350 = vector.shape_cast %get3A_349 : vector<1x1x16xi32> to vector<16xi32>
        %add3A_351 = arith.addi %get3A_350, %broadcast_in_dim3A : vector<16xi32>
        %swap3A_352 = arith.constant 1 : i32
        %swap3A_353 = arith.constant 1 : i32
        %swap3A_354 = arith.index_cast %swap3A_352 : i32 to index
        %swap3A_355 = arith.index_cast %swap3A_353 : i32 to index
        %swap3A_356 = arith.constant 48 : index
        %swap3A_357 = tpu.vector_load %arg6[%swap3A_354, %swap3A_355, %swap3A_356] {strides = array<i32>} : memref<3x4x128xi32, #tpu.memory_space<vmem>>, vector<1x1x16xi32>,
        %swap3A_358 = vector.shape_cast %swap3A_357 : vector<1x1x16xi32> to vector<16xi32>
        %swap3A_359 = vector.shape_cast %add3A_351 : vector<16xi32> to vector<1x1x16xi32>
        tpu.vector_store %arg6[%swap3A_354, %swap3A_355, %swap3A_356], %swap3A_359 {strides = array<i32>} : memref<3x4x128xi32, #tpu.memory_space<vmem>>, vector<1x1x16xi32>,
        %get3A_360 = arith.constant 1 : i32
        %get3A_361 = arith.constant 1 : i32
        %get3A_362 = arith.index_cast %get3A_360 : i32 to index
        %get3A_363 = arith.index_cast %get3A_361 : i32 to index
        %get3A_364 = arith.constant 64 : index
        %get3A_365 = tpu.vector_load %arg6[%get3A_362, %get3A_363, %get3A_364] {strides = array<i32>} : memref<3x4x128xi32, #tpu.memory_space<vmem>>, vector<1x1x16xi32>,
        %get3A_366 = vector.shape_cast %get3A_365 : vector<1x1x16xi32> to vector<16xi32>
        %add3A_367 = arith.addi %get3A_366, %broadcast_in_dim3A : vector<16xi32>
        %swap3A_368 = arith.constant 1 : i32
        %swap3A_369 = arith.constant 1 : i32
        %swap3A_370 = arith.index_cast %swap3A_368 : i32 to index
        %swap3A_371 = arith.index_cast %swap3A_369 : i32 to index
        %swap3A_372 = arith.constant 64 : index
        %swap3A_373 = tpu.vector_load %arg6[%swap3A_370, %swap3A_371, %swap3A_372] {strides = array<i32>} : memref<3x4x128xi32, #tpu.memory_space<vmem>>, vector<1x1x16xi32>,
        %swap3A_374 = vector.shape_cast %swap3A_373 : vector<1x1x16xi32> to vector<16xi32>
        %swap3A_375 = vector.shape_cast %add3A_367 : vector<16xi32> to vector<1x1x16xi32>
        tpu.vector_store %arg6[%swap3A_370, %swap3A_371, %swap3A_372], %swap3A_375 {strides = array<i32>} : memref<3x4x128xi32, #tpu.memory_space<vmem>>, vector<1x1x16xi32>,
        %get3A_376 = arith.constant 1 : i32
        %get3A_377 = arith.constant 1 : i32
        %get3A_378 = arith.index_cast %get3A_376 : i32 to index
        %get3A_379 = arith.index_cast %get3A_377 : i32 to index
        %get3A_380 = arith.constant 80 : index
        %get3A_381 = tpu.vector_load %arg6[%get3A_378, %get3A_379, %get3A_380] {strides = array<i32>} : memref<3x4x128xi32, #tpu.memory_space<vmem>>, vector<1x1x16xi32>,
        %get3A_382 = vector.shape_cast %get3A_381 : vector<1x1x16xi32> to vector<16xi32>
        %add3A_383 = arith.addi %get3A_382, %broadcast_in_dim3A : vector<16xi32>
        %swap3A_384 = arith.constant 1 : i32
        %swap3A_385 = arith.constant 1 : i32
        %swap3A_386 = arith.index_cast %swap3A_384 : i32 to index
        %swap3A_387 = arith.index_cast %swap3A_385 : i32 to index
        %swap3A_388 = arith.constant 80 : index
        %swap3A_389 = tpu.vector_load %arg6[%swap3A_386, %swap3A_387, %swap3A_388] {strides = array<i32>} : memref<3x4x128xi32, #tpu.memory_space<vmem>>, vector<1x1x16xi32>,
        %swap3A_390 = vector.shape_cast %swap3A_389 : vector<1x1x16xi32> to vector<16xi32>
        %swap3A_391 = vector.shape_cast %add3A_383 : vector<16xi32> to vector<1x1x16xi32>
        tpu.vector_store %arg6[%swap3A_386, %swap3A_387, %swap3A_388], %swap3A_391 {strides = array<i32>} : memref<3x4x128xi32, #tpu.memory_space<vmem>>, vector<1x1x16xi32>,
        %get3A_392 = arith.constant 1 : i32
        %get3A_393 = arith.constant 1 : i32
        %get3A_394 = arith.index_cast %get3A_392 : i32 to index
        %get3A_395 = arith.index_cast %get3A_393 : i32 to index
        %get3A_396 = arith.constant 96 : index
        %get3A_397 = tpu.vector_load %arg6[%get3A_394, %get3A_395, %get3A_396] {strides = array<i32>} : memref<3x4x128xi32, #tpu.memory_space<vmem>>, vector<1x1x16xi32>,
        %get3A_398 = vector.shape_cast %get3A_397 : vector<1x1x16xi32> to vector<16xi32>
        %add3A_399 = arith.addi %get3A_398, %broadcast_in_dim3A : vector<16xi32>
        %swap3A_400 = arith.constant 1 : i32
        %swap3A_401 = arith.constant 1 : i32
        %swap3A_402 = arith.index_cast %swap3A_400 : i32 to index
        %swap3A_403 = arith.index_cast %swap3A_401 : i32 to index
        %swap3A_404 = arith.constant 96 : index
        %swap3A_405 = tpu.vector_load %arg6[%swap3A_402, %swap3A_403, %swap3A_404] {strides = array<i32>} : memref<3x4x128xi32, #tpu.memory_space<vmem>>, vector<1x1x16xi32>,
        %swap3A_406 = vector.shape_cast %swap3A_405 : vector<1x1x16xi32> to vector<16xi32>
        %swap3A_407 = vector.shape_cast %add3A_399 : vector<16xi32> to vector<1x1x16xi32>
        tpu.vector_store %arg6[%swap3A_402, %swap3A_403, %swap3A_404], %swap3A_407 {strides = array<i32>} : memref<3x4x128xi32, #tpu.memory_space<vmem>>, vector<1x1x16xi32>,
        %get3A_408 = arith.constant 1 : i32
        %get3A_409 = arith.constant 1 : i32
        %get3A_410 = arith.index_cast %get3A_408 : i32 to index
        %get3A_411 = arith.index_cast %get3A_409 : i32 to index
        %get3A_412 = arith.constant 112 : index
        %get3A_413 = tpu.vector_load %arg6[%get3A_410, %get3A_411, %get3A_412] {strides = array<i32>} : memref<3x4x128xi32, #tpu.memory_space<vmem>>, vector<1x1x16xi32>,
        %get3A_414 = vector.shape_cast %get3A_413 : vector<1x1x16xi32> to vector<16xi32>
        %add3A_415 = arith.addi %get3A_414, %broadcast_in_dim3A : vector<16xi32>
        %swap3A_416 = arith.constant 1 : i32
        %swap3A_417 = arith.constant 1 : i32
        %swap3A_418 = arith.index_cast %swap3A_416 : i32 to index
        %swap3A_419 = arith.index_cast %swap3A_417 : i32 to index
        %swap3A_420 = arith.constant 112 : index
        %swap3A_421 = tpu.vector_load %arg6[%swap3A_418, %swap3A_419, %swap3A_420] {strides = array<i32>} : memref<3x4x128xi32, #tpu.memory_space<vmem>>, vector<1x1x16xi32>,
        %swap3A_422 = vector.shape_cast %swap3A_421 : vector<1x1x16xi32> to vector<16xi32>
        %swap3A_423 = vector.shape_cast %add3A_415 : vector<16xi32> to vector<1x1x16xi32>
        tpu.vector_store %arg6[%swap3A_418, %swap3A_419, %swap3A_420], %swap3A_423 {strides = array<i32>} : memref<3x4x128xi32, #tpu.memory_space<vmem>>, vector<1x1x16xi32>,
        %dma_start3A_424 = arith.constant 1 : i32
        %dma_start3A_425 = arith.constant 1 : i32
        %dma_start3A_426 = arith.constant 1 : i32
        %dma_start3A_427 = arith.constant 1 : i32
        %dma_start3A_428 = arith.constant 0 : i32
        %dma_start3A_429 = arith.constant 0 : i32
        %dma_start3A_430 = tpu.memref_slice %arg7[%dma_start3A_426, %dma_start3A_427, %dma_start3A_428, %dma_start3A_429] : memref<3x4x128x64xf32, #tpu.memory_space<vmem>> -> memref<1x1x128x64xf32, #tpu.memory_space<vmem>>
        %dma_start3A_431 = tpu.memref_squeeze %dma_start3A_430 : memref<1x1x128x64xf32, #tpu.memory_space<vmem>> -> memref<128x64xf32, #tpu.memory_space<vmem>>
        %dma_start3A_432 = arith.constant 0 : i32
        %dma_start3A_433 = tpu.memref_slice %arg6[%dma_start3A_424, %dma_start3A_425, %dma_start3A_432] : memref<3x4x128xi32, #tpu.memory_space<vmem>> -> memref<1x1x128xi32, #tpu.memory_space<vmem>>
        %dma_start3A_434 = tpu.memref_squeeze %dma_start3A_433 : memref<1x1x128xi32, #tpu.memory_space<vmem>> -> memref<128xi32, #tpu.memory_space<vmem>>
        %dma_start3A_435 = arith.constant 0 : i32
        %dma_start3A_436 = arith.constant 0 : i32
        %dma_start3A_437 = tpu.memref_slice %arg5[%dma_start3A_435, %dma_start3A_436] : memref<320x64xf32, #tpu.memory_space<vmem_shared>> -> memref<320x64xf32, #tpu.memory_space<vmem_shared>>
        tpu.enqueue_indirect_dma source(%dma_start3A_437 : memref<320x64xf32, #tpu.memory_space<vmem_shared>>) target(%dma_start3A_431 : memref<128x64xf32, #tpu.memory_space<vmem>>) offsets(%dma_start3A_434 : memref<128xi32, #tpu.memory_space<vmem>>) semaphore(%arg9 : memref<!tpu.dma_semaphore, #tpu.memory_space<semaphore_mem>>)
        %get3A_438 = arith.constant 1 : i32
        %get3A_439 = arith.constant 2 : i32
        %get3A_440 = arith.index_cast %get3A_438 : i32 to index
        %get3A_441 = arith.index_cast %get3A_439 : i32 to index
        %get3A_442 = arith.constant 0 : index
        %get3A_443 = tpu.vector_load %arg6[%get3A_440, %get3A_441, %get3A_442] {strides = array<i32>} : memref<3x4x128xi32, #tpu.memory_space<vmem>>, vector<1x1x16xi32>,
        %get3A_444 = vector.shape_cast %get3A_443 : vector<1x1x16xi32> to vector<16xi32>
        %add3A_445 = arith.addi %get3A_444, %broadcast_in_dim3A : vector<16xi32>
        %swap3A_446 = arith.constant 1 : i32
        %swap3A_447 = arith.constant 2 : i32
        %swap3A_448 = arith.index_cast %swap3A_446 : i32 to index
        %swap3A_449 = arith.index_cast %swap3A_447 : i32 to index
        %swap3A_450 = arith.constant 0 : index
        %swap3A_451 = tpu.vector_load %arg6[%swap3A_448, %swap3A_449, %swap3A_450] {strides = array<i32>} : memref<3x4x128xi32, #tpu.memory_space<vmem>>, vector<1x1x16xi32>,
        %swap3A_452 = vector.shape_cast %swap3A_451 : vector<1x1x16xi32> to vector<16xi32>
        %swap3A_453 = vector.shape_cast %add3A_445 : vector<16xi32> to vector<1x1x16xi32>
        tpu.vector_store %arg6[%swap3A_448, %swap3A_449, %swap3A_450], %swap3A_453 {strides = array<i32>} : memref<3x4x128xi32, #tpu.memory_space<vmem>>, vector<1x1x16xi32>,
        %get3A_454 = arith.constant 1 : i32
        %get3A_455 = arith.constant 2 : i32
        %get3A_456 = arith.index_cast %get3A_454 : i32 to index
        %get3A_457 = arith.index_cast %get3A_455 : i32 to index
        %get3A_458 = arith.constant 16 : index
        %get3A_459 = tpu.vector_load %arg6[%get3A_456, %get3A_457, %get3A_458] {strides = array<i32>} : memref<3x4x128xi32, #tpu.memory_space<vmem>>, vector<1x1x16xi32>,
        %get3A_460 = vector.shape_cast %get3A_459 : vector<1x1x16xi32> to vector<16xi32>
        %add3A_461 = arith.addi %get3A_460, %broadcast_in_dim3A : vector<16xi32>
        %swap3A_462 = arith.constant 1 : i32
        %swap3A_463 = arith.constant 2 : i32
        %swap3A_464 = arith.index_cast %swap3A_462 : i32 to index
        %swap3A_465 = arith.index_cast %swap3A_463 : i32 to index
        %swap3A_466 = arith.constant 16 : index
        %swap3A_467 = tpu.vector_load %arg6[%swap3A_464, %swap3A_465, %swap3A_466] {strides = array<i32>} : memref<3x4x128xi32, #tpu.memory_space<vmem>>, vector<1x1x16xi32>,
        %swap3A_468 = vector.shape_cast %swap3A_467 : vector<1x1x16xi32> to vector<16xi32>
        %swap3A_469 = vector.shape_cast %add3A_461 : vector<16xi32> to vector<1x1x16xi32>
        tpu.vector_store %arg6[%swap3A_464, %swap3A_465, %swap3A_466], %swap3A_469 {strides = array<i32>} : memref<3x4x128xi32, #tpu.memory_space<vmem>>, vector<1x1x16xi32>,
        %get3A_470 = arith.constant 1 : i32
        %get3A_471 = arith.constant 2 : i32
        %get3A_472 = arith.index_cast %get3A_470 : i32 to index
        %get3A_473 = arith.index_cast %get3A_471 : i32 to index
        %get3A_474 = arith.constant 32 : index
        %get3A_475 = tpu.vector_load %arg6[%get3A_472, %get3A_473, %get3A_474] {strides = array<i32>} : memref<3x4x128xi32, #tpu.memory_space<vmem>>, vector<1x1x16xi32>,
        %get3A_476 = vector.shape_cast %get3A_475 : vector<1x1x16xi32> to vector<16xi32>
        %add3A_477 = arith.addi %get3A_476, %broadcast_in_dim3A : vector<16xi32>
        %swap3A_478 = arith.constant 1 : i32
        %swap3A_479 = arith.constant 2 : i32
        %swap3A_480 = arith.index_cast %swap3A_478 : i32 to index
        %swap3A_481 = arith.index_cast %swap3A_479 : i32 to index
        %swap3A_482 = arith.constant 32 : index
        %swap3A_483 = tpu.vector_load %arg6[%swap3A_480, %swap3A_481, %swap3A_482] {strides = array<i32>} : memref<3x4x128xi32, #tpu.memory_space<vmem>>, vector<1x1x16xi32>,
        %swap3A_484 = vector.shape_cast %swap3A_483 : vector<1x1x16xi32> to vector<16xi32>
        %swap3A_485 = vector.shape_cast %add3A_477 : vector<16xi32> to vector<1x1x16xi32>
        tpu.vector_store %arg6[%swap3A_480, %swap3A_481, %swap3A_482], %swap3A_485 {strides = array<i32>} : memref<3x4x128xi32, #tpu.memory_space<vmem>>, vector<1x1x16xi32>,
        %get3A_486 = arith.constant 1 : i32
        %get3A_487 = arith.constant 2 : i32
        %get3A_488 = arith.index_cast %get3A_486 : i32 to index
        %get3A_489 = arith.index_cast %get3A_487 : i32 to index
        %get3A_490 = arith.constant 48 : index
        %get3A_491 = tpu.vector_load %arg6[%get3A_488, %get3A_489, %get3A_490] {strides = array<i32>} : memref<3x4x128xi32, #tpu.memory_space<vmem>>, vector<1x1x16xi32>,
        %get3A_492 = vector.shape_cast %get3A_491 : vector<1x1x16xi32> to vector<16xi32>
        %add3A_493 = arith.addi %get3A_492, %broadcast_in_dim3A : vector<16xi32>
        %swap3A_494 = arith.constant 1 : i32
        %swap3A_495 = arith.constant 2 : i32
        %swap3A_496 = arith.index_cast %swap3A_494 : i32 to index
        %swap3A_497 = arith.index_cast %swap3A_495 : i32 to index
        %swap3A_498 = arith.constant 48 : index
        %swap3A_499 = tpu.vector_load %arg6[%swap3A_496, %swap3A_497, %swap3A_498] {strides = array<i32>} : memref<3x4x128xi32, #tpu.memory_space<vmem>>, vector<1x1x16xi32>,
        %swap3A_500 = vector.shape_cast %swap3A_499 : vector<1x1x16xi32> to vector<16xi32>
        %swap3A_501 = vector.shape_cast %add3A_493 : vector<16xi32> to vector<1x1x16xi32>
        tpu.vector_store %arg6[%swap3A_496, %swap3A_497, %swap3A_498], %swap3A_501 {strides = array<i32>} : memref<3x4x128xi32, #tpu.memory_space<vmem>>, vector<1x1x16xi32>,
        %get3A_502 = arith.constant 1 : i32
        %get3A_503 = arith.constant 2 : i32
        %get3A_504 = arith.index_cast %get3A_502 : i32 to index
        %get3A_505 = arith.index_cast %get3A_503 : i32 to index
        %get3A_506 = arith.constant 64 : index
        %get3A_507 = tpu.vector_load %arg6[%get3A_504, %get3A_505, %get3A_506] {strides = array<i32>} : memref<3x4x128xi32, #tpu.memory_space<vmem>>, vector<1x1x16xi32>,
        %get3A_508 = vector.shape_cast %get3A_507 : vector<1x1x16xi32> to vector<16xi32>
        %add3A_509 = arith.addi %get3A_508, %broadcast_in_dim3A : vector<16xi32>
        %swap3A_510 = arith.constant 1 : i32
        %swap3A_511 = arith.constant 2 : i32
        %swap3A_512 = arith.index_cast %swap3A_510 : i32 to index
        %swap3A_513 = arith.index_cast %swap3A_511 : i32 to index
        %swap3A_514 = arith.constant 64 : index
        %swap3A_515 = tpu.vector_load %arg6[%swap3A_512, %swap3A_513, %swap3A_514] {strides = array<i32>} : memref<3x4x128xi32, #tpu.memory_space<vmem>>, vector<1x1x16xi32>,
        %swap3A_516 = vector.shape_cast %swap3A_515 : vector<1x1x16xi32> to vector<16xi32>
        %swap3A_517 = vector.shape_cast %add3A_509 : vector<16xi32> to vector<1x1x16xi32>
        tpu.vector_store %arg6[%swap3A_512, %swap3A_513, %swap3A_514], %swap3A_517 {strides = array<i32>} : memref<3x4x128xi32, #tpu.memory_space<vmem>>, vector<1x1x16xi32>,
        %get3A_518 = arith.constant 1 : i32
        %get3A_519 = arith.constant 2 : i32
        %get3A_520 = arith.index_cast %get3A_518 : i32 to index
        %get3A_521 = arith.index_cast %get3A_519 : i32 to index
        %get3A_522 = arith.constant 80 : index
        %get3A_523 = tpu.vector_load %arg6[%get3A_520, %get3A_521, %get3A_522] {strides = array<i32>} : memref<3x4x128xi32, #tpu.memory_space<vmem>>, vector<1x1x16xi32>,
        %get3A_524 = vector.shape_cast %get3A_523 : vector<1x1x16xi32> to vector<16xi32>
        %add3A_525 = arith.addi %get3A_524, %broadcast_in_dim3A : vector<16xi32>
        %swap3A_526 = arith.constant 1 : i32
        %swap3A_527 = arith.constant 2 : i32
        %swap3A_528 = arith.index_cast %swap3A_526 : i32 to index
        %swap3A_529 = arith.index_cast %swap3A_527 : i32 to index
        %swap3A_530 = arith.constant 80 : index
        %swap3A_531 = tpu.vector_load %arg6[%swap3A_528, %swap3A_529, %swap3A_530] {strides = array<i32>} : memref<3x4x128xi32, #tpu.memory_space<vmem>>, vector<1x1x16xi32>,
        %swap3A_532 = vector.shape_cast %swap3A_531 : vector<1x1x16xi32> to vector<16xi32>
        %swap3A_533 = vector.shape_cast %add3A_525 : vector<16xi32> to vector<1x1x16xi32>
        tpu.vector_store %arg6[%swap3A_528, %swap3A_529, %swap3A_530], %swap3A_533 {strides = array<i32>} : memref<3x4x128xi32, #tpu.memory_space<vmem>>, vector<1x1x16xi32>,
        %get3A_534 = arith.constant 1 : i32
        %get3A_535 = arith.constant 2 : i32
        %get3A_536 = arith.index_cast %get3A_534 : i32 to index
        %get3A_537 = arith.index_cast %get3A_535 : i32 to index
        %get3A_538 = arith.constant 96 : index
        %get3A_539 = tpu.vector_load %arg6[%get3A_536, %get3A_537, %get3A_538] {strides = array<i32>} : memref<3x4x128xi32, #tpu.memory_space<vmem>>, vector<1x1x16xi32>,
        %get3A_540 = vector.shape_cast %get3A_539 : vector<1x1x16xi32> to vector<16xi32>
        %add3A_541 = arith.addi %get3A_540, %broadcast_in_dim3A : vector<16xi32>
        %swap3A_542 = arith.constant 1 : i32
        %swap3A_543 = arith.constant 2 : i32
        %swap3A_544 = arith.index_cast %swap3A_542 : i32 to index
        %swap3A_545 = arith.index_cast %swap3A_543 : i32 to index
        %swap3A_546 = arith.constant 96 : index
        %swap3A_547 = tpu.vector_load %arg6[%swap3A_544, %swap3A_545, %swap3A_546] {strides = array<i32>} : memref<3x4x128xi32, #tpu.memory_space<vmem>>, vector<1x1x16xi32>,
        %swap3A_548 = vector.shape_cast %swap3A_547 : vector<1x1x16xi32> to vector<16xi32>
        %swap3A_549 = vector.shape_cast %add3A_541 : vector<16xi32> to vector<1x1x16xi32>
        tpu.vector_store %arg6[%swap3A_544, %swap3A_545, %swap3A_546], %swap3A_549 {strides = array<i32>} : memref<3x4x128xi32, #tpu.memory_space<vmem>>, vector<1x1x16xi32>,
        %get3A_550 = arith.constant 1 : i32
        %get3A_551 = arith.constant 2 : i32
        %get3A_552 = arith.index_cast %get3A_550 : i32 to index
        %get3A_553 = arith.index_cast %get3A_551 : i32 to index
        %get3A_554 = arith.constant 112 : index
        %get3A_555 = tpu.vector_load %arg6[%get3A_552, %get3A_553, %get3A_554] {strides = array<i32>} : memref<3x4x128xi32, #tpu.memory_space<vmem>>, vector<1x1x16xi32>,
        %get3A_556 = vector.shape_cast %get3A_555 : vector<1x1x16xi32> to vector<16xi32>
        %add3A_557 = arith.addi %get3A_556, %broadcast_in_dim3A : vector<16xi32>
        %swap3A_558 = arith.constant 1 : i32
        %swap3A_559 = arith.constant 2 : i32
        %swap3A_560 = arith.index_cast %swap3A_558 : i32 to index
        %swap3A_561 = arith.index_cast %swap3A_559 : i32 to index
        %swap3A_562 = arith.constant 112 : index
        %swap3A_563 = tpu.vector_load %arg6[%swap3A_560, %swap3A_561, %swap3A_562] {strides = array<i32>} : memref<3x4x128xi32, #tpu.memory_space<vmem>>, vector<1x1x16xi32>,
        %swap3A_564 = vector.shape_cast %swap3A_563 : vector<1x1x16xi32> to vector<16xi32>
        %swap3A_565 = vector.shape_cast %add3A_557 : vector<16xi32> to vector<1x1x16xi32>
        tpu.vector_store %arg6[%swap3A_560, %swap3A_561, %swap3A_562], %swap3A_565 {strides = array<i32>} : memref<3x4x128xi32, #tpu.memory_space<vmem>>, vector<1x1x16xi32>,
        %dma_start3A_566 = arith.constant 1 : i32
        %dma_start3A_567 = arith.constant 2 : i32
        %dma_start3A_568 = arith.constant 1 : i32
        %dma_start3A_569 = arith.constant 2 : i32
        %dma_start3A_570 = arith.constant 0 : i32
        %dma_start3A_571 = arith.constant 0 : i32
        %dma_start3A_572 = tpu.memref_slice %arg7[%dma_start3A_568, %dma_start3A_569, %dma_start3A_570, %dma_start3A_571] : memref<3x4x128x64xf32, #tpu.memory_space<vmem>> -> memref<1x1x128x64xf32, #tpu.memory_space<vmem>>
        %dma_start3A_573 = tpu.memref_squeeze %dma_start3A_572 : memref<1x1x128x64xf32, #tpu.memory_space<vmem>> -> memref<128x64xf32, #tpu.memory_space<vmem>>
        %dma_start3A_574 = arith.constant 0 : i32
        %dma_start3A_575 = tpu.memref_slice %arg6[%dma_start3A_566, %dma_start3A_567, %dma_start3A_574] : memref<3x4x128xi32, #tpu.memory_space<vmem>> -> memref<1x1x128xi32, #tpu.memory_space<vmem>>
        %dma_start3A_576 = tpu.memref_squeeze %dma_start3A_575 : memref<1x1x128xi32, #tpu.memory_space<vmem>> -> memref<128xi32, #tpu.memory_space<vmem>>
        %dma_start3A_577 = arith.constant 0 : i32
        %dma_start3A_578 = arith.constant 0 : i32
        %dma_start3A_579 = tpu.memref_slice %arg5[%dma_start3A_577, %dma_start3A_578] : memref<320x64xf32, #tpu.memory_space<vmem_shared>> -> memref<320x64xf32, #tpu.memory_space<vmem_shared>>
        tpu.enqueue_indirect_dma source(%dma_start3A_579 : memref<320x64xf32, #tpu.memory_space<vmem_shared>>) target(%dma_start3A_573 : memref<128x64xf32, #tpu.memory_space<vmem>>) offsets(%dma_start3A_576 : memref<128xi32, #tpu.memory_space<vmem>>) semaphore(%arg9 : memref<!tpu.dma_semaphore, #tpu.memory_space<semaphore_mem>>)
        %get3A_580 = arith.constant 1 : i32
        %get3A_581 = arith.constant 3 : i32
        %get3A_582 = arith.index_cast %get3A_580 : i32 to index
        %get3A_583 = arith.index_cast %get3A_581 : i32 to index
        %get3A_584 = arith.constant 0 : index
        %get3A_585 = tpu.vector_load %arg6[%get3A_582, %get3A_583, %get3A_584] {strides = array<i32>} : memref<3x4x128xi32, #tpu.memory_space<vmem>>, vector<1x1x16xi32>,
        %get3A_586 = vector.shape_cast %get3A_585 : vector<1x1x16xi32> to vector<16xi32>
        %add3A_587 = arith.addi %get3A_586, %broadcast_in_dim3A : vector<16xi32>
        %swap3A_588 = arith.constant 1 : i32
        %swap3A_589 = arith.constant 3 : i32
        %swap3A_590 = arith.index_cast %swap3A_588 : i32 to index
        %swap3A_591 = arith.index_cast %swap3A_589 : i32 to index
        %swap3A_592 = arith.constant 0 : index
        %swap3A_593 = tpu.vector_load %arg6[%swap3A_590, %swap3A_591, %swap3A_592] {strides = array<i32>} : memref<3x4x128xi32, #tpu.memory_space<vmem>>, vector<1x1x16xi32>,
        %swap3A_594 = vector.shape_cast %swap3A_593 : vector<1x1x16xi32> to vector<16xi32>
        %swap3A_595 = vector.shape_cast %add3A_587 : vector<16xi32> to vector<1x1x16xi32>
        tpu.vector_store %arg6[%swap3A_590, %swap3A_591, %swap3A_592], %swap3A_595 {strides = array<i32>} : memref<3x4x128xi32, #tpu.memory_space<vmem>>, vector<1x1x16xi32>,
        %get3A_596 = arith.constant 1 : i32
        %get3A_597 = arith.constant 3 : i32
        %get3A_598 = arith.index_cast %get3A_596 : i32 to index
        %get3A_599 = arith.index_cast %get3A_597 : i32 to index
        %get3A_600 = arith.constant 16 : index
        %get3A_601 = tpu.vector_load %arg6[%get3A_598, %get3A_599, %get3A_600] {strides = array<i32>} : memref<3x4x128xi32, #tpu.memory_space<vmem>>, vector<1x1x16xi32>,
        %get3A_602 = vector.shape_cast %get3A_601 : vector<1x1x16xi32> to vector<16xi32>
        %add3A_603 = arith.addi %get3A_602, %broadcast_in_dim3A : vector<16xi32>
        %swap3A_604 = arith.constant 1 : i32
        %swap3A_605 = arith.constant 3 : i32
        %swap3A_606 = arith.index_cast %swap3A_604 : i32 to index
        %swap3A_607 = arith.index_cast %swap3A_605 : i32 to index
        %swap3A_608 = arith.constant 16 : index
        %swap3A_609 = tpu.vector_load %arg6[%swap3A_606, %swap3A_607, %swap3A_608] {strides = array<i32>} : memref<3x4x128xi32, #tpu.memory_space<vmem>>, vector<1x1x16xi32>,
        %swap3A_610 = vector.shape_cast %swap3A_609 : vector<1x1x16xi32> to vector<16xi32>
        %swap3A_611 = vector.shape_cast %add3A_603 : vector<16xi32> to vector<1x1x16xi32>
        tpu.vector_store %arg6[%swap3A_606, %swap3A_607, %swap3A_608], %swap3A_611 {strides = array<i32>} : memref<3x4x128xi32, #tpu.memory_space<vmem>>, vector<1x1x16xi32>,
        %get3A_612 = arith.constant 1 : i32
        %get3A_613 = arith.constant 3 : i32
        %get3A_614 = arith.index_cast %get3A_612 : i32 to index
        %get3A_615 = arith.index_cast %get3A_613 : i32 to index
        %get3A_616 = arith.constant 32 : index
        %get3A_617 = tpu.vector_load %arg6[%get3A_614, %get3A_615, %get3A_616] {strides = array<i32>} : memref<3x4x128xi32, #tpu.memory_space<vmem>>, vector<1x1x16xi32>,
        %get3A_618 = vector.shape_cast %get3A_617 : vector<1x1x16xi32> to vector<16xi32>
        %add3A_619 = arith.addi %get3A_618, %broadcast_in_dim3A : vector<16xi32>
        %swap3A_620 = arith.constant 1 : i32
        %swap3A_621 = arith.constant 3 : i32
        %swap3A_622 = arith.index_cast %swap3A_620 : i32 to index
        %swap3A_623 = arith.index_cast %swap3A_621 : i32 to index
        %swap3A_624 = arith.constant 32 : index
        %swap3A_625 = tpu.vector_load %arg6[%swap3A_622, %swap3A_623, %swap3A_624] {strides = array<i32>} : memref<3x4x128xi32, #tpu.memory_space<vmem>>, vector<1x1x16xi32>,
        %swap3A_626 = vector.shape_cast %swap3A_625 : vector<1x1x16xi32> to vector<16xi32>
        %swap3A_627 = vector.shape_cast %add3A_619 : vector<16xi32> to vector<1x1x16xi32>
        tpu.vector_store %arg6[%swap3A_622, %swap3A_623, %swap3A_624], %swap3A_627 {strides = array<i32>} : memref<3x4x128xi32, #tpu.memory_space<vmem>>, vector<1x1x16xi32>,
        %get3A_628 = arith.constant 1 : i32
        %get3A_629 = arith.constant 3 : i32
        %get3A_630 = arith.index_cast %get3A_628 : i32 to index
        %get3A_631 = arith.index_cast %get3A_629 : i32 to index
        %get3A_632 = arith.constant 48 : index
        %get3A_633 = tpu.vector_load %arg6[%get3A_630, %get3A_631, %get3A_632] {strides = array<i32>} : memref<3x4x128xi32, #tpu.memory_space<vmem>>, vector<1x1x16xi32>,
        %get3A_634 = vector.shape_cast %get3A_633 : vector<1x1x16xi32> to vector<16xi32>
        %add3A_635 = arith.addi %get3A_634, %broadcast_in_dim3A : vector<16xi32>
        %swap3A_636 = arith.constant 1 : i32
        %swap3A_637 = arith.constant 3 : i32
        %swap3A_638 = arith.index_cast %swap3A_636 : i32 to index
        %swap3A_639 = arith.index_cast %swap3A_637 : i32 to index
        %swap3A_640 = arith.constant 48 : index
        %swap3A_641 = tpu.vector_load %arg6[%swap3A_638, %swap3A_639, %swap3A_640] {strides = array<i32>} : memref<3x4x128xi32, #tpu.memory_space<vmem>>, vector<1x1x16xi32>,
        %swap3A_642 = vector.shape_cast %swap3A_641 : vector<1x1x16xi32> to vector<16xi32>
        %swap3A_643 = vector.shape_cast %add3A_635 : vector<16xi32> to vector<1x1x16xi32>
        tpu.vector_store %arg6[%swap3A_638, %swap3A_639, %swap3A_640], %swap3A_643 {strides = array<i32>} : memref<3x4x128xi32, #tpu.memory_space<vmem>>, vector<1x1x16xi32>,
        %get3A_644 = arith.constant 1 : i32
        %get3A_645 = arith.constant 3 : i32
        %get3A_646 = arith.index_cast %get3A_644 : i32 to index
        %get3A_647 = arith.index_cast %get3A_645 : i32 to index
        %get3A_648 = arith.constant 64 : index
        %get3A_649 = tpu.vector_load %arg6[%get3A_646, %get3A_647, %get3A_648] {strides = array<i32>} : memref<3x4x128xi32, #tpu.memory_space<vmem>>, vector<1x1x16xi32>,
        %get3A_650 = vector.shape_cast %get3A_649 : vector<1x1x16xi32> to vector<16xi32>
        %add3A_651 = arith.addi %get3A_650, %broadcast_in_dim3A : vector<16xi32>
        %swap3A_652 = arith.constant 1 : i32
        %swap3A_653 = arith.constant 3 : i32
        %swap3A_654 = arith.index_cast %swap3A_652 : i32 to index
        %swap3A_655 = arith.index_cast %swap3A_653 : i32 to index
        %swap3A_656 = arith.constant 64 : index
        %swap3A_657 = tpu.vector_load %arg6[%swap3A_654, %swap3A_655, %swap3A_656] {strides = array<i32>} : memref<3x4x128xi32, #tpu.memory_space<vmem>>, vector<1x1x16xi32>,
        %swap3A_658 = vector.shape_cast %swap3A_657 : vector<1x1x16xi32> to vector<16xi32>
        %swap3A_659 = vector.shape_cast %add3A_651 : vector<16xi32> to vector<1x1x16xi32>
        tpu.vector_store %arg6[%swap3A_654, %swap3A_655, %swap3A_656], %swap3A_659 {strides = array<i32>} : memref<3x4x128xi32, #tpu.memory_space<vmem>>, vector<1x1x16xi32>,
        %get3A_660 = arith.constant 1 : i32
        %get3A_661 = arith.constant 3 : i32
        %get3A_662 = arith.index_cast %get3A_660 : i32 to index
        %get3A_663 = arith.index_cast %get3A_661 : i32 to index
        %get3A_664 = arith.constant 80 : index
        %get3A_665 = tpu.vector_load %arg6[%get3A_662, %get3A_663, %get3A_664] {strides = array<i32>} : memref<3x4x128xi32, #tpu.memory_space<vmem>>, vector<1x1x16xi32>,
        %get3A_666 = vector.shape_cast %get3A_665 : vector<1x1x16xi32> to vector<16xi32>
        %add3A_667 = arith.addi %get3A_666, %broadcast_in_dim3A : vector<16xi32>
        %swap3A_668 = arith.constant 1 : i32
        %swap3A_669 = arith.constant 3 : i32
        %swap3A_670 = arith.index_cast %swap3A_668 : i32 to index
        %swap3A_671 = arith.index_cast %swap3A_669 : i32 to index
        %swap3A_672 = arith.constant 80 : index
        %swap3A_673 = tpu.vector_load %arg6[%swap3A_670, %swap3A_671, %swap3A_672] {strides = array<i32>} : memref<3x4x128xi32, #tpu.memory_space<vmem>>, vector<1x1x16xi32>,
        %swap3A_674 = vector.shape_cast %swap3A_673 : vector<1x1x16xi32> to vector<16xi32>
        %swap3A_675 = vector.shape_cast %add3A_667 : vector<16xi32> to vector<1x1x16xi32>
        tpu.vector_store %arg6[%swap3A_670, %swap3A_671, %swap3A_672], %swap3A_675 {strides = array<i32>} : memref<3x4x128xi32, #tpu.memory_space<vmem>>, vector<1x1x16xi32>,
        %get3A_676 = arith.constant 1 : i32
        %get3A_677 = arith.constant 3 : i32
        %get3A_678 = arith.index_cast %get3A_676 : i32 to index
        %get3A_679 = arith.index_cast %get3A_677 : i32 to index
        %get3A_680 = arith.constant 96 : index
        %get3A_681 = tpu.vector_load %arg6[%get3A_678, %get3A_679, %get3A_680] {strides = array<i32>} : memref<3x4x128xi32, #tpu.memory_space<vmem>>, vector<1x1x16xi32>,
        %get3A_682 = vector.shape_cast %get3A_681 : vector<1x1x16xi32> to vector<16xi32>
        %add3A_683 = arith.addi %get3A_682, %broadcast_in_dim3A : vector<16xi32>
        %swap3A_684 = arith.constant 1 : i32
        %swap3A_685 = arith.constant 3 : i32
        %swap3A_686 = arith.index_cast %swap3A_684 : i32 to index
        %swap3A_687 = arith.index_cast %swap3A_685 : i32 to index
        %swap3A_688 = arith.constant 96 : index
        %swap3A_689 = tpu.vector_load %arg6[%swap3A_686, %swap3A_687, %swap3A_688] {strides = array<i32>} : memref<3x4x128xi32, #tpu.memory_space<vmem>>, vector<1x1x16xi32>,
        %swap3A_690 = vector.shape_cast %swap3A_689 : vector<1x1x16xi32> to vector<16xi32>
        %swap3A_691 = vector.shape_cast %add3A_683 : vector<16xi32> to vector<1x1x16xi32>
        tpu.vector_store %arg6[%swap3A_686, %swap3A_687, %swap3A_688], %swap3A_691 {strides = array<i32>} : memref<3x4x128xi32, #tpu.memory_space<vmem>>, vector<1x1x16xi32>,
        %get3A_692 = arith.constant 1 : i32
        %get3A_693 = arith.constant 3 : i32
        %get3A_694 = arith.index_cast %get3A_692 : i32 to index
        %get3A_695 = arith.index_cast %get3A_693 : i32 to index
        %get3A_696 = arith.constant 112 : index
        %get3A_697 = tpu.vector_load %arg6[%get3A_694, %get3A_695, %get3A_696] {strides = array<i32>} : memref<3x4x128xi32, #tpu.memory_space<vmem>>, vector<1x1x16xi32>,
        %get3A_698 = vector.shape_cast %get3A_697 : vector<1x1x16xi32> to vector<16xi32>
        %add3A_699 = arith.addi %get3A_698, %broadcast_in_dim3A : vector<16xi32>
        %swap3A_700 = arith.constant 1 : i32
        %swap3A_701 = arith.constant 3 : i32
        %swap3A_702 = arith.index_cast %swap3A_700 : i32 to index
        %swap3A_703 = arith.index_cast %swap3A_701 : i32 to index
        %swap3A_704 = arith.constant 112 : index
        %swap3A_705 = tpu.vector_load %arg6[%swap3A_702, %swap3A_703, %swap3A_704] {strides = array<i32>} : memref<3x4x128xi32, #tpu.memory_space<vmem>>, vector<1x1x16xi32>,
        %swap3A_706 = vector.shape_cast %swap3A_705 : vector<1x1x16xi32> to vector<16xi32>
        %swap3A_707 = vector.shape_cast %add3A_699 : vector<16xi32> to vector<1x1x16xi32>
        tpu.vector_store %arg6[%swap3A_702, %swap3A_703, %swap3A_704], %swap3A_707 {strides = array<i32>} : memref<3x4x128xi32, #tpu.memory_space<vmem>>, vector<1x1x16xi32>,
        %dma_start3A_708 = arith.constant 1 : i32
        %dma_start3A_709 = arith.constant 3 : i32
        %dma_start3A_710 = arith.constant 1 : i32
        %dma_start3A_711 = arith.constant 3 : i32
        %dma_start3A_712 = arith.constant 0 : i32
        %dma_start3A_713 = arith.constant 0 : i32
        %dma_start3A_714 = tpu.memref_slice %arg7[%dma_start3A_710, %dma_start3A_711, %dma_start3A_712, %dma_start3A_713] : memref<3x4x128x64xf32, #tpu.memory_space<vmem>> -> memref<1x1x128x64xf32, #tpu.memory_space<vmem>>
        %dma_start3A_715 = tpu.memref_squeeze %dma_start3A_714 : memref<1x1x128x64xf32, #tpu.memory_space<vmem>> -> memref<128x64xf32, #tpu.memory_space<vmem>>
        %dma_start3A_716 = arith.constant 0 : i32
        %dma_start3A_717 = tpu.memref_slice %arg6[%dma_start3A_708, %dma_start3A_709, %dma_start3A_716] : memref<3x4x128xi32, #tpu.memory_space<vmem>> -> memref<1x1x128xi32, #tpu.memory_space<vmem>>
        %dma_start3A_718 = tpu.memref_squeeze %dma_start3A_717 : memref<1x1x128xi32, #tpu.memory_space<vmem>> -> memref<128xi32, #tpu.memory_space<vmem>>
        %dma_start3A_719 = arith.constant 0 : i32
        %dma_start3A_720 = arith.constant 0 : i32
        %dma_start3A_721 = tpu.memref_slice %arg5[%dma_start3A_719, %dma_start3A_720] : memref<320x64xf32, #tpu.memory_space<vmem_shared>> -> memref<320x64xf32, #tpu.memory_space<vmem_shared>>
        tpu.enqueue_indirect_dma source(%dma_start3A_721 : memref<320x64xf32, #tpu.memory_space<vmem_shared>>) target(%dma_start3A_715 : memref<128x64xf32, #tpu.memory_space<vmem>>) offsets(%dma_start3A_718 : memref<128xi32, #tpu.memory_space<vmem>>) semaphore(%arg9 : memref<!tpu.dma_semaphore, #tpu.memory_space<semaphore_mem>>)
        %dma_wait3A_722 = arith.constant 1 : i32
        %dma_wait3A_723 = arith.constant 0 : i32
        %dma_wait3A_724 = arith.constant 0 : i32
        %dma_wait3A_725 = arith.constant 0 : i32
        %dma_wait3A_726 = tpu.memref_slice %arg7[%dma_wait3A_722, %dma_wait3A_723, %dma_wait3A_724, %dma_wait3A_725] : memref<3x4x128x64xf32, #tpu.memory_space<vmem>> -> memref<1x4x128x64xf32, #tpu.memory_space<vmem>>
        %dma_wait3A_727 = tpu.memref_squeeze %dma_wait3A_726 : memref<1x4x128x64xf32, #tpu.memory_space<vmem>> -> memref<4x128x64xf32, #tpu.memory_space<vmem>>
        %dma_wait3A_728 = arith.constant 0 : i32
        %dma_wait3A_729 = arith.constant 0 : i32
        %dma_wait3A_730 = arith.constant 0 : i32
        %dma_wait3A_731 = tpu.memref_slice %arg4[%dma_wait3A_728, %dma_wait3A_729, %dma_wait3A_730] : memref<25600x128x64xf32, #tpu.memory_space<hbm>> -> memref<4x128x64xf32, #tpu.memory_space<hbm>>
        %dma_wait3A_732 = arith.constant 0 : i32
        %dma_wait3A_733 = arith.constant 0 : i32
        %dma_wait3A_734 = arith.constant 0 : i32
        %dma_wait3A_735 = tpu.memref_slice %arg7[%dma_wait3A_722, %dma_wait3A_732, %dma_wait3A_733, %dma_wait3A_734] : memref<3x4x128x64xf32, #tpu.memory_space<vmem>> -> memref<1x4x128x64xf32, #tpu.memory_space<vmem>>
        %dma_wait3A_736 = tpu.memref_squeeze %dma_wait3A_735 : memref<1x4x128x64xf32, #tpu.memory_space<vmem>> -> memref<4x128x64xf32, #tpu.memory_space<vmem>>
        %dma_wait3A_737 = arith.constant 0 : i32
        %dma_wait3A_738 = arith.constant 0 : i32
        %dma_wait3A_739 = arith.constant 0 : i32
        %dma_wait3A_740 = tpu.memref_slice %arg4[%dma_wait3A_737, %dma_wait3A_738, %dma_wait3A_739] : memref<25600x128x64xf32, #tpu.memory_space<hbm>> -> memref<4x128x64xf32, #tpu.memory_space<hbm>>
        tpu.wait_dma2 semaphore(%arg9 : memref<!tpu.dma_semaphore, #tpu.memory_space<semaphore_mem>>) src(%dma_wait3A_740 : memref<4x128x64xf32, #tpu.memory_space<hbm>>) dst(%dma_wait3A_736 : memref<4x128x64xf32, #tpu.memory_space<vmem>>)
        %add3A_741 = arith.constant 3 : i32
        %add3A_742 = arith.addi %add3A_122, %add3A_741 : i32
        %lt3A_743 = arith.constant 200 : i32
        %lt3A_744 = arith.cmpi slt, %add3A_742, %lt3A_743 : i32
        %convert_element_type3A_745 = arith.extui %lt3A_744 : i1 to i32
        %cond3A_746 = arith.constant 0 : i32
        %cond3A_747 = arith.cmpi ne, %convert_element_type3A_745, %cond3A_746 : i32
        scf.if %cond3A_747 {
          %add3A_768 = arith.constant 3 : i32
          %add3A_769 = arith.addi %add3A_122, %add3A_768 : i32
          %mul3A_770 = arith.constant 4 : i32
          %mul3A_771 = arith.muli %add3A_769, %mul3A_770 : i32
          %add3A_772 = arith.addi %mul3A_2, %mul3A_771 : i32
          %dma_start3A_773 = arith.constant 1 : i32
          %dma_start3A_774 = arith.constant 0 : i32
          %dma_start3A_775 = arith.constant 0 : i32
          %dma_start3A_776 = tpu.memref_slice %arg6[%dma_start3A_773, %dma_start3A_774, %dma_start3A_775] : memref<3x4x128xi32, #tpu.memory_space<vmem>> -> memref<1x4x128xi32, #tpu.memory_space<vmem>>
          %dma_start3A_777 = tpu.memref_squeeze %dma_start3A_776 : memref<1x4x128xi32, #tpu.memory_space<vmem>> -> memref<4x128xi32, #tpu.memory_space<vmem>>
          %dma_start3A_778 = arith.constant 0 : i32
          %dma_start3A_779 = tpu.memref_slice %arg3[%add3A_772, %dma_start3A_778] : memref<25600x128xi32, #tpu.memory_space<hbm>> -> memref<4x128xi32, #tpu.memory_space<hbm>>
          %dma_start3A_780 = arith.constant 0 : i32
          %dma_start3A_781 = arith.constant 0 : i32
          %dma_start3A_782 = tpu.memref_slice %arg6[%dma_start3A_773, %dma_start3A_780, %dma_start3A_781] : memref<3x4x128xi32, #tpu.memory_space<vmem>> -> memref<1x4x128xi32, #tpu.memory_space<vmem>>
          %dma_start3A_783 = tpu.memref_squeeze %dma_start3A_782 : memref<1x4x128xi32, #tpu.memory_space<vmem>> -> memref<4x128xi32, #tpu.memory_space<vmem>>
          %dma_start3A_784 = arith.constant 0 : i32
          %dma_start3A_785 = tpu.memref_slice %arg3[%add3A_772, %dma_start3A_784] : memref<25600x128xi32, #tpu.memory_space<hbm>> -> memref<4x128xi32, #tpu.memory_space<hbm>>
          tpu.enqueue_dma source(%dma_start3A_785 : memref<4x128xi32, #tpu.memory_space<hbm>>) target(%dma_start3A_783 : memref<4x128xi32, #tpu.memory_space<vmem>>) target_semaphore(%arg15 : memref<!tpu.dma_semaphore, #tpu.memory_space<semaphore_mem>>)
        } else {
        }
        %mul3A_748 = arith.constant 4 : i32
        %mul3A_749 = arith.muli %add3A_122, %mul3A_748 : i32
        %add3A_750 = arith.addi %mul3A_2, %mul3A_749 : i32
        %dma_start3A_751 = arith.constant 1 : i32
        %dma_start3A_752 = arith.constant 0 : i32
        %dma_start3A_753 = arith.constant 0 : i32
        %dma_start3A_754 = arith.constant 0 : i32
        %dma_start3A_755 = tpu.memref_slice %arg7[%dma_start3A_751, %dma_start3A_752, %dma_start3A_753, %dma_start3A_754] : memref<3x4x128x64xf32, #tpu.memory_space<vmem>> -> memref<1x4x128x64xf32, #tpu.memory_space<vmem>>
        %dma_start3A_756 = tpu.memref_squeeze %dma_start3A_755 : memref<1x4x128x64xf32, #tpu.memory_space<vmem>> -> memref<4x128x64xf32, #tpu.memory_space<vmem>>
        %dma_start3A_757 = arith.constant 0 : i32
        %dma_start3A_758 = arith.constant 0 : i32
        %dma_start3A_759 = tpu.memref_slice %arg4[%add3A_750, %dma_start3A_757, %dma_start3A_758] : memref<25600x128x64xf32, #tpu.memory_space<hbm>> -> memref<4x128x64xf32, #tpu.memory_space<hbm>>
        %dma_start3A_760 = arith.constant 0 : i32
        %dma_start3A_761 = arith.constant 0 : i32
        %dma_start3A_762 = tpu.memref_slice %arg4[%add3A_750, %dma_start3A_760, %dma_start3A_761] : memref<25600x128x64xf32, #tpu.memory_space<hbm>> -> memref<4x128x64xf32, #tpu.memory_space<hbm>>
        %dma_start3A_763 = arith.constant 0 : i32
        %dma_start3A_764 = arith.constant 0 : i32
        %dma_start3A_765 = arith.constant 0 : i32
        %dma_start3A_766 = tpu.memref_slice %arg7[%dma_start3A_751, %dma_start3A_763, %dma_start3A_764, %dma_start3A_765] : memref<3x4x128x64xf32, #tpu.memory_space<vmem>> -> memref<1x4x128x64xf32, #tpu.memory_space<vmem>>
        %dma_start3A_767 = tpu.memref_squeeze %dma_start3A_766 : memref<1x4x128x64xf32, #tpu.memory_space<vmem>> -> memref<4x128x64xf32, #tpu.memory_space<vmem>>
        tpu.enqueue_dma source(%dma_start3A_767 : memref<4x128x64xf32, #tpu.memory_space<vmem>>) target(%dma_start3A_762 : memref<4x128x64xf32, #tpu.memory_space<hbm>>) target_semaphore(%arg12 : memref<!tpu.dma_semaphore, #tpu.memory_space<semaphore_mem>>)
      } else {
      }
      %mul3A_128 = arith.constant 3 : i32
      %mul3A_129 = arith.muli %scan3A_112, %mul3A_128 : i32
      %add3A_130 = arith.constant 2 : i32
      %add3A_131 = arith.addi %mul3A_129, %add3A_130 : i32
      %lt3A_132 = arith.constant 200 : i32
      %lt3A_133 = arith.cmpi slt, %add3A_131, %lt3A_132 : i32
      %convert_element_type3A_134 = arith.extui %lt3A_133 : i1 to i32
      %cond3A_135 = arith.constant 0 : i32
      %cond3A_136 = arith.cmpi ne, %convert_element_type3A_134, %cond3A_135 : i32
      scf.if %cond3A_136 {
        %ge3A = arith.constant 3 : i32
        %ge3A_137 = arith.cmpi sge, %add3A_131, %ge3A : i32
        %convert_element_type3A_138 = arith.extui %ge3A_137 : i1 to i32
        %cond3A_139 = arith.constant 0 : i32
        %cond3A_140 = arith.cmpi ne, %convert_element_type3A_138, %cond3A_139 : i32
        scf.if %cond3A_140 {
          %dma_wait3A_768 = arith.constant 2 : i32
          %dma_wait3A_769 = arith.constant 0 : i32
          %dma_wait3A_770 = arith.constant 0 : i32
          %dma_wait3A_771 = arith.constant 0 : i32
          %dma_wait3A_772 = tpu.memref_slice %arg7[%dma_wait3A_768, %dma_wait3A_769, %dma_wait3A_770, %dma_wait3A_771] : memref<3x4x128x64xf32, #tpu.memory_space<vmem>> -> memref<1x4x128x64xf32, #tpu.memory_space<vmem>>
          %dma_wait3A_773 = tpu.memref_squeeze %dma_wait3A_772 : memref<1x4x128x64xf32, #tpu.memory_space<vmem>> -> memref<4x128x64xf32, #tpu.memory_space<vmem>>
          %dma_wait3A_774 = arith.constant 0 : i32
          %dma_wait3A_775 = arith.constant 0 : i32
          %dma_wait3A_776 = arith.constant 0 : i32
          %dma_wait3A_777 = tpu.memref_slice %arg4[%dma_wait3A_774, %dma_wait3A_775, %dma_wait3A_776] : memref<25600x128x64xf32, #tpu.memory_space<hbm>> -> memref<4x128x64xf32, #tpu.memory_space<hbm>>
          %dma_wait3A_778 = arith.constant 0 : i32
          %dma_wait3A_779 = arith.constant 0 : i32
          %dma_wait3A_780 = arith.constant 0 : i32
          %dma_wait3A_781 = tpu.memref_slice %arg7[%dma_wait3A_768, %dma_wait3A_778, %dma_wait3A_779, %dma_wait3A_780] : memref<3x4x128x64xf32, #tpu.memory_space<vmem>> -> memref<1x4x128x64xf32, #tpu.memory_space<vmem>>
          %dma_wait3A_782 = tpu.memref_squeeze %dma_wait3A_781 : memref<1x4x128x64xf32, #tpu.memory_space<vmem>> -> memref<4x128x64xf32, #tpu.memory_space<vmem>>
          %dma_wait3A_783 = arith.constant 0 : i32
          %dma_wait3A_784 = arith.constant 0 : i32
          %dma_wait3A_785 = arith.constant 0 : i32
          %dma_wait3A_786 = tpu.memref_slice %arg4[%dma_wait3A_783, %dma_wait3A_784, %dma_wait3A_785] : memref<25600x128x64xf32, #tpu.memory_space<hbm>> -> memref<4x128x64xf32, #tpu.memory_space<hbm>>
          tpu.wait_dma2 semaphore(%arg13 : memref<!tpu.dma_semaphore, #tpu.memory_space<semaphore_mem>>) src(%dma_wait3A_786 : memref<4x128x64xf32, #tpu.memory_space<hbm>>) dst(%dma_wait3A_782 : memref<4x128x64xf32, #tpu.memory_space<vmem>>)
        } else {
        }
        %dma_wait3A_141 = arith.constant 2 : i32
        %dma_wait3A_142 = arith.constant 0 : i32
        %dma_wait3A_143 = arith.constant 0 : i32
        %dma_wait3A_144 = tpu.memref_slice %arg6[%dma_wait3A_141, %dma_wait3A_142, %dma_wait3A_143] : memref<3x4x128xi32, #tpu.memory_space<vmem>> -> memref<1x4x128xi32, #tpu.memory_space<vmem>>
        %dma_wait3A_145 = tpu.memref_squeeze %dma_wait3A_144 : memref<1x4x128xi32, #tpu.memory_space<vmem>> -> memref<4x128xi32, #tpu.memory_space<vmem>>
        %dma_wait3A_146 = arith.constant 0 : i32
        %dma_wait3A_147 = arith.constant 0 : i32
        %dma_wait3A_148 = tpu.memref_slice %arg3[%dma_wait3A_146, %dma_wait3A_147] : memref<25600x128xi32, #tpu.memory_space<hbm>> -> memref<4x128xi32, #tpu.memory_space<hbm>>
        %dma_wait3A_149 = arith.constant 0 : i32
        %dma_wait3A_150 = arith.constant 0 : i32
        %dma_wait3A_151 = tpu.memref_slice %arg6[%dma_wait3A_141, %dma_wait3A_149, %dma_wait3A_150] : memref<3x4x128xi32, #tpu.memory_space<vmem>> -> memref<1x4x128xi32, #tpu.memory_space<vmem>>
        %dma_wait3A_152 = tpu.memref_squeeze %dma_wait3A_151 : memref<1x4x128xi32, #tpu.memory_space<vmem>> -> memref<4x128xi32, #tpu.memory_space<vmem>>
        %dma_wait3A_153 = arith.constant 0 : i32
        %dma_wait3A_154 = arith.constant 0 : i32
        %dma_wait3A_155 = tpu.memref_slice %arg3[%dma_wait3A_153, %dma_wait3A_154] : memref<25600x128xi32, #tpu.memory_space<hbm>> -> memref<4x128xi32, #tpu.memory_space<hbm>>
        tpu.wait_dma2 semaphore(%arg16 : memref<!tpu.dma_semaphore, #tpu.memory_space<semaphore_mem>>) src(%dma_wait3A_155 : memref<4x128xi32, #tpu.memory_space<hbm>>) dst(%dma_wait3A_152 : memref<4x128xi32, #tpu.memory_space<vmem>>)
        %get3A = arith.constant 2 : i32
        %get3A_156 = arith.constant 0 : i32
        %get3A_157 = arith.index_cast %get3A : i32 to index
        %get3A_158 = arith.index_cast %get3A_156 : i32 to index
        %get3A_159 = arith.constant 0 : index
        %get3A_160 = tpu.vector_load %arg6[%get3A_157, %get3A_158, %get3A_159] {strides = array<i32>} : memref<3x4x128xi32, #tpu.memory_space<vmem>>, vector<1x1x16xi32>,
        %get3A_161 = vector.shape_cast %get3A_160 : vector<1x1x16xi32> to vector<16xi32>
        %add3A_162 = arith.addi %get3A_161, %broadcast_in_dim3A : vector<16xi32>
        %swap3A = arith.constant 2 : i32
        %swap3A_163 = arith.constant 0 : i32
        %swap3A_164 = arith.index_cast %swap3A : i32 to index
        %swap3A_165 = arith.index_cast %swap3A_163 : i32 to index
        %swap3A_166 = arith.constant 0 : index
        %swap3A_167 = tpu.vector_load %arg6[%swap3A_164, %swap3A_165, %swap3A_166] {strides = array<i32>} : memref<3x4x128xi32, #tpu.memory_space<vmem>>, vector<1x1x16xi32>,
        %swap3A_168 = vector.shape_cast %swap3A_167 : vector<1x1x16xi32> to vector<16xi32>
        %swap3A_169 = vector.shape_cast %add3A_162 : vector<16xi32> to vector<1x1x16xi32>
        tpu.vector_store %arg6[%swap3A_164, %swap3A_165, %swap3A_166], %swap3A_169 {strides = array<i32>} : memref<3x4x128xi32, #tpu.memory_space<vmem>>, vector<1x1x16xi32>,
        %get3A_170 = arith.constant 2 : i32
        %get3A_171 = arith.constant 0 : i32
        %get3A_172 = arith.index_cast %get3A_170 : i32 to index
        %get3A_173 = arith.index_cast %get3A_171 : i32 to index
        %get3A_174 = arith.constant 16 : index
        %get3A_175 = tpu.vector_load %arg6[%get3A_172, %get3A_173, %get3A_174] {strides = array<i32>} : memref<3x4x128xi32, #tpu.memory_space<vmem>>, vector<1x1x16xi32>,
        %get3A_176 = vector.shape_cast %get3A_175 : vector<1x1x16xi32> to vector<16xi32>
        %add3A_177 = arith.addi %get3A_176, %broadcast_in_dim3A : vector<16xi32>
        %swap3A_178 = arith.constant 2 : i32
        %swap3A_179 = arith.constant 0 : i32
        %swap3A_180 = arith.index_cast %swap3A_178 : i32 to index
        %swap3A_181 = arith.index_cast %swap3A_179 : i32 to index
        %swap3A_182 = arith.constant 16 : index
        %swap3A_183 = tpu.vector_load %arg6[%swap3A_180, %swap3A_181, %swap3A_182] {strides = array<i32>} : memref<3x4x128xi32, #tpu.memory_space<vmem>>, vector<1x1x16xi32>,
        %swap3A_184 = vector.shape_cast %swap3A_183 : vector<1x1x16xi32> to vector<16xi32>
        %swap3A_185 = vector.shape_cast %add3A_177 : vector<16xi32> to vector<1x1x16xi32>
        tpu.vector_store %arg6[%swap3A_180, %swap3A_181, %swap3A_182], %swap3A_185 {strides = array<i32>} : memref<3x4x128xi32, #tpu.memory_space<vmem>>, vector<1x1x16xi32>,
        %get3A_186 = arith.constant 2 : i32
        %get3A_187 = arith.constant 0 : i32
        %get3A_188 = arith.index_cast %get3A_186 : i32 to index
        %get3A_189 = arith.index_cast %get3A_187 : i32 to index
        %get3A_190 = arith.constant 32 : index
        %get3A_191 = tpu.vector_load %arg6[%get3A_188, %get3A_189, %get3A_190] {strides = array<i32>} : memref<3x4x128xi32, #tpu.memory_space<vmem>>, vector<1x1x16xi32>,
        %get3A_192 = vector.shape_cast %get3A_191 : vector<1x1x16xi32> to vector<16xi32>
        %add3A_193 = arith.addi %get3A_192, %broadcast_in_dim3A : vector<16xi32>
        %swap3A_194 = arith.constant 2 : i32
        %swap3A_195 = arith.constant 0 : i32
        %swap3A_196 = arith.index_cast %swap3A_194 : i32 to index
        %swap3A_197 = arith.index_cast %swap3A_195 : i32 to index
        %swap3A_198 = arith.constant 32 : index
        %swap3A_199 = tpu.vector_load %arg6[%swap3A_196, %swap3A_197, %swap3A_198] {strides = array<i32>} : memref<3x4x128xi32, #tpu.memory_space<vmem>>, vector<1x1x16xi32>,
        %swap3A_200 = vector.shape_cast %swap3A_199 : vector<1x1x16xi32> to vector<16xi32>
        %swap3A_201 = vector.shape_cast %add3A_193 : vector<16xi32> to vector<1x1x16xi32>
        tpu.vector_store %arg6[%swap3A_196, %swap3A_197, %swap3A_198], %swap3A_201 {strides = array<i32>} : memref<3x4x128xi32, #tpu.memory_space<vmem>>, vector<1x1x16xi32>,
        %get3A_202 = arith.constant 2 : i32
        %get3A_203 = arith.constant 0 : i32
        %get3A_204 = arith.index_cast %get3A_202 : i32 to index
        %get3A_205 = arith.index_cast %get3A_203 : i32 to index
        %get3A_206 = arith.constant 48 : index
        %get3A_207 = tpu.vector_load %arg6[%get3A_204, %get3A_205, %get3A_206] {strides = array<i32>} : memref<3x4x128xi32, #tpu.memory_space<vmem>>, vector<1x1x16xi32>,
        %get3A_208 = vector.shape_cast %get3A_207 : vector<1x1x16xi32> to vector<16xi32>
        %add3A_209 = arith.addi %get3A_208, %broadcast_in_dim3A : vector<16xi32>
        %swap3A_210 = arith.constant 2 : i32
        %swap3A_211 = arith.constant 0 : i32
        %swap3A_212 = arith.index_cast %swap3A_210 : i32 to index
        %swap3A_213 = arith.index_cast %swap3A_211 : i32 to index
        %swap3A_214 = arith.constant 48 : index
        %swap3A_215 = tpu.vector_load %arg6[%swap3A_212, %swap3A_213, %swap3A_214] {strides = array<i32>} : memref<3x4x128xi32, #tpu.memory_space<vmem>>, vector<1x1x16xi32>,
        %swap3A_216 = vector.shape_cast %swap3A_215 : vector<1x1x16xi32> to vector<16xi32>
        %swap3A_217 = vector.shape_cast %add3A_209 : vector<16xi32> to vector<1x1x16xi32>
        tpu.vector_store %arg6[%swap3A_212, %swap3A_213, %swap3A_214], %swap3A_217 {strides = array<i32>} : memref<3x4x128xi32, #tpu.memory_space<vmem>>, vector<1x1x16xi32>,
        %get3A_218 = arith.constant 2 : i32
        %get3A_219 = arith.constant 0 : i32
        %get3A_220 = arith.index_cast %get3A_218 : i32 to index
        %get3A_221 = arith.index_cast %get3A_219 : i32 to index
        %get3A_222 = arith.constant 64 : index
        %get3A_223 = tpu.vector_load %arg6[%get3A_220, %get3A_221, %get3A_222] {strides = array<i32>} : memref<3x4x128xi32, #tpu.memory_space<vmem>>, vector<1x1x16xi32>,
        %get3A_224 = vector.shape_cast %get3A_223 : vector<1x1x16xi32> to vector<16xi32>
        %add3A_225 = arith.addi %get3A_224, %broadcast_in_dim3A : vector<16xi32>
        %swap3A_226 = arith.constant 2 : i32
        %swap3A_227 = arith.constant 0 : i32
        %swap3A_228 = arith.index_cast %swap3A_226 : i32 to index
        %swap3A_229 = arith.index_cast %swap3A_227 : i32 to index
        %swap3A_230 = arith.constant 64 : index
        %swap3A_231 = tpu.vector_load %arg6[%swap3A_228, %swap3A_229, %swap3A_230] {strides = array<i32>} : memref<3x4x128xi32, #tpu.memory_space<vmem>>, vector<1x1x16xi32>,
        %swap3A_232 = vector.shape_cast %swap3A_231 : vector<1x1x16xi32> to vector<16xi32>
        %swap3A_233 = vector.shape_cast %add3A_225 : vector<16xi32> to vector<1x1x16xi32>
        tpu.vector_store %arg6[%swap3A_228, %swap3A_229, %swap3A_230], %swap3A_233 {strides = array<i32>} : memref<3x4x128xi32, #tpu.memory_space<vmem>>, vector<1x1x16xi32>,
        %get3A_234 = arith.constant 2 : i32
        %get3A_235 = arith.constant 0 : i32
        %get3A_236 = arith.index_cast %get3A_234 : i32 to index
        %get3A_237 = arith.index_cast %get3A_235 : i32 to index
        %get3A_238 = arith.constant 80 : index
        %get3A_239 = tpu.vector_load %arg6[%get3A_236, %get3A_237, %get3A_238] {strides = array<i32>} : memref<3x4x128xi32, #tpu.memory_space<vmem>>, vector<1x1x16xi32>,
        %get3A_240 = vector.shape_cast %get3A_239 : vector<1x1x16xi32> to vector<16xi32>
        %add3A_241 = arith.addi %get3A_240, %broadcast_in_dim3A : vector<16xi32>
        %swap3A_242 = arith.constant 2 : i32
        %swap3A_243 = arith.constant 0 : i32
        %swap3A_244 = arith.index_cast %swap3A_242 : i32 to index
        %swap3A_245 = arith.index_cast %swap3A_243 : i32 to index
        %swap3A_246 = arith.constant 80 : index
        %swap3A_247 = tpu.vector_load %arg6[%swap3A_244, %swap3A_245, %swap3A_246] {strides = array<i32>} : memref<3x4x128xi32, #tpu.memory_space<vmem>>, vector<1x1x16xi32>,
        %swap3A_248 = vector.shape_cast %swap3A_247 : vector<1x1x16xi32> to vector<16xi32>
        %swap3A_249 = vector.shape_cast %add3A_241 : vector<16xi32> to vector<1x1x16xi32>
        tpu.vector_store %arg6[%swap3A_244, %swap3A_245, %swap3A_246], %swap3A_249 {strides = array<i32>} : memref<3x4x128xi32, #tpu.memory_space<vmem>>, vector<1x1x16xi32>,
        %get3A_250 = arith.constant 2 : i32
        %get3A_251 = arith.constant 0 : i32
        %get3A_252 = arith.index_cast %get3A_250 : i32 to index
        %get3A_253 = arith.index_cast %get3A_251 : i32 to index
        %get3A_254 = arith.constant 96 : index
        %get3A_255 = tpu.vector_load %arg6[%get3A_252, %get3A_253, %get3A_254] {strides = array<i32>} : memref<3x4x128xi32, #tpu.memory_space<vmem>>, vector<1x1x16xi32>,
        %get3A_256 = vector.shape_cast %get3A_255 : vector<1x1x16xi32> to vector<16xi32>
        %add3A_257 = arith.addi %get3A_256, %broadcast_in_dim3A : vector<16xi32>
        %swap3A_258 = arith.constant 2 : i32
        %swap3A_259 = arith.constant 0 : i32
        %swap3A_260 = arith.index_cast %swap3A_258 : i32 to index
        %swap3A_261 = arith.index_cast %swap3A_259 : i32 to index
        %swap3A_262 = arith.constant 96 : index
        %swap3A_263 = tpu.vector_load %arg6[%swap3A_260, %swap3A_261, %swap3A_262] {strides = array<i32>} : memref<3x4x128xi32, #tpu.memory_space<vmem>>, vector<1x1x16xi32>,
        %swap3A_264 = vector.shape_cast %swap3A_263 : vector<1x1x16xi32> to vector<16xi32>
        %swap3A_265 = vector.shape_cast %add3A_257 : vector<16xi32> to vector<1x1x16xi32>
        tpu.vector_store %arg6[%swap3A_260, %swap3A_261, %swap3A_262], %swap3A_265 {strides = array<i32>} : memref<3x4x128xi32, #tpu.memory_space<vmem>>, vector<1x1x16xi32>,
        %get3A_266 = arith.constant 2 : i32
        %get3A_267 = arith.constant 0 : i32
        %get3A_268 = arith.index_cast %get3A_266 : i32 to index
        %get3A_269 = arith.index_cast %get3A_267 : i32 to index
        %get3A_270 = arith.constant 112 : index
        %get3A_271 = tpu.vector_load %arg6[%get3A_268, %get3A_269, %get3A_270] {strides = array<i32>} : memref<3x4x128xi32, #tpu.memory_space<vmem>>, vector<1x1x16xi32>,
        %get3A_272 = vector.shape_cast %get3A_271 : vector<1x1x16xi32> to vector<16xi32>
        %add3A_273 = arith.addi %get3A_272, %broadcast_in_dim3A : vector<16xi32>
        %swap3A_274 = arith.constant 2 : i32
        %swap3A_275 = arith.constant 0 : i32
        %swap3A_276 = arith.index_cast %swap3A_274 : i32 to index
        %swap3A_277 = arith.index_cast %swap3A_275 : i32 to index
        %swap3A_278 = arith.constant 112 : index
        %swap3A_279 = tpu.vector_load %arg6[%swap3A_276, %swap3A_277, %swap3A_278] {strides = array<i32>} : memref<3x4x128xi32, #tpu.memory_space<vmem>>, vector<1x1x16xi32>,
        %swap3A_280 = vector.shape_cast %swap3A_279 : vector<1x1x16xi32> to vector<16xi32>
        %swap3A_281 = vector.shape_cast %add3A_273 : vector<16xi32> to vector<1x1x16xi32>
        tpu.vector_store %arg6[%swap3A_276, %swap3A_277, %swap3A_278], %swap3A_281 {strides = array<i32>} : memref<3x4x128xi32, #tpu.memory_space<vmem>>, vector<1x1x16xi32>,
        %dma_start3A_282 = arith.constant 2 : i32
        %dma_start3A_283 = arith.constant 0 : i32
        %dma_start3A_284 = arith.constant 2 : i32
        %dma_start3A_285 = arith.constant 0 : i32
        %dma_start3A_286 = arith.constant 0 : i32
        %dma_start3A_287 = arith.constant 0 : i32
        %dma_start3A_288 = tpu.memref_slice %arg7[%dma_start3A_284, %dma_start3A_285, %dma_start3A_286, %dma_start3A_287] : memref<3x4x128x64xf32, #tpu.memory_space<vmem>> -> memref<1x1x128x64xf32, #tpu.memory_space<vmem>>
        %dma_start3A_289 = tpu.memref_squeeze %dma_start3A_288 : memref<1x1x128x64xf32, #tpu.memory_space<vmem>> -> memref<128x64xf32, #tpu.memory_space<vmem>>
        %dma_start3A_290 = arith.constant 0 : i32
        %dma_start3A_291 = tpu.memref_slice %arg6[%dma_start3A_282, %dma_start3A_283, %dma_start3A_290] : memref<3x4x128xi32, #tpu.memory_space<vmem>> -> memref<1x1x128xi32, #tpu.memory_space<vmem>>
        %dma_start3A_292 = tpu.memref_squeeze %dma_start3A_291 : memref<1x1x128xi32, #tpu.memory_space<vmem>> -> memref<128xi32, #tpu.memory_space<vmem>>
        %dma_start3A_293 = arith.constant 0 : i32
        %dma_start3A_294 = arith.constant 0 : i32
        %dma_start3A_295 = tpu.memref_slice %arg5[%dma_start3A_293, %dma_start3A_294] : memref<320x64xf32, #tpu.memory_space<vmem_shared>> -> memref<320x64xf32, #tpu.memory_space<vmem_shared>>
        tpu.enqueue_indirect_dma source(%dma_start3A_295 : memref<320x64xf32, #tpu.memory_space<vmem_shared>>) target(%dma_start3A_289 : memref<128x64xf32, #tpu.memory_space<vmem>>) offsets(%dma_start3A_292 : memref<128xi32, #tpu.memory_space<vmem>>) semaphore(%arg10 : memref<!tpu.dma_semaphore, #tpu.memory_space<semaphore_mem>>)
        %get3A_296 = arith.constant 2 : i32
        %get3A_297 = arith.constant 1 : i32
        %get3A_298 = arith.index_cast %get3A_296 : i32 to index
        %get3A_299 = arith.index_cast %get3A_297 : i32 to index
        %get3A_300 = arith.constant 0 : index
        %get3A_301 = tpu.vector_load %arg6[%get3A_298, %get3A_299, %get3A_300] {strides = array<i32>} : memref<3x4x128xi32, #tpu.memory_space<vmem>>, vector<1x1x16xi32>,
        %get3A_302 = vector.shape_cast %get3A_301 : vector<1x1x16xi32> to vector<16xi32>
        %add3A_303 = arith.addi %get3A_302, %broadcast_in_dim3A : vector<16xi32>
        %swap3A_304 = arith.constant 2 : i32
        %swap3A_305 = arith.constant 1 : i32
        %swap3A_306 = arith.index_cast %swap3A_304 : i32 to index
        %swap3A_307 = arith.index_cast %swap3A_305 : i32 to index
        %swap3A_308 = arith.constant 0 : index
        %swap3A_309 = tpu.vector_load %arg6[%swap3A_306, %swap3A_307, %swap3A_308] {strides = array<i32>} : memref<3x4x128xi32, #tpu.memory_space<vmem>>, vector<1x1x16xi32>,
        %swap3A_310 = vector.shape_cast %swap3A_309 : vector<1x1x16xi32> to vector<16xi32>
        %swap3A_311 = vector.shape_cast %add3A_303 : vector<16xi32> to vector<1x1x16xi32>
        tpu.vector_store %arg6[%swap3A_306, %swap3A_307, %swap3A_308], %swap3A_311 {strides = array<i32>} : memref<3x4x128xi32, #tpu.memory_space<vmem>>, vector<1x1x16xi32>,
        %get3A_312 = arith.constant 2 : i32
        %get3A_313 = arith.constant 1 : i32
        %get3A_314 = arith.index_cast %get3A_312 : i32 to index
        %get3A_315 = arith.index_cast %get3A_313 : i32 to index
        %get3A_316 = arith.constant 16 : index
        %get3A_317 = tpu.vector_load %arg6[%get3A_314, %get3A_315, %get3A_316] {strides = array<i32>} : memref<3x4x128xi32, #tpu.memory_space<vmem>>, vector<1x1x16xi32>,
        %get3A_318 = vector.shape_cast %get3A_317 : vector<1x1x16xi32> to vector<16xi32>
        %add3A_319 = arith.addi %get3A_318, %broadcast_in_dim3A : vector<16xi32>
        %swap3A_320 = arith.constant 2 : i32
        %swap3A_321 = arith.constant 1 : i32
        %swap3A_322 = arith.index_cast %swap3A_320 : i32 to index
        %swap3A_323 = arith.index_cast %swap3A_321 : i32 to index
        %swap3A_324 = arith.constant 16 : index
        %swap3A_325 = tpu.vector_load %arg6[%swap3A_322, %swap3A_323, %swap3A_324] {strides = array<i32>} : memref<3x4x128xi32, #tpu.memory_space<vmem>>, vector<1x1x16xi32>,
        %swap3A_326 = vector.shape_cast %swap3A_325 : vector<1x1x16xi32> to vector<16xi32>
        %swap3A_327 = vector.shape_cast %add3A_319 : vector<16xi32> to vector<1x1x16xi32>
        tpu.vector_store %arg6[%swap3A_322, %swap3A_323, %swap3A_324], %swap3A_327 {strides = array<i32>} : memref<3x4x128xi32, #tpu.memory_space<vmem>>, vector<1x1x16xi32>,
        %get3A_328 = arith.constant 2 : i32
        %get3A_329 = arith.constant 1 : i32
        %get3A_330 = arith.index_cast %get3A_328 : i32 to index
        %get3A_331 = arith.index_cast %get3A_329 : i32 to index
        %get3A_332 = arith.constant 32 : index
        %get3A_333 = tpu.vector_load %arg6[%get3A_330, %get3A_331, %get3A_332] {strides = array<i32>} : memref<3x4x128xi32, #tpu.memory_space<vmem>>, vector<1x1x16xi32>,
        %get3A_334 = vector.shape_cast %get3A_333 : vector<1x1x16xi32> to vector<16xi32>
        %add3A_335 = arith.addi %get3A_334, %broadcast_in_dim3A : vector<16xi32>
        %swap3A_336 = arith.constant 2 : i32
        %swap3A_337 = arith.constant 1 : i32
        %swap3A_338 = arith.index_cast %swap3A_336 : i32 to index
        %swap3A_339 = arith.index_cast %swap3A_337 : i32 to index
        %swap3A_340 = arith.constant 32 : index
        %swap3A_341 = tpu.vector_load %arg6[%swap3A_338, %swap3A_339, %swap3A_340] {strides = array<i32>} : memref<3x4x128xi32, #tpu.memory_space<vmem>>, vector<1x1x16xi32>,
        %swap3A_342 = vector.shape_cast %swap3A_341 : vector<1x1x16xi32> to vector<16xi32>
        %swap3A_343 = vector.shape_cast %add3A_335 : vector<16xi32> to vector<1x1x16xi32>
        tpu.vector_store %arg6[%swap3A_338, %swap3A_339, %swap3A_340], %swap3A_343 {strides = array<i32>} : memref<3x4x128xi32, #tpu.memory_space<vmem>>, vector<1x1x16xi32>,
        %get3A_344 = arith.constant 2 : i32
        %get3A_345 = arith.constant 1 : i32
        %get3A_346 = arith.index_cast %get3A_344 : i32 to index
        %get3A_347 = arith.index_cast %get3A_345 : i32 to index
        %get3A_348 = arith.constant 48 : index
        %get3A_349 = tpu.vector_load %arg6[%get3A_346, %get3A_347, %get3A_348] {strides = array<i32>} : memref<3x4x128xi32, #tpu.memory_space<vmem>>, vector<1x1x16xi32>,
        %get3A_350 = vector.shape_cast %get3A_349 : vector<1x1x16xi32> to vector<16xi32>
        %add3A_351 = arith.addi %get3A_350, %broadcast_in_dim3A : vector<16xi32>
        %swap3A_352 = arith.constant 2 : i32
        %swap3A_353 = arith.constant 1 : i32
        %swap3A_354 = arith.index_cast %swap3A_352 : i32 to index
        %swap3A_355 = arith.index_cast %swap3A_353 : i32 to index
        %swap3A_356 = arith.constant 48 : index
        %swap3A_357 = tpu.vector_load %arg6[%swap3A_354, %swap3A_355, %swap3A_356] {strides = array<i32>} : memref<3x4x128xi32, #tpu.memory_space<vmem>>, vector<1x1x16xi32>,
        %swap3A_358 = vector.shape_cast %swap3A_357 : vector<1x1x16xi32> to vector<16xi32>
        %swap3A_359 = vector.shape_cast %add3A_351 : vector<16xi32> to vector<1x1x16xi32>
        tpu.vector_store %arg6[%swap3A_354, %swap3A_355, %swap3A_356], %swap3A_359 {strides = array<i32>} : memref<3x4x128xi32, #tpu.memory_space<vmem>>, vector<1x1x16xi32>,
        %get3A_360 = arith.constant 2 : i32
        %get3A_361 = arith.constant 1 : i32
        %get3A_362 = arith.index_cast %get3A_360 : i32 to index
        %get3A_363 = arith.index_cast %get3A_361 : i32 to index
        %get3A_364 = arith.constant 64 : index
        %get3A_365 = tpu.vector_load %arg6[%get3A_362, %get3A_363, %get3A_364] {strides = array<i32>} : memref<3x4x128xi32, #tpu.memory_space<vmem>>, vector<1x1x16xi32>,
        %get3A_366 = vector.shape_cast %get3A_365 : vector<1x1x16xi32> to vector<16xi32>
        %add3A_367 = arith.addi %get3A_366, %broadcast_in_dim3A : vector<16xi32>
        %swap3A_368 = arith.constant 2 : i32
        %swap3A_369 = arith.constant 1 : i32
        %swap3A_370 = arith.index_cast %swap3A_368 : i32 to index
        %swap3A_371 = arith.index_cast %swap3A_369 : i32 to index
        %swap3A_372 = arith.constant 64 : index
        %swap3A_373 = tpu.vector_load %arg6[%swap3A_370, %swap3A_371, %swap3A_372] {strides = array<i32>} : memref<3x4x128xi32, #tpu.memory_space<vmem>>, vector<1x1x16xi32>,
        %swap3A_374 = vector.shape_cast %swap3A_373 : vector<1x1x16xi32> to vector<16xi32>
        %swap3A_375 = vector.shape_cast %add3A_367 : vector<16xi32> to vector<1x1x16xi32>
        tpu.vector_store %arg6[%swap3A_370, %swap3A_371, %swap3A_372], %swap3A_375 {strides = array<i32>} : memref<3x4x128xi32, #tpu.memory_space<vmem>>, vector<1x1x16xi32>,
        %get3A_376 = arith.constant 2 : i32
        %get3A_377 = arith.constant 1 : i32
        %get3A_378 = arith.index_cast %get3A_376 : i32 to index
        %get3A_379 = arith.index_cast %get3A_377 : i32 to index
        %get3A_380 = arith.constant 80 : index
        %get3A_381 = tpu.vector_load %arg6[%get3A_378, %get3A_379, %get3A_380] {strides = array<i32>} : memref<3x4x128xi32, #tpu.memory_space<vmem>>, vector<1x1x16xi32>,
        %get3A_382 = vector.shape_cast %get3A_381 : vector<1x1x16xi32> to vector<16xi32>
        %add3A_383 = arith.addi %get3A_382, %broadcast_in_dim3A : vector<16xi32>
        %swap3A_384 = arith.constant 2 : i32
        %swap3A_385 = arith.constant 1 : i32
        %swap3A_386 = arith.index_cast %swap3A_384 : i32 to index
        %swap3A_387 = arith.index_cast %swap3A_385 : i32 to index
        %swap3A_388 = arith.constant 80 : index
        %swap3A_389 = tpu.vector_load %arg6[%swap3A_386, %swap3A_387, %swap3A_388] {strides = array<i32>} : memref<3x4x128xi32, #tpu.memory_space<vmem>>, vector<1x1x16xi32>,
        %swap3A_390 = vector.shape_cast %swap3A_389 : vector<1x1x16xi32> to vector<16xi32>
        %swap3A_391 = vector.shape_cast %add3A_383 : vector<16xi32> to vector<1x1x16xi32>
        tpu.vector_store %arg6[%swap3A_386, %swap3A_387, %swap3A_388], %swap3A_391 {strides = array<i32>} : memref<3x4x128xi32, #tpu.memory_space<vmem>>, vector<1x1x16xi32>,
        %get3A_392 = arith.constant 2 : i32
        %get3A_393 = arith.constant 1 : i32
        %get3A_394 = arith.index_cast %get3A_392 : i32 to index
        %get3A_395 = arith.index_cast %get3A_393 : i32 to index
        %get3A_396 = arith.constant 96 : index
        %get3A_397 = tpu.vector_load %arg6[%get3A_394, %get3A_395, %get3A_396] {strides = array<i32>} : memref<3x4x128xi32, #tpu.memory_space<vmem>>, vector<1x1x16xi32>,
        %get3A_398 = vector.shape_cast %get3A_397 : vector<1x1x16xi32> to vector<16xi32>
        %add3A_399 = arith.addi %get3A_398, %broadcast_in_dim3A : vector<16xi32>
        %swap3A_400 = arith.constant 2 : i32
        %swap3A_401 = arith.constant 1 : i32
        %swap3A_402 = arith.index_cast %swap3A_400 : i32 to index
        %swap3A_403 = arith.index_cast %swap3A_401 : i32 to index
        %swap3A_404 = arith.constant 96 : index
        %swap3A_405 = tpu.vector_load %arg6[%swap3A_402, %swap3A_403, %swap3A_404] {strides = array<i32>} : memref<3x4x128xi32, #tpu.memory_space<vmem>>, vector<1x1x16xi32>,
        %swap3A_406 = vector.shape_cast %swap3A_405 : vector<1x1x16xi32> to vector<16xi32>
        %swap3A_407 = vector.shape_cast %add3A_399 : vector<16xi32> to vector<1x1x16xi32>
        tpu.vector_store %arg6[%swap3A_402, %swap3A_403, %swap3A_404], %swap3A_407 {strides = array<i32>} : memref<3x4x128xi32, #tpu.memory_space<vmem>>, vector<1x1x16xi32>,
        %get3A_408 = arith.constant 2 : i32
        %get3A_409 = arith.constant 1 : i32
        %get3A_410 = arith.index_cast %get3A_408 : i32 to index
        %get3A_411 = arith.index_cast %get3A_409 : i32 to index
        %get3A_412 = arith.constant 112 : index
        %get3A_413 = tpu.vector_load %arg6[%get3A_410, %get3A_411, %get3A_412] {strides = array<i32>} : memref<3x4x128xi32, #tpu.memory_space<vmem>>, vector<1x1x16xi32>,
        %get3A_414 = vector.shape_cast %get3A_413 : vector<1x1x16xi32> to vector<16xi32>
        %add3A_415 = arith.addi %get3A_414, %broadcast_in_dim3A : vector<16xi32>
        %swap3A_416 = arith.constant 2 : i32
        %swap3A_417 = arith.constant 1 : i32
        %swap3A_418 = arith.index_cast %swap3A_416 : i32 to index
        %swap3A_419 = arith.index_cast %swap3A_417 : i32 to index
        %swap3A_420 = arith.constant 112 : index
        %swap3A_421 = tpu.vector_load %arg6[%swap3A_418, %swap3A_419, %swap3A_420] {strides = array<i32>} : memref<3x4x128xi32, #tpu.memory_space<vmem>>, vector<1x1x16xi32>,
        %swap3A_422 = vector.shape_cast %swap3A_421 : vector<1x1x16xi32> to vector<16xi32>
        %swap3A_423 = vector.shape_cast %add3A_415 : vector<16xi32> to vector<1x1x16xi32>
        tpu.vector_store %arg6[%swap3A_418, %swap3A_419, %swap3A_420], %swap3A_423 {strides = array<i32>} : memref<3x4x128xi32, #tpu.memory_space<vmem>>, vector<1x1x16xi32>,
        %dma_start3A_424 = arith.constant 2 : i32
        %dma_start3A_425 = arith.constant 1 : i32
        %dma_start3A_426 = arith.constant 2 : i32
        %dma_start3A_427 = arith.constant 1 : i32
        %dma_start3A_428 = arith.constant 0 : i32
        %dma_start3A_429 = arith.constant 0 : i32
        %dma_start3A_430 = tpu.memref_slice %arg7[%dma_start3A_426, %dma_start3A_427, %dma_start3A_428, %dma_start3A_429] : memref<3x4x128x64xf32, #tpu.memory_space<vmem>> -> memref<1x1x128x64xf32, #tpu.memory_space<vmem>>
        %dma_start3A_431 = tpu.memref_squeeze %dma_start3A_430 : memref<1x1x128x64xf32, #tpu.memory_space<vmem>> -> memref<128x64xf32, #tpu.memory_space<vmem>>
        %dma_start3A_432 = arith.constant 0 : i32
        %dma_start3A_433 = tpu.memref_slice %arg6[%dma_start3A_424, %dma_start3A_425, %dma_start3A_432] : memref<3x4x128xi32, #tpu.memory_space<vmem>> -> memref<1x1x128xi32, #tpu.memory_space<vmem>>
        %dma_start3A_434 = tpu.memref_squeeze %dma_start3A_433 : memref<1x1x128xi32, #tpu.memory_space<vmem>> -> memref<128xi32, #tpu.memory_space<vmem>>
        %dma_start3A_435 = arith.constant 0 : i32
        %dma_start3A_436 = arith.constant 0 : i32
        %dma_start3A_437 = tpu.memref_slice %arg5[%dma_start3A_435, %dma_start3A_436] : memref<320x64xf32, #tpu.memory_space<vmem_shared>> -> memref<320x64xf32, #tpu.memory_space<vmem_shared>>
        tpu.enqueue_indirect_dma source(%dma_start3A_437 : memref<320x64xf32, #tpu.memory_space<vmem_shared>>) target(%dma_start3A_431 : memref<128x64xf32, #tpu.memory_space<vmem>>) offsets(%dma_start3A_434 : memref<128xi32, #tpu.memory_space<vmem>>) semaphore(%arg10 : memref<!tpu.dma_semaphore, #tpu.memory_space<semaphore_mem>>)
        %get3A_438 = arith.constant 2 : i32
        %get3A_439 = arith.constant 2 : i32
        %get3A_440 = arith.index_cast %get3A_438 : i32 to index
        %get3A_441 = arith.index_cast %get3A_439 : i32 to index
        %get3A_442 = arith.constant 0 : index
        %get3A_443 = tpu.vector_load %arg6[%get3A_440, %get3A_441, %get3A_442] {strides = array<i32>} : memref<3x4x128xi32, #tpu.memory_space<vmem>>, vector<1x1x16xi32>,
        %get3A_444 = vector.shape_cast %get3A_443 : vector<1x1x16xi32> to vector<16xi32>
        %add3A_445 = arith.addi %get3A_444, %broadcast_in_dim3A : vector<16xi32>
        %swap3A_446 = arith.constant 2 : i32
        %swap3A_447 = arith.constant 2 : i32
        %swap3A_448 = arith.index_cast %swap3A_446 : i32 to index
        %swap3A_449 = arith.index_cast %swap3A_447 : i32 to index
        %swap3A_450 = arith.constant 0 : index
        %swap3A_451 = tpu.vector_load %arg6[%swap3A_448, %swap3A_449, %swap3A_450] {strides = array<i32>} : memref<3x4x128xi32, #tpu.memory_space<vmem>>, vector<1x1x16xi32>,
        %swap3A_452 = vector.shape_cast %swap3A_451 : vector<1x1x16xi32> to vector<16xi32>
        %swap3A_453 = vector.shape_cast %add3A_445 : vector<16xi32> to vector<1x1x16xi32>
        tpu.vector_store %arg6[%swap3A_448, %swap3A_449, %swap3A_450], %swap3A_453 {strides = array<i32>} : memref<3x4x128xi32, #tpu.memory_space<vmem>>, vector<1x1x16xi32>,
        %get3A_454 = arith.constant 2 : i32
        %get3A_455 = arith.constant 2 : i32
        %get3A_456 = arith.index_cast %get3A_454 : i32 to index
        %get3A_457 = arith.index_cast %get3A_455 : i32 to index
        %get3A_458 = arith.constant 16 : index
        %get3A_459 = tpu.vector_load %arg6[%get3A_456, %get3A_457, %get3A_458] {strides = array<i32>} : memref<3x4x128xi32, #tpu.memory_space<vmem>>, vector<1x1x16xi32>,
        %get3A_460 = vector.shape_cast %get3A_459 : vector<1x1x16xi32> to vector<16xi32>
        %add3A_461 = arith.addi %get3A_460, %broadcast_in_dim3A : vector<16xi32>
        %swap3A_462 = arith.constant 2 : i32
        %swap3A_463 = arith.constant 2 : i32
        %swap3A_464 = arith.index_cast %swap3A_462 : i32 to index
        %swap3A_465 = arith.index_cast %swap3A_463 : i32 to index
        %swap3A_466 = arith.constant 16 : index
        %swap3A_467 = tpu.vector_load %arg6[%swap3A_464, %swap3A_465, %swap3A_466] {strides = array<i32>} : memref<3x4x128xi32, #tpu.memory_space<vmem>>, vector<1x1x16xi32>,
        %swap3A_468 = vector.shape_cast %swap3A_467 : vector<1x1x16xi32> to vector<16xi32>
        %swap3A_469 = vector.shape_cast %add3A_461 : vector<16xi32> to vector<1x1x16xi32>
        tpu.vector_store %arg6[%swap3A_464, %swap3A_465, %swap3A_466], %swap3A_469 {strides = array<i32>} : memref<3x4x128xi32, #tpu.memory_space<vmem>>, vector<1x1x16xi32>,
        %get3A_470 = arith.constant 2 : i32
        %get3A_471 = arith.constant 2 : i32
        %get3A_472 = arith.index_cast %get3A_470 : i32 to index
        %get3A_473 = arith.index_cast %get3A_471 : i32 to index
        %get3A_474 = arith.constant 32 : index
        %get3A_475 = tpu.vector_load %arg6[%get3A_472, %get3A_473, %get3A_474] {strides = array<i32>} : memref<3x4x128xi32, #tpu.memory_space<vmem>>, vector<1x1x16xi32>,
        %get3A_476 = vector.shape_cast %get3A_475 : vector<1x1x16xi32> to vector<16xi32>
        %add3A_477 = arith.addi %get3A_476, %broadcast_in_dim3A : vector<16xi32>
        %swap3A_478 = arith.constant 2 : i32
        %swap3A_479 = arith.constant 2 : i32
        %swap3A_480 = arith.index_cast %swap3A_478 : i32 to index
        %swap3A_481 = arith.index_cast %swap3A_479 : i32 to index
        %swap3A_482 = arith.constant 32 : index
        %swap3A_483 = tpu.vector_load %arg6[%swap3A_480, %swap3A_481, %swap3A_482] {strides = array<i32>} : memref<3x4x128xi32, #tpu.memory_space<vmem>>, vector<1x1x16xi32>,
        %swap3A_484 = vector.shape_cast %swap3A_483 : vector<1x1x16xi32> to vector<16xi32>
        %swap3A_485 = vector.shape_cast %add3A_477 : vector<16xi32> to vector<1x1x16xi32>
        tpu.vector_store %arg6[%swap3A_480, %swap3A_481, %swap3A_482], %swap3A_485 {strides = array<i32>} : memref<3x4x128xi32, #tpu.memory_space<vmem>>, vector<1x1x16xi32>,
        %get3A_486 = arith.constant 2 : i32
        %get3A_487 = arith.constant 2 : i32
        %get3A_488 = arith.index_cast %get3A_486 : i32 to index
        %get3A_489 = arith.index_cast %get3A_487 : i32 to index
        %get3A_490 = arith.constant 48 : index
        %get3A_491 = tpu.vector_load %arg6[%get3A_488, %get3A_489, %get3A_490] {strides = array<i32>} : memref<3x4x128xi32, #tpu.memory_space<vmem>>, vector<1x1x16xi32>,
        %get3A_492 = vector.shape_cast %get3A_491 : vector<1x1x16xi32> to vector<16xi32>
        %add3A_493 = arith.addi %get3A_492, %broadcast_in_dim3A : vector<16xi32>
        %swap3A_494 = arith.constant 2 : i32
        %swap3A_495 = arith.constant 2 : i32
        %swap3A_496 = arith.index_cast %swap3A_494 : i32 to index
        %swap3A_497 = arith.index_cast %swap3A_495 : i32 to index
        %swap3A_498 = arith.constant 48 : index
        %swap3A_499 = tpu.vector_load %arg6[%swap3A_496, %swap3A_497, %swap3A_498] {strides = array<i32>} : memref<3x4x128xi32, #tpu.memory_space<vmem>>, vector<1x1x16xi32>,
        %swap3A_500 = vector.shape_cast %swap3A_499 : vector<1x1x16xi32> to vector<16xi32>
        %swap3A_501 = vector.shape_cast %add3A_493 : vector<16xi32> to vector<1x1x16xi32>
        tpu.vector_store %arg6[%swap3A_496, %swap3A_497, %swap3A_498], %swap3A_501 {strides = array<i32>} : memref<3x4x128xi32, #tpu.memory_space<vmem>>, vector<1x1x16xi32>,
        %get3A_502 = arith.constant 2 : i32
        %get3A_503 = arith.constant 2 : i32
        %get3A_504 = arith.index_cast %get3A_502 : i32 to index
        %get3A_505 = arith.index_cast %get3A_503 : i32 to index
        %get3A_506 = arith.constant 64 : index
        %get3A_507 = tpu.vector_load %arg6[%get3A_504, %get3A_505, %get3A_506] {strides = array<i32>} : memref<3x4x128xi32, #tpu.memory_space<vmem>>, vector<1x1x16xi32>,
        %get3A_508 = vector.shape_cast %get3A_507 : vector<1x1x16xi32> to vector<16xi32>
        %add3A_509 = arith.addi %get3A_508, %broadcast_in_dim3A : vector<16xi32>
        %swap3A_510 = arith.constant 2 : i32
        %swap3A_511 = arith.constant 2 : i32
        %swap3A_512 = arith.index_cast %swap3A_510 : i32 to index
        %swap3A_513 = arith.index_cast %swap3A_511 : i32 to index
        %swap3A_514 = arith.constant 64 : index
        %swap3A_515 = tpu.vector_load %arg6[%swap3A_512, %swap3A_513, %swap3A_514] {strides = array<i32>} : memref<3x4x128xi32, #tpu.memory_space<vmem>>, vector<1x1x16xi32>,
        %swap3A_516 = vector.shape_cast %swap3A_515 : vector<1x1x16xi32> to vector<16xi32>
        %swap3A_517 = vector.shape_cast %add3A_509 : vector<16xi32> to vector<1x1x16xi32>
        tpu.vector_store %arg6[%swap3A_512, %swap3A_513, %swap3A_514], %swap3A_517 {strides = array<i32>} : memref<3x4x128xi32, #tpu.memory_space<vmem>>, vector<1x1x16xi32>,
        %get3A_518 = arith.constant 2 : i32
        %get3A_519 = arith.constant 2 : i32
        %get3A_520 = arith.index_cast %get3A_518 : i32 to index
        %get3A_521 = arith.index_cast %get3A_519 : i32 to index
        %get3A_522 = arith.constant 80 : index
        %get3A_523 = tpu.vector_load %arg6[%get3A_520, %get3A_521, %get3A_522] {strides = array<i32>} : memref<3x4x128xi32, #tpu.memory_space<vmem>>, vector<1x1x16xi32>,
        %get3A_524 = vector.shape_cast %get3A_523 : vector<1x1x16xi32> to vector<16xi32>
        %add3A_525 = arith.addi %get3A_524, %broadcast_in_dim3A : vector<16xi32>
        %swap3A_526 = arith.constant 2 : i32
        %swap3A_527 = arith.constant 2 : i32
        %swap3A_528 = arith.index_cast %swap3A_526 : i32 to index
        %swap3A_529 = arith.index_cast %swap3A_527 : i32 to index
        %swap3A_530 = arith.constant 80 : index
        %swap3A_531 = tpu.vector_load %arg6[%swap3A_528, %swap3A_529, %swap3A_530] {strides = array<i32>} : memref<3x4x128xi32, #tpu.memory_space<vmem>>, vector<1x1x16xi32>,
        %swap3A_532 = vector.shape_cast %swap3A_531 : vector<1x1x16xi32> to vector<16xi32>
        %swap3A_533 = vector.shape_cast %add3A_525 : vector<16xi32> to vector<1x1x16xi32>
        tpu.vector_store %arg6[%swap3A_528, %swap3A_529, %swap3A_530], %swap3A_533 {strides = array<i32>} : memref<3x4x128xi32, #tpu.memory_space<vmem>>, vector<1x1x16xi32>,
        %get3A_534 = arith.constant 2 : i32
        %get3A_535 = arith.constant 2 : i32
        %get3A_536 = arith.index_cast %get3A_534 : i32 to index
        %get3A_537 = arith.index_cast %get3A_535 : i32 to index
        %get3A_538 = arith.constant 96 : index
        %get3A_539 = tpu.vector_load %arg6[%get3A_536, %get3A_537, %get3A_538] {strides = array<i32>} : memref<3x4x128xi32, #tpu.memory_space<vmem>>, vector<1x1x16xi32>,
        %get3A_540 = vector.shape_cast %get3A_539 : vector<1x1x16xi32> to vector<16xi32>
        %add3A_541 = arith.addi %get3A_540, %broadcast_in_dim3A : vector<16xi32>
        %swap3A_542 = arith.constant 2 : i32
        %swap3A_543 = arith.constant 2 : i32
        %swap3A_544 = arith.index_cast %swap3A_542 : i32 to index
        %swap3A_545 = arith.index_cast %swap3A_543 : i32 to index
        %swap3A_546 = arith.constant 96 : index
        %swap3A_547 = tpu.vector_load %arg6[%swap3A_544, %swap3A_545, %swap3A_546] {strides = array<i32>} : memref<3x4x128xi32, #tpu.memory_space<vmem>>, vector<1x1x16xi32>,
        %swap3A_548 = vector.shape_cast %swap3A_547 : vector<1x1x16xi32> to vector<16xi32>
        %swap3A_549 = vector.shape_cast %add3A_541 : vector<16xi32> to vector<1x1x16xi32>
        tpu.vector_store %arg6[%swap3A_544, %swap3A_545, %swap3A_546], %swap3A_549 {strides = array<i32>} : memref<3x4x128xi32, #tpu.memory_space<vmem>>, vector<1x1x16xi32>,
        %get3A_550 = arith.constant 2 : i32
        %get3A_551 = arith.constant 2 : i32
        %get3A_552 = arith.index_cast %get3A_550 : i32 to index
        %get3A_553 = arith.index_cast %get3A_551 : i32 to index
        %get3A_554 = arith.constant 112 : index
        %get3A_555 = tpu.vector_load %arg6[%get3A_552, %get3A_553, %get3A_554] {strides = array<i32>} : memref<3x4x128xi32, #tpu.memory_space<vmem>>, vector<1x1x16xi32>,
        %get3A_556 = vector.shape_cast %get3A_555 : vector<1x1x16xi32> to vector<16xi32>
        %add3A_557 = arith.addi %get3A_556, %broadcast_in_dim3A : vector<16xi32>
        %swap3A_558 = arith.constant 2 : i32
        %swap3A_559 = arith.constant 2 : i32
        %swap3A_560 = arith.index_cast %swap3A_558 : i32 to index
        %swap3A_561 = arith.index_cast %swap3A_559 : i32 to index
        %swap3A_562 = arith.constant 112 : index
        %swap3A_563 = tpu.vector_load %arg6[%swap3A_560, %swap3A_561, %swap3A_562] {strides = array<i32>} : memref<3x4x128xi32, #tpu.memory_space<vmem>>, vector<1x1x16xi32>,
        %swap3A_564 = vector.shape_cast %swap3A_563 : vector<1x1x16xi32> to vector<16xi32>
        %swap3A_565 = vector.shape_cast %add3A_557 : vector<16xi32> to vector<1x1x16xi32>
        tpu.vector_store %arg6[%swap3A_560, %swap3A_561, %swap3A_562], %swap3A_565 {strides = array<i32>} : memref<3x4x128xi32, #tpu.memory_space<vmem>>, vector<1x1x16xi32>,
        %dma_start3A_566 = arith.constant 2 : i32
        %dma_start3A_567 = arith.constant 2 : i32
        %dma_start3A_568 = arith.constant 2 : i32
        %dma_start3A_569 = arith.constant 2 : i32
        %dma_start3A_570 = arith.constant 0 : i32
        %dma_start3A_571 = arith.constant 0 : i32
        %dma_start3A_572 = tpu.memref_slice %arg7[%dma_start3A_568, %dma_start3A_569, %dma_start3A_570, %dma_start3A_571] : memref<3x4x128x64xf32, #tpu.memory_space<vmem>> -> memref<1x1x128x64xf32, #tpu.memory_space<vmem>>
        %dma_start3A_573 = tpu.memref_squeeze %dma_start3A_572 : memref<1x1x128x64xf32, #tpu.memory_space<vmem>> -> memref<128x64xf32, #tpu.memory_space<vmem>>
        %dma_start3A_574 = arith.constant 0 : i32
        %dma_start3A_575 = tpu.memref_slice %arg6[%dma_start3A_566, %dma_start3A_567, %dma_start3A_574] : memref<3x4x128xi32, #tpu.memory_space<vmem>> -> memref<1x1x128xi32, #tpu.memory_space<vmem>>
        %dma_start3A_576 = tpu.memref_squeeze %dma_start3A_575 : memref<1x1x128xi32, #tpu.memory_space<vmem>> -> memref<128xi32, #tpu.memory_space<vmem>>
        %dma_start3A_577 = arith.constant 0 : i32
        %dma_start3A_578 = arith.constant 0 : i32
        %dma_start3A_579 = tpu.memref_slice %arg5[%dma_start3A_577, %dma_start3A_578] : memref<320x64xf32, #tpu.memory_space<vmem_shared>> -> memref<320x64xf32, #tpu.memory_space<vmem_shared>>
        tpu.enqueue_indirect_dma source(%dma_start3A_579 : memref<320x64xf32, #tpu.memory_space<vmem_shared>>) target(%dma_start3A_573 : memref<128x64xf32, #tpu.memory_space<vmem>>) offsets(%dma_start3A_576 : memref<128xi32, #tpu.memory_space<vmem>>) semaphore(%arg10 : memref<!tpu.dma_semaphore, #tpu.memory_space<semaphore_mem>>)
        %get3A_580 = arith.constant 2 : i32
        %get3A_581 = arith.constant 3 : i32
        %get3A_582 = arith.index_cast %get3A_580 : i32 to index
        %get3A_583 = arith.index_cast %get3A_581 : i32 to index
        %get3A_584 = arith.constant 0 : index
        %get3A_585 = tpu.vector_load %arg6[%get3A_582, %get3A_583, %get3A_584] {strides = array<i32>} : memref<3x4x128xi32, #tpu.memory_space<vmem>>, vector<1x1x16xi32>,
        %get3A_586 = vector.shape_cast %get3A_585 : vector<1x1x16xi32> to vector<16xi32>
        %add3A_587 = arith.addi %get3A_586, %broadcast_in_dim3A : vector<16xi32>
        %swap3A_588 = arith.constant 2 : i32
        %swap3A_589 = arith.constant 3 : i32
        %swap3A_590 = arith.index_cast %swap3A_588 : i32 to index
        %swap3A_591 = arith.index_cast %swap3A_589 : i32 to index
        %swap3A_592 = arith.constant 0 : index
        %swap3A_593 = tpu.vector_load %arg6[%swap3A_590, %swap3A_591, %swap3A_592] {strides = array<i32>} : memref<3x4x128xi32, #tpu.memory_space<vmem>>, vector<1x1x16xi32>,
        %swap3A_594 = vector.shape_cast %swap3A_593 : vector<1x1x16xi32> to vector<16xi32>
        %swap3A_595 = vector.shape_cast %add3A_587 : vector<16xi32> to vector<1x1x16xi32>
        tpu.vector_store %arg6[%swap3A_590, %swap3A_591, %swap3A_592], %swap3A_595 {strides = array<i32>} : memref<3x4x128xi32, #tpu.memory_space<vmem>>, vector<1x1x16xi32>,
        %get3A_596 = arith.constant 2 : i32
        %get3A_597 = arith.constant 3 : i32
        %get3A_598 = arith.index_cast %get3A_596 : i32 to index
        %get3A_599 = arith.index_cast %get3A_597 : i32 to index
        %get3A_600 = arith.constant 16 : index
        %get3A_601 = tpu.vector_load %arg6[%get3A_598, %get3A_599, %get3A_600] {strides = array<i32>} : memref<3x4x128xi32, #tpu.memory_space<vmem>>, vector<1x1x16xi32>,
        %get3A_602 = vector.shape_cast %get3A_601 : vector<1x1x16xi32> to vector<16xi32>
        %add3A_603 = arith.addi %get3A_602, %broadcast_in_dim3A : vector<16xi32>
        %swap3A_604 = arith.constant 2 : i32
        %swap3A_605 = arith.constant 3 : i32
        %swap3A_606 = arith.index_cast %swap3A_604 : i32 to index
        %swap3A_607 = arith.index_cast %swap3A_605 : i32 to index
        %swap3A_608 = arith.constant 16 : index
        %swap3A_609 = tpu.vector_load %arg6[%swap3A_606, %swap3A_607, %swap3A_608] {strides = array<i32>} : memref<3x4x128xi32, #tpu.memory_space<vmem>>, vector<1x1x16xi32>,
        %swap3A_610 = vector.shape_cast %swap3A_609 : vector<1x1x16xi32> to vector<16xi32>
        %swap3A_611 = vector.shape_cast %add3A_603 : vector<16xi32> to vector<1x1x16xi32>
        tpu.vector_store %arg6[%swap3A_606, %swap3A_607, %swap3A_608], %swap3A_611 {strides = array<i32>} : memref<3x4x128xi32, #tpu.memory_space<vmem>>, vector<1x1x16xi32>,
        %get3A_612 = arith.constant 2 : i32
        %get3A_613 = arith.constant 3 : i32
        %get3A_614 = arith.index_cast %get3A_612 : i32 to index
        %get3A_615 = arith.index_cast %get3A_613 : i32 to index
        %get3A_616 = arith.constant 32 : index
        %get3A_617 = tpu.vector_load %arg6[%get3A_614, %get3A_615, %get3A_616] {strides = array<i32>} : memref<3x4x128xi32, #tpu.memory_space<vmem>>, vector<1x1x16xi32>,
        %get3A_618 = vector.shape_cast %get3A_617 : vector<1x1x16xi32> to vector<16xi32>
        %add3A_619 = arith.addi %get3A_618, %broadcast_in_dim3A : vector<16xi32>
        %swap3A_620 = arith.constant 2 : i32
        %swap3A_621 = arith.constant 3 : i32
        %swap3A_622 = arith.index_cast %swap3A_620 : i32 to index
        %swap3A_623 = arith.index_cast %swap3A_621 : i32 to index
        %swap3A_624 = arith.constant 32 : index
        %swap3A_625 = tpu.vector_load %arg6[%swap3A_622, %swap3A_623, %swap3A_624] {strides = array<i32>} : memref<3x4x128xi32, #tpu.memory_space<vmem>>, vector<1x1x16xi32>,
        %swap3A_626 = vector.shape_cast %swap3A_625 : vector<1x1x16xi32> to vector<16xi32>
        %swap3A_627 = vector.shape_cast %add3A_619 : vector<16xi32> to vector<1x1x16xi32>
        tpu.vector_store %arg6[%swap3A_622, %swap3A_623, %swap3A_624], %swap3A_627 {strides = array<i32>} : memref<3x4x128xi32, #tpu.memory_space<vmem>>, vector<1x1x16xi32>,
        %get3A_628 = arith.constant 2 : i32
        %get3A_629 = arith.constant 3 : i32
        %get3A_630 = arith.index_cast %get3A_628 : i32 to index
        %get3A_631 = arith.index_cast %get3A_629 : i32 to index
        %get3A_632 = arith.constant 48 : index
        %get3A_633 = tpu.vector_load %arg6[%get3A_630, %get3A_631, %get3A_632] {strides = array<i32>} : memref<3x4x128xi32, #tpu.memory_space<vmem>>, vector<1x1x16xi32>,
        %get3A_634 = vector.shape_cast %get3A_633 : vector<1x1x16xi32> to vector<16xi32>
        %add3A_635 = arith.addi %get3A_634, %broadcast_in_dim3A : vector<16xi32>
        %swap3A_636 = arith.constant 2 : i32
        %swap3A_637 = arith.constant 3 : i32
        %swap3A_638 = arith.index_cast %swap3A_636 : i32 to index
        %swap3A_639 = arith.index_cast %swap3A_637 : i32 to index
        %swap3A_640 = arith.constant 48 : index
        %swap3A_641 = tpu.vector_load %arg6[%swap3A_638, %swap3A_639, %swap3A_640] {strides = array<i32>} : memref<3x4x128xi32, #tpu.memory_space<vmem>>, vector<1x1x16xi32>,
        %swap3A_642 = vector.shape_cast %swap3A_641 : vector<1x1x16xi32> to vector<16xi32>
        %swap3A_643 = vector.shape_cast %add3A_635 : vector<16xi32> to vector<1x1x16xi32>
        tpu.vector_store %arg6[%swap3A_638, %swap3A_639, %swap3A_640], %swap3A_643 {strides = array<i32>} : memref<3x4x128xi32, #tpu.memory_space<vmem>>, vector<1x1x16xi32>,
        %get3A_644 = arith.constant 2 : i32
        %get3A_645 = arith.constant 3 : i32
        %get3A_646 = arith.index_cast %get3A_644 : i32 to index
        %get3A_647 = arith.index_cast %get3A_645 : i32 to index
        %get3A_648 = arith.constant 64 : index
        %get3A_649 = tpu.vector_load %arg6[%get3A_646, %get3A_647, %get3A_648] {strides = array<i32>} : memref<3x4x128xi32, #tpu.memory_space<vmem>>, vector<1x1x16xi32>,
        %get3A_650 = vector.shape_cast %get3A_649 : vector<1x1x16xi32> to vector<16xi32>
        %add3A_651 = arith.addi %get3A_650, %broadcast_in_dim3A : vector<16xi32>
        %swap3A_652 = arith.constant 2 : i32
        %swap3A_653 = arith.constant 3 : i32
        %swap3A_654 = arith.index_cast %swap3A_652 : i32 to index
        %swap3A_655 = arith.index_cast %swap3A_653 : i32 to index
        %swap3A_656 = arith.constant 64 : index
        %swap3A_657 = tpu.vector_load %arg6[%swap3A_654, %swap3A_655, %swap3A_656] {strides = array<i32>} : memref<3x4x128xi32, #tpu.memory_space<vmem>>, vector<1x1x16xi32>,
        %swap3A_658 = vector.shape_cast %swap3A_657 : vector<1x1x16xi32> to vector<16xi32>
        %swap3A_659 = vector.shape_cast %add3A_651 : vector<16xi32> to vector<1x1x16xi32>
        tpu.vector_store %arg6[%swap3A_654, %swap3A_655, %swap3A_656], %swap3A_659 {strides = array<i32>} : memref<3x4x128xi32, #tpu.memory_space<vmem>>, vector<1x1x16xi32>,
        %get3A_660 = arith.constant 2 : i32
        %get3A_661 = arith.constant 3 : i32
        %get3A_662 = arith.index_cast %get3A_660 : i32 to index
        %get3A_663 = arith.index_cast %get3A_661 : i32 to index
        %get3A_664 = arith.constant 80 : index
        %get3A_665 = tpu.vector_load %arg6[%get3A_662, %get3A_663, %get3A_664] {strides = array<i32>} : memref<3x4x128xi32, #tpu.memory_space<vmem>>, vector<1x1x16xi32>,
        %get3A_666 = vector.shape_cast %get3A_665 : vector<1x1x16xi32> to vector<16xi32>
        %add3A_667 = arith.addi %get3A_666, %broadcast_in_dim3A : vector<16xi32>
        %swap3A_668 = arith.constant 2 : i32
        %swap3A_669 = arith.constant 3 : i32
        %swap3A_670 = arith.index_cast %swap3A_668 : i32 to index
        %swap3A_671 = arith.index_cast %swap3A_669 : i32 to index
        %swap3A_672 = arith.constant 80 : index
        %swap3A_673 = tpu.vector_load %arg6[%swap3A_670, %swap3A_671, %swap3A_672] {strides = array<i32>} : memref<3x4x128xi32, #tpu.memory_space<vmem>>, vector<1x1x16xi32>,
        %swap3A_674 = vector.shape_cast %swap3A_673 : vector<1x1x16xi32> to vector<16xi32>
        %swap3A_675 = vector.shape_cast %add3A_667 : vector<16xi32> to vector<1x1x16xi32>
        tpu.vector_store %arg6[%swap3A_670, %swap3A_671, %swap3A_672], %swap3A_675 {strides = array<i32>} : memref<3x4x128xi32, #tpu.memory_space<vmem>>, vector<1x1x16xi32>,
        %get3A_676 = arith.constant 2 : i32
        %get3A_677 = arith.constant 3 : i32
        %get3A_678 = arith.index_cast %get3A_676 : i32 to index
        %get3A_679 = arith.index_cast %get3A_677 : i32 to index
        %get3A_680 = arith.constant 96 : index
        %get3A_681 = tpu.vector_load %arg6[%get3A_678, %get3A_679, %get3A_680] {strides = array<i32>} : memref<3x4x128xi32, #tpu.memory_space<vmem>>, vector<1x1x16xi32>,
        %get3A_682 = vector.shape_cast %get3A_681 : vector<1x1x16xi32> to vector<16xi32>
        %add3A_683 = arith.addi %get3A_682, %broadcast_in_dim3A : vector<16xi32>
        %swap3A_684 = arith.constant 2 : i32
        %swap3A_685 = arith.constant 3 : i32
        %swap3A_686 = arith.index_cast %swap3A_684 : i32 to index
        %swap3A_687 = arith.index_cast %swap3A_685 : i32 to index
        %swap3A_688 = arith.constant 96 : index
        %swap3A_689 = tpu.vector_load %arg6[%swap3A_686, %swap3A_687, %swap3A_688] {strides = array<i32>} : memref<3x4x128xi32, #tpu.memory_space<vmem>>, vector<1x1x16xi32>,
        %swap3A_690 = vector.shape_cast %swap3A_689 : vector<1x1x16xi32> to vector<16xi32>
        %swap3A_691 = vector.shape_cast %add3A_683 : vector<16xi32> to vector<1x1x16xi32>
        tpu.vector_store %arg6[%swap3A_686, %swap3A_687, %swap3A_688], %swap3A_691 {strides = array<i32>} : memref<3x4x128xi32, #tpu.memory_space<vmem>>, vector<1x1x16xi32>,
        %get3A_692 = arith.constant 2 : i32
        %get3A_693 = arith.constant 3 : i32
        %get3A_694 = arith.index_cast %get3A_692 : i32 to index
        %get3A_695 = arith.index_cast %get3A_693 : i32 to index
        %get3A_696 = arith.constant 112 : index
        %get3A_697 = tpu.vector_load %arg6[%get3A_694, %get3A_695, %get3A_696] {strides = array<i32>} : memref<3x4x128xi32, #tpu.memory_space<vmem>>, vector<1x1x16xi32>,
        %get3A_698 = vector.shape_cast %get3A_697 : vector<1x1x16xi32> to vector<16xi32>
        %add3A_699 = arith.addi %get3A_698, %broadcast_in_dim3A : vector<16xi32>
        %swap3A_700 = arith.constant 2 : i32
        %swap3A_701 = arith.constant 3 : i32
        %swap3A_702 = arith.index_cast %swap3A_700 : i32 to index
        %swap3A_703 = arith.index_cast %swap3A_701 : i32 to index
        %swap3A_704 = arith.constant 112 : index
        %swap3A_705 = tpu.vector_load %arg6[%swap3A_702, %swap3A_703, %swap3A_704] {strides = array<i32>} : memref<3x4x128xi32, #tpu.memory_space<vmem>>, vector<1x1x16xi32>,
        %swap3A_706 = vector.shape_cast %swap3A_705 : vector<1x1x16xi32> to vector<16xi32>
        %swap3A_707 = vector.shape_cast %add3A_699 : vector<16xi32> to vector<1x1x16xi32>
        tpu.vector_store %arg6[%swap3A_702, %swap3A_703, %swap3A_704], %swap3A_707 {strides = array<i32>} : memref<3x4x128xi32, #tpu.memory_space<vmem>>, vector<1x1x16xi32>,
        %dma_start3A_708 = arith.constant 2 : i32
        %dma_start3A_709 = arith.constant 3 : i32
        %dma_start3A_710 = arith.constant 2 : i32
        %dma_start3A_711 = arith.constant 3 : i32
        %dma_start3A_712 = arith.constant 0 : i32
        %dma_start3A_713 = arith.constant 0 : i32
        %dma_start3A_714 = tpu.memref_slice %arg7[%dma_start3A_710, %dma_start3A_711, %dma_start3A_712, %dma_start3A_713] : memref<3x4x128x64xf32, #tpu.memory_space<vmem>> -> memref<1x1x128x64xf32, #tpu.memory_space<vmem>>
        %dma_start3A_715 = tpu.memref_squeeze %dma_start3A_714 : memref<1x1x128x64xf32, #tpu.memory_space<vmem>> -> memref<128x64xf32, #tpu.memory_space<vmem>>
        %dma_start3A_716 = arith.constant 0 : i32
        %dma_start3A_717 = tpu.memref_slice %arg6[%dma_start3A_708, %dma_start3A_709, %dma_start3A_716] : memref<3x4x128xi32, #tpu.memory_space<vmem>> -> memref<1x1x128xi32, #tpu.memory_space<vmem>>
        %dma_start3A_718 = tpu.memref_squeeze %dma_start3A_717 : memref<1x1x128xi32, #tpu.memory_space<vmem>> -> memref<128xi32, #tpu.memory_space<vmem>>
        %dma_start3A_719 = arith.constant 0 : i32
        %dma_start3A_720 = arith.constant 0 : i32
        %dma_start3A_721 = tpu.memref_slice %arg5[%dma_start3A_719, %dma_start3A_720] : memref<320x64xf32, #tpu.memory_space<vmem_shared>> -> memref<320x64xf32, #tpu.memory_space<vmem_shared>>
        tpu.enqueue_indirect_dma source(%dma_start3A_721 : memref<320x64xf32, #tpu.memory_space<vmem_shared>>) target(%dma_start3A_715 : memref<128x64xf32, #tpu.memory_space<vmem>>) offsets(%dma_start3A_718 : memref<128xi32, #tpu.memory_space<vmem>>) semaphore(%arg10 : memref<!tpu.dma_semaphore, #tpu.memory_space<semaphore_mem>>)
        %dma_wait3A_722 = arith.constant 2 : i32
        %dma_wait3A_723 = arith.constant 0 : i32
        %dma_wait3A_724 = arith.constant 0 : i32
        %dma_wait3A_725 = arith.constant 0 : i32
        %dma_wait3A_726 = tpu.memref_slice %arg7[%dma_wait3A_722, %dma_wait3A_723, %dma_wait3A_724, %dma_wait3A_725] : memref<3x4x128x64xf32, #tpu.memory_space<vmem>> -> memref<1x4x128x64xf32, #tpu.memory_space<vmem>>
        %dma_wait3A_727 = tpu.memref_squeeze %dma_wait3A_726 : memref<1x4x128x64xf32, #tpu.memory_space<vmem>> -> memref<4x128x64xf32, #tpu.memory_space<vmem>>
        %dma_wait3A_728 = arith.constant 0 : i32
        %dma_wait3A_729 = arith.constant 0 : i32
        %dma_wait3A_730 = arith.constant 0 : i32
        %dma_wait3A_731 = tpu.memref_slice %arg4[%dma_wait3A_728, %dma_wait3A_729, %dma_wait3A_730] : memref<25600x128x64xf32, #tpu.memory_space<hbm>> -> memref<4x128x64xf32, #tpu.memory_space<hbm>>
        %dma_wait3A_732 = arith.constant 0 : i32
        %dma_wait3A_733 = arith.constant 0 : i32
        %dma_wait3A_734 = arith.constant 0 : i32
        %dma_wait3A_735 = tpu.memref_slice %arg7[%dma_wait3A_722, %dma_wait3A_732, %dma_wait3A_733, %dma_wait3A_734] : memref<3x4x128x64xf32, #tpu.memory_space<vmem>> -> memref<1x4x128x64xf32, #tpu.memory_space<vmem>>
        %dma_wait3A_736 = tpu.memref_squeeze %dma_wait3A_735 : memref<1x4x128x64xf32, #tpu.memory_space<vmem>> -> memref<4x128x64xf32, #tpu.memory_space<vmem>>
        %dma_wait3A_737 = arith.constant 0 : i32
        %dma_wait3A_738 = arith.constant 0 : i32
        %dma_wait3A_739 = arith.constant 0 : i32
        %dma_wait3A_740 = tpu.memref_slice %arg4[%dma_wait3A_737, %dma_wait3A_738, %dma_wait3A_739] : memref<25600x128x64xf32, #tpu.memory_space<hbm>> -> memref<4x128x64xf32, #tpu.memory_space<hbm>>
        tpu.wait_dma2 semaphore(%arg10 : memref<!tpu.dma_semaphore, #tpu.memory_space<semaphore_mem>>) src(%dma_wait3A_740 : memref<4x128x64xf32, #tpu.memory_space<hbm>>) dst(%dma_wait3A_736 : memref<4x128x64xf32, #tpu.memory_space<vmem>>)
        %add3A_741 = arith.constant 3 : i32
        %add3A_742 = arith.addi %add3A_131, %add3A_741 : i32
        %lt3A_743 = arith.constant 200 : i32
        %lt3A_744 = arith.cmpi slt, %add3A_742, %lt3A_743 : i32
        %convert_element_type3A_745 = arith.extui %lt3A_744 : i1 to i32
        %cond3A_746 = arith.constant 0 : i32
        %cond3A_747 = arith.cmpi ne, %convert_element_type3A_745, %cond3A_746 : i32
        scf.if %cond3A_747 {
          %add3A_768 = arith.constant 3 : i32
          %add3A_769 = arith.addi %add3A_131, %add3A_768 : i32
          %mul3A_770 = arith.constant 4 : i32
          %mul3A_771 = arith.muli %add3A_769, %mul3A_770 : i32
          %add3A_772 = arith.addi %mul3A_2, %mul3A_771 : i32
          %dma_start3A_773 = arith.constant 2 : i32
          %dma_start3A_774 = arith.constant 0 : i32
          %dma_start3A_775 = arith.constant 0 : i32
          %dma_start3A_776 = tpu.memref_slice %arg6[%dma_start3A_773, %dma_start3A_774, %dma_start3A_775] : memref<3x4x128xi32, #tpu.memory_space<vmem>> -> memref<1x4x128xi32, #tpu.memory_space<vmem>>
          %dma_start3A_777 = tpu.memref_squeeze %dma_start3A_776 : memref<1x4x128xi32, #tpu.memory_space<vmem>> -> memref<4x128xi32, #tpu.memory_space<vmem>>
          %dma_start3A_778 = arith.constant 0 : i32
          %dma_start3A_779 = tpu.memref_slice %arg3[%add3A_772, %dma_start3A_778] : memref<25600x128xi32, #tpu.memory_space<hbm>> -> memref<4x128xi32, #tpu.memory_space<hbm>>
          %dma_start3A_780 = arith.constant 0 : i32
          %dma_start3A_781 = arith.constant 0 : i32
          %dma_start3A_782 = tpu.memref_slice %arg6[%dma_start3A_773, %dma_start3A_780, %dma_start3A_781] : memref<3x4x128xi32, #tpu.memory_space<vmem>> -> memref<1x4x128xi32, #tpu.memory_space<vmem>>
          %dma_start3A_783 = tpu.memref_squeeze %dma_start3A_782 : memref<1x4x128xi32, #tpu.memory_space<vmem>> -> memref<4x128xi32, #tpu.memory_space<vmem>>
          %dma_start3A_784 = arith.constant 0 : i32
          %dma_start3A_785 = tpu.memref_slice %arg3[%add3A_772, %dma_start3A_784] : memref<25600x128xi32, #tpu.memory_space<hbm>> -> memref<4x128xi32, #tpu.memory_space<hbm>>
          tpu.enqueue_dma source(%dma_start3A_785 : memref<4x128xi32, #tpu.memory_space<hbm>>) target(%dma_start3A_783 : memref<4x128xi32, #tpu.memory_space<vmem>>) target_semaphore(%arg16 : memref<!tpu.dma_semaphore, #tpu.memory_space<semaphore_mem>>)
        } else {
        }
        %mul3A_748 = arith.constant 4 : i32
        %mul3A_749 = arith.muli %add3A_131, %mul3A_748 : i32
        %add3A_750 = arith.addi %mul3A_2, %mul3A_749 : i32
        %dma_start3A_751 = arith.constant 2 : i32
        %dma_start3A_752 = arith.constant 0 : i32
        %dma_start3A_753 = arith.constant 0 : i32
        %dma_start3A_754 = arith.constant 0 : i32
        %dma_start3A_755 = tpu.memref_slice %arg7[%dma_start3A_751, %dma_start3A_752, %dma_start3A_753, %dma_start3A_754] : memref<3x4x128x64xf32, #tpu.memory_space<vmem>> -> memref<1x4x128x64xf32, #tpu.memory_space<vmem>>
        %dma_start3A_756 = tpu.memref_squeeze %dma_start3A_755 : memref<1x4x128x64xf32, #tpu.memory_space<vmem>> -> memref<4x128x64xf32, #tpu.memory_space<vmem>>
        %dma_start3A_757 = arith.constant 0 : i32
        %dma_start3A_758 = arith.constant 0 : i32
        %dma_start3A_759 = tpu.memref_slice %arg4[%add3A_750, %dma_start3A_757, %dma_start3A_758] : memref<25600x128x64xf32, #tpu.memory_space<hbm>> -> memref<4x128x64xf32, #tpu.memory_space<hbm>>
        %dma_start3A_760 = arith.constant 0 : i32
        %dma_start3A_761 = arith.constant 0 : i32
        %dma_start3A_762 = tpu.memref_slice %arg4[%add3A_750, %dma_start3A_760, %dma_start3A_761] : memref<25600x128x64xf32, #tpu.memory_space<hbm>> -> memref<4x128x64xf32, #tpu.memory_space<hbm>>
        %dma_start3A_763 = arith.constant 0 : i32
        %dma_start3A_764 = arith.constant 0 : i32
        %dma_start3A_765 = arith.constant 0 : i32
        %dma_start3A_766 = tpu.memref_slice %arg7[%dma_start3A_751, %dma_start3A_763, %dma_start3A_764, %dma_start3A_765] : memref<3x4x128x64xf32, #tpu.memory_space<vmem>> -> memref<1x4x128x64xf32, #tpu.memory_space<vmem>>
        %dma_start3A_767 = tpu.memref_squeeze %dma_start3A_766 : memref<1x4x128x64xf32, #tpu.memory_space<vmem>> -> memref<4x128x64xf32, #tpu.memory_space<vmem>>
        tpu.enqueue_dma source(%dma_start3A_767 : memref<4x128x64xf32, #tpu.memory_space<vmem>>) target(%dma_start3A_762 : memref<4x128x64xf32, #tpu.memory_space<hbm>>) target_semaphore(%arg13 : memref<!tpu.dma_semaphore, #tpu.memory_space<semaphore_mem>>)
      } else {
      }
    }
    %scan3A_55 = arith.constant 67 : i32
    %dma_wait3A = arith.constant 0 : i32
    %dma_wait3A_56 = arith.constant 0 : i32
    %dma_wait3A_57 = arith.constant 0 : i32
    %dma_wait3A_58 = arith.constant 0 : i32
    %dma_wait3A_59 = tpu.memref_slice %arg7[%dma_wait3A, %dma_wait3A_56, %dma_wait3A_57, %dma_wait3A_58] : memref<3x4x128x64xf32, #tpu.memory_space<vmem>> -> memref<1x4x128x64xf32, #tpu.memory_space<vmem>>
    %dma_wait3A_60 = tpu.memref_squeeze %dma_wait3A_59 : memref<1x4x128x64xf32, #tpu.memory_space<vmem>> -> memref<4x128x64xf32, #tpu.memory_space<vmem>>
    %dma_wait3A_61 = arith.constant 0 : i32
    %dma_wait3A_62 = arith.constant 0 : i32
    %dma_wait3A_63 = arith.constant 0 : i32
    %dma_wait3A_64 = tpu.memref_slice %arg4[%dma_wait3A_61, %dma_wait3A_62, %dma_wait3A_63] : memref<25600x128x64xf32, #tpu.memory_space<hbm>> -> memref<4x128x64xf32, #tpu.memory_space<hbm>>
    %dma_wait3A_65 = arith.constant 0 : i32
    %dma_wait3A_66 = arith.constant 0 : i32
    %dma_wait3A_67 = arith.constant 0 : i32
    %dma_wait3A_68 = tpu.memref_slice %arg7[%dma_wait3A, %dma_wait3A_65, %dma_wait3A_66, %dma_wait3A_67] : memref<3x4x128x64xf32, #tpu.memory_space<vmem>> -> memref<1x4x128x64xf32, #tpu.memory_space<vmem>>
    %dma_wait3A_69 = tpu.memref_squeeze %dma_wait3A_68 : memref<1x4x128x64xf32, #tpu.memory_space<vmem>> -> memref<4x128x64xf32, #tpu.memory_space<vmem>>
    %dma_wait3A_70 = arith.constant 0 : i32
    %dma_wait3A_71 = arith.constant 0 : i32
    %dma_wait3A_72 = arith.constant 0 : i32
    %dma_wait3A_73 = tpu.memref_slice %arg4[%dma_wait3A_70, %dma_wait3A_71, %dma_wait3A_72] : memref<25600x128x64xf32, #tpu.memory_space<hbm>> -> memref<4x128x64xf32, #tpu.memory_space<hbm>>
    tpu.wait_dma2 semaphore(%arg11 : memref<!tpu.dma_semaphore, #tpu.memory_space<semaphore_mem>>) src(%dma_wait3A_73 : memref<4x128x64xf32, #tpu.memory_space<hbm>>) dst(%dma_wait3A_69 : memref<4x128x64xf32, #tpu.memory_space<vmem>>)
    %dma_wait3A_74 = arith.constant 1 : i32
    %dma_wait3A_75 = arith.constant 0 : i32
    %dma_wait3A_76 = arith.constant 0 : i32
    %dma_wait3A_77 = arith.constant 0 : i32
    %dma_wait3A_78 = tpu.memref_slice %arg7[%dma_wait3A_74, %dma_wait3A_75, %dma_wait3A_76, %dma_wait3A_77] : memref<3x4x128x64xf32, #tpu.memory_space<vmem>> -> memref<1x4x128x64xf32, #tpu.memory_space<vmem>>
    %dma_wait3A_79 = tpu.memref_squeeze %dma_wait3A_78 : memref<1x4x128x64xf32, #tpu.memory_space<vmem>> -> memref<4x128x64xf32, #tpu.memory_space<vmem>>
    %dma_wait3A_80 = arith.constant 0 : i32
    %dma_wait3A_81 = arith.constant 0 : i32
    %dma_wait3A_82 = arith.constant 0 : i32
    %dma_wait3A_83 = tpu.memref_slice %arg4[%dma_wait3A_80, %dma_wait3A_81, %dma_wait3A_82] : memref<25600x128x64xf32, #tpu.memory_space<hbm>> -> memref<4x128x64xf32, #tpu.memory_space<hbm>>
    %dma_wait3A_84 = arith.constant 0 : i32
    %dma_wait3A_85 = arith.constant 0 : i32
    %dma_wait3A_86 = arith.constant 0 : i32
    %dma_wait3A_87 = tpu.memref_slice %arg7[%dma_wait3A_74, %dma_wait3A_84, %dma_wait3A_85, %dma_wait3A_86] : memref<3x4x128x64xf32, #tpu.memory_space<vmem>> -> memref<1x4x128x64xf32, #tpu.memory_space<vmem>>
    %dma_wait3A_88 = tpu.memref_squeeze %dma_wait3A_87 : memref<1x4x128x64xf32, #tpu.memory_space<vmem>> -> memref<4x128x64xf32, #tpu.memory_space<vmem>>
    %dma_wait3A_89 = arith.constant 0 : i32
    %dma_wait3A_90 = arith.constant 0 : i32
    %dma_wait3A_91 = arith.constant 0 : i32
    %dma_wait3A_92 = tpu.memref_slice %arg4[%dma_wait3A_89, %dma_wait3A_90, %dma_wait3A_91] : memref<25600x128x64xf32, #tpu.memory_space<hbm>> -> memref<4x128x64xf32, #tpu.memory_space<hbm>>
    tpu.wait_dma2 semaphore(%arg12 : memref<!tpu.dma_semaphore, #tpu.memory_space<semaphore_mem>>) src(%dma_wait3A_92 : memref<4x128x64xf32, #tpu.memory_space<hbm>>) dst(%dma_wait3A_88 : memref<4x128x64xf32, #tpu.memory_space<vmem>>)
    %dma_wait3A_93 = arith.constant 2 : i32
    %dma_wait3A_94 = arith.constant 0 : i32
    %dma_wait3A_95 = arith.constant 0 : i32
    %dma_wait3A_96 = arith.constant 0 : i32
    %dma_wait3A_97 = tpu.memref_slice %arg7[%dma_wait3A_93, %dma_wait3A_94, %dma_wait3A_95, %dma_wait3A_96] : memref<3x4x128x64xf32, #tpu.memory_space<vmem>> -> memref<1x4x128x64xf32, #tpu.memory_space<vmem>>
    %dma_wait3A_98 = tpu.memref_squeeze %dma_wait3A_97 : memref<1x4x128x64xf32, #tpu.memory_space<vmem>> -> memref<4x128x64xf32, #tpu.memory_space<vmem>>
    %dma_wait3A_99 = arith.constant 0 : i32
    %dma_wait3A_100 = arith.constant 0 : i32
    %dma_wait3A_101 = arith.constant 0 : i32
    %dma_wait3A_102 = tpu.memref_slice %arg4[%dma_wait3A_99, %dma_wait3A_100, %dma_wait3A_101] : memref<25600x128x64xf32, #tpu.memory_space<hbm>> -> memref<4x128x64xf32, #tpu.memory_space<hbm>>
    %dma_wait3A_103 = arith.constant 0 : i32
    %dma_wait3A_104 = arith.constant 0 : i32
    %dma_wait3A_105 = arith.constant 0 : i32
    %dma_wait3A_106 = tpu.memref_slice %arg7[%dma_wait3A_93, %dma_wait3A_103, %dma_wait3A_104, %dma_wait3A_105] : memref<3x4x128x64xf32, #tpu.memory_space<vmem>> -> memref<1x4x128x64xf32, #tpu.memory_space<vmem>>
    %dma_wait3A_107 = tpu.memref_squeeze %dma_wait3A_106 : memref<1x4x128x64xf32, #tpu.memory_space<vmem>> -> memref<4x128x64xf32, #tpu.memory_space<vmem>>
    %dma_wait3A_108 = arith.constant 0 : i32
    %dma_wait3A_109 = arith.constant 0 : i32
    %dma_wait3A_110 = arith.constant 0 : i32
    %dma_wait3A_111 = tpu.memref_slice %arg4[%dma_wait3A_108, %dma_wait3A_109, %dma_wait3A_110] : memref<25600x128x64xf32, #tpu.memory_space<hbm>> -> memref<4x128x64xf32, #tpu.memory_space<hbm>>
    tpu.wait_dma2 semaphore(%arg13 : memref<!tpu.dma_semaphore, #tpu.memory_space<semaphore_mem>>) src(%dma_wait3A_111 : memref<4x128x64xf32, #tpu.memory_space<hbm>>) dst(%dma_wait3A_107 : memref<4x128x64xf32, #tpu.memory_space<vmem>>)
    return
  }
}

</mosaic_0001>

<sc_bundles>
// kernel: kernel.3.cloned.1.call-start
scs
__scs_entry_jumppad:
0x0: {  	(pc) =	sbr.rel $0x88, $3  }
0x1: {  	(tag) =	ssettag $0x0;
	lr =	simm.s32 $0x1  }
0x2: {  	[smem:$0x3F9F] =	sst lr;
	_ =	strace $0xD0000000  }
0x3: {  	_ = 	snop  }
0x4: {  	_ = 	snop  }
0x5: {  	_ = 	snop  }
0x6: {  	_ = 	snop  }
0x7: {  	_ = 	snop  }
__scs_overlays_trampoline_lowered:
0x8: {  	[smem:$0x3FAE] =	sst s0  }
0x9: {  	[smem:$0x3FAF] =	sst s1  }
0xa: {  	[smem:$0x3FB0] =	sst s2  }
0xb: {  	[smem:$0x3FB1] =	sst s3  }
0xc: {  	[smem:$0x3FB2] =	sst s4  }
0xd: {  	[smem:$0x3FB3] =	sst s5  }
0xe: {  	[smem:$0x3FB4] =	sst s6  }
0xf: {  	[smem:$0x3FB5] =	sst s7  }
0x10: {  	[smem:$0x3FB6] =	sst s8  }
0x11: {  	[smem:$0x3FB7] =	sst s9;
	s0 =	simm.s32 @!p0 $0x0  }
0x12: {  	s1 =	sld [smem:$0x3F9D];
	s0 =	simm.s32 @p0 $0x1  }
0x13: {  	[smem:$0x3FB8] =	sst s0;
	s0 =	simm.s32 @!p1 $0x0  }
0x14: {  	s2 =	sld [smem:$0x3F9C];
	s0 =	simm.s32 @p1 $0x1  }
0x15: {  	[smem:$0x3FB9] =	sst s0;
	s0 =	simm.s32 @!p2 $0x0  }
0x16: {  	s3 =	sld [smem:$0x3FDB];
	s0 =	simm.s32 @p2 $0x1  }
0x17: {  	s4 =	simm.s32 $0x1BF5;
	[smem:$0x3FBB] =	sst s0  }
0x18: {  	s0 =	sld [smem:$0x3F9E];
	_ =	swait.ge [sflag:s4], $0x0  }
0x19: {  	s7 =	sld [smem:$0x3F9F]  }
0x1a: {  	s8 =	sadd.s32 $0xFFFFE003, lr  }
0x1b: {  	s9 =	sadd.s32 $0xFFFFFEF7, lr;
	s5 =	simm.s32 $0xFFFFFFFF;
	p2 =	slt.u32 s8, $0xFFFFF086  }
0x1c: {  	p1 =	slt.u32 s9, $0xF7A;
	s5 =	simm.s32 @!p2 $0x0  }
0x1d: {  	s5 =	simm.s32 @p1 $0x1;
	p0 =	seq.s32 s7, s2  }
0x1e: {  	s7 =	smul.u32 @!p0 $0xF7A, s2;
	p2 =	seq.s32 @!p0 s5, $0x0  }
0x1f: {  	s9 =	smul.u32 $0xF7A, s1;
	s8 =	simm.s32 @!p0 $0x1BF5;
	p2 =	por !p2, p0  }
0x20: {  	[sflag:s8] =	ssyncset.s32 @!p0 $0xFFFFF086;
	s6 =	sadd.s32 @!p0 s3, s7;
	s7 =	simm.s32 @!p0 $0x108  }
0x21: {  	s3 =	sadd.s32 s3, s9;
	s6 =	sadd.s32 @!p0 $0x88, s6;
	s7 =	simm.s32 @p2 $0x1082  }
0x22: {  	[simem:s7], [sflag:s8] =	dma.local @!p0 [hbm:s6], $0xF7A  }
0x23: {  	s9 =	sor.u32 $0xD0000000, s2;
	s6 =	simm.s32 $0x108;
	_ =	swait.ge @!p0 [sflag:s8], $0x0  }
0x24: {  	s3 =	sadd.s32 $0x88, s3;
	s6 =	simm.s32 @!p1 $0x1082;
	[sflag:s4] =	ssyncset.s32 $0xFFFFF086  }
0x25: {  	[simem:s6], [sflag:s4] =	dma.local [hbm:s3], $0xF7A  }
0x26: {  	[smem:$0x3F9F] =	sst s1;
	(tag) =	ssettag s2;
	_ =	strace s9  }
0x27: {  	s1 =	sld [smem:$0x3FAF]  }
0x28: {  	s2 =	sld [smem:$0x3FB0]  }
0x29: {  	s4 =	sld [smem:$0x3FB2]  }
0x2a: {  	p0 =	seq.s32 s5, $0x0;
	s5 =	sld [smem:$0x3FB3]  }
0x2b: {  	s6 =	sld [smem:$0x3FB4]  }
0x2c: {  	s7 =	sld [smem:$0x3FB5]  }
0x2d: {  	s3 =	simm.s32 $0x108;
	s8 =	sld [smem:$0x3FB6]  }
0x2e: {  	s3 =	simm.s32 @!p0 $0x1082;
	s9 =	sld [smem:$0x3FB7]  }
0x2f: {  	lr =	sadd.s32 s0, s3;
	s0 =	sld [smem:$0x3FAE]  }
0x30: {  	s3 =	sld [smem:$0x3FB1]  }
0x31: {  	[smem:$0x3FBA] =	sst s10  }
0x32: {  	s10 =	sld [smem:$0x3FB8];
	_ =	sdelay $0x3  }
0x33: {  	p0 =	seq.s32 s10, $0x1;
	s10 =	sld [smem:$0x3FBA];
	_ =	sdelay $0x3  }
0x34: {  	[smem:$0x3FBA] =	sst s10  }
0x35: {  	s10 =	sld [smem:$0x3FB9];
	_ =	sdelay $0x3  }
0x36: {  	p1 =	seq.s32 s10, $0x1;
	s10 =	sld [smem:$0x3FBA];
	_ =	sdelay $0x3  }
0x37: {  	[smem:$0x3FBA] =	sst s10  }
0x38: {  	s10 =	sld [smem:$0x3FBB]  }
0x39: {  	_ = 	snop;
	(pc) =	sbr.ind lr, $3  }
0x3a: {  	_ = 	snop  }
0x3b: {  	_ = 	snop  }
0x3c: {  	p2 =	seq.s32 s10, $0x1;
	s10 =	sld [smem:$0x3FBA]  }
0x3d: {  	_ =	shalt  }
0x3e: {  	_ =	shalt  }
0x3f: {  	_ =	shalt  }
0x40: {  	_ =	shalt  }
0x41: {  	_ =	shalt  }
0x42: {  	_ =	shalt  }
0x43: {  	_ =	shalt  }
0x44: {  	_ =	shalt  }
0x45: {  	_ =	shalt  }
0x46: {  	_ =	shalt  }
0x47: {  	_ =	shalt  }
0x48: {  	_ =	shalt  }
0x49: {  	_ =	shalt  }
0x4a: {  	_ =	shalt  }
0x4b: {  	_ =	shalt  }
0x4c: {  	_ =	shalt  }
0x4d: {  	_ =	shalt  }
0x4e: {  	_ =	shalt  }
0x4f: {  	_ =	shalt  }
0x50: {  	_ =	shalt  }
0x51: {  	_ =	shalt  }
0x52: {  	_ =	shalt  }
0x53: {  	_ =	shalt  }
0x54: {  	_ =	shalt  }
0x55: {  	_ =	shalt  }
0x56: {  	_ =	shalt  }
0x57: {  	_ =	shalt  }
0x58: {  	_ =	shalt  }
0x59: {  	_ =	shalt  }
0x5a: {  	_ =	shalt  }
0x5b: {  	_ =	shalt  }
0x5c: {  	_ =	shalt  }
0x5d: {  	_ =	shalt  }
0x5e: {  	_ =	shalt  }
0x5f: {  	_ =	shalt  }
0x60: {  	_ =	shalt  }
0x61: {  	_ =	shalt  }
0x62: {  	_ =	shalt  }
0x63: {  	_ =	shalt  }
0x64: {  	_ =	shalt  }
0x65: {  	_ =	shalt  }
0x66: {  	_ =	shalt  }
0x67: {  	_ =	shalt  }
0x68: {  	_ =	shalt  }
0x69: {  	_ =	shalt  }
0x6a: {  	_ =	shalt  }
0x6b: {  	_ =	shalt  }
0x6c: {  	_ =	shalt  }
0x6d: {  	_ =	shalt  }
0x6e: {  	_ =	shalt  }
0x6f: {  	_ =	shalt  }
0x70: {  	_ =	shalt  }
0x71: {  	_ =	shalt  }
0x72: {  	_ =	shalt  }
0x73: {  	_ =	shalt  }
0x74: {  	_ =	shalt  }
0x75: {  	_ =	shalt  }
0x76: {  	_ =	shalt  }
0x77: {  	_ =	shalt  }
0x78: {  	_ =	shalt  }
0x79: {  	_ =	shalt  }
0x7a: {  	_ =	shalt  }
0x7b: {  	_ =	shalt  }
0x7c: {  	_ =	shalt  }
0x7d: {  	_ =	shalt  }
0x7e: {  	_ =	shalt  }
0x7f: {  	_ =	shalt  }
0x80: {  	_ =	shalt  }
0x81: {  	_ =	shalt  }
0x82: {  	_ =	shalt  }
0x83: {  	_ =	shalt  }
0x84: {  	_ =	shalt  }
0x85: {  	_ =	shalt  }
0x86: {  	_ =	shalt  }
0x87: {  	_ =	shalt  }
.Lfunc_end0:
.L_simem_size_0:
called_computation.1_lowered:
.L_overlay_start_0:
0x88: {  	s2 =	sld [smem:$0x3FD9]  }
0x89: {  	s3 =	sld [smem:$0x3FFE];
	_ =	sdelay $0x1  }
0x8a: {  	s1 =	srdreg.scid  }
0x8b: {  	s0 =	sand.u32 $0x1, s1  }
0x8c: {  	s17 =	sshll.u32 s0, $0xA;
	s2 =	sadd.s32 s3, s2  }
0x8d: {  	s2 =	sadd.s32 s2, s17  }
0x8e: {  	[smem:$0x3FC6] =	sst s2  }
0x8f: {  	_ = 	snop  }
0x90: {  	s2 =	sld [smem:$0x3FD0];
	(tm) =	ssettm $0x1  }
0x91: {  	s18 =	sld [smem:$0x3FFB];
	_ =	sdelay $0x3  }
0x92: {  	_ =	strace s18  }
0x93: {  	s3 =	sld [smem:$0x3FFC];
	_ =	sdelay $0x3  }
0x94: {  	_ =	strace s3  }
0x95: {  	s3 =	sld [smem:$0x3FFD];
	_ =	sdelay $0x3  }
0x96: {  	_ =	strace s3  }
0x97: {  	_ =	strace $0x8FFFFFFF  }
0x98: {  	s19 =	sld [smem:$0x3FDB];
	_ =	sdelay $0x1  }
0x99: {  	s4 =	simm.s32 $_scs_section_size  }
0x9a: {  	s5 =	simm.s32 $_size__tile_overlayer_lowered;
	s6 =	simm.s32 $_tile_overlayer_lowered  }
0x9b: {  	s22 =	simm.s32 $0x1BFF;
	s21 =	sshll.u32 s6, $0x1;
	s3 =	sadd.s32 s4, s19  }
0x9c: {  	s7 =	simm.s32 $0x0;
	s20 =	sshll.u32 s5, $0x1;
	s5 =	sadd.s32 s21, s3  }
0x9d: {  	[timem:s7], [sflag:s22] =	dma.local [hbm:s5], s20  }
0x9e: {  	_ =	swait.ge [sflag:s22], s20  }
0x9f: {  	s4 =	ssub.s32 $0x0, s20;
	[sflag:s22] =	ssyncset.done $0x0  }
0xa0: {  	[sflag:s22] =	ssyncadd.s32 s4;
	_ =	sdelay $0x1  }
0xa1: {  	s23 =	simm.s32 $0x1B8B  }
0xa2: {  	_ =	swait.ge [sflag:s23], $0x1  }
0xa3: {  	[sflag:s23] =	ssyncset.done $0x0  }
0xa4: {  	s25 =	simm.s32 $0x1B8E;
	s24 =	sld [smem:$0x3FFE];
	[sflag:s23] =	ssyncadd.s32 $0xFFFFFFFF  }
0xa5: {  	s26 =	simm.s32 $execute0_lowered;
	[smem:$0x3FD2] =	sst s25  }
0xa6: {  	s5 =	sshll.u32 s26, $0x1;
	_ =	strace $0x80000046;
	[dreg:$0x1] =	wrdreg $0xFFFFFFFF  }
0xa7: {  	s28 =	simm.s32 $_size_execute0_lowered;
	s3 =	sadd.s32 s3, s5;
	[dreg:$0x0] =	wrdreg $0x0  }
0xa8: {  	s5 =	sshll.u32 s28, $0x1;
	[dreg:$0x2] =	wrdreg s3  }
0xa9: {  	[dreg:$0x3] =	wrdreg s5  }
0xaa: {  	[dreg:$0x4] =	wrdreg $0xC0  }
0xab: {  	_ =	task [dreg:s7], $0x5FFFF  }
0xac: {  	[dreg:$0x1] =	wrdreg $0xFFFFFFFF  }
0xad: {  	[dreg:$0x0] =	wrdreg $0x60  }
0xae: {  	[dreg:$0x2] =	wrdreg s24  }
0xaf: {  	[dreg:$0x3] =	wrdreg s2  }
0xb0: {  	[dreg:$0x4] =	wrdreg $0x0  }
0xb1: {  	[dreg:$0x5] =	wrdreg $0x9  }
0xb2: {  	_ =	task.clear_ibuf [dreg:s7], $0x6FFFF;
	_ =	strace $0x90000046  }
0xb3: {  	s29 =	simm.s32 $0x9;
	_ =	strace $0x80000048  }
0xb4: {  	_ =	swait.ge [sflag:s29], $0x1  }
0xb5: {  	[sflag:s29] =	ssyncadd.s32 $0xFFFFFFFF  }
0xb6: {  	_ =	strace $0x90000048  }
0xb7: {  	_ =	sfence  }
0xb8: {  	s30 =	sld [smem:$0x0];
	_ =	sdelay $0x2  }
0xb9: {  	s31 =	sshll.u32 s1, $0xD;
	s1 =	sshrl.u32 s1, $0x2  }
0xba: {  	s3 =	sand.u32 $0x4000, s31;
	s1 =	sadd.s32 s1, s30  }
0xbb: {  	s0 =	sor.u32 s3, s0;
	s1 =	sshll.u32 s1, $0x11  }
0xbc: {  	s0 =	sor.u32 s1, s0  }
0xbd: {  	s0 =	sadd.s32 $0x8F2B, s0  }
0xbe: {  	[sflag:s0] =	ssyncadd.remote.s32 $0x1  }
0xbf: {  	_ =	sfence.sel $0xFFFF  }
0xc0: {  	[dreg:$0x0] =	wrdreg $0xFFFFFFFF;
	(pc) =	sbr.abs _section_cstart, $3  }
0xc1: {  	[dreg:$0x1] =	wrdreg $0xFFFFFFFF  }
0xc2: {  	_ =	task.clear_ibuf [dreg:s7], $0x2FFFF;
	_ =	strace $0x9FFFFFFF  }
0xc3: {  	(tm) =	ssettm $0x7FFFFFFF  }
tec
execute0_lowered:
.L_overlay_start_1:
0x0: {  	(tag) =	ssettag $0x1  }
0x1: {  	s0 =	rddreg [dreg:$0x0]  }
0x2: {  	s1 =	rddreg [dreg:$0x1]  }
0x3: {  	s4 =	srdreg.scid;
	s13 =	stileid.u32  }
0x4: {  	s2 =	rddreg [dreg:$0x2];
	s5 =	sand.u32 $0x1, s4;
	s4 =	smul.u32 $0x14, s13  }
0x5: {  	s3 =	simm.s32 $0x0;
	s28 =	simm.s32 $0xA80;
	s7 =	smul.u32 $0x1400, s13  }
0x6: {  	s29 =	simm.s32 $0x16B00;
	s30 =	simm.s32 $0x3;
	s26 =	smul.u32 $0x32000, s13  }
0x7: {  	s6 =	sshll.u32 s13, $0x1;
	[smem:$0x7FF] =	sst s3;
	s18 =	smul.u32 $0xC80000, s13  }
0x8: {  	s10 =	sadd.s32 $0x800, s0;
	s0 =	sadd.s32 $0xA00, s0;
	s21 =	smul.u32 $0x190000, s13  }
0x9: {  	s11 =	sshll.u32 s13, $0x6;
	s6 =	sor.u32 s5, s6;
	s12 =	smul.u32 $0x19000, s5  }
0xa: {  	_ =	strace $0x80000047;
	s8 =	ssub.s32 $0x2, s5;
	s19 =	smul.u32 $0x640000, s5  }
0xb: {  	[dreg:$0x4] =	wrdreg s10;
	s11 =	sor.u32 $0x1C0A, s11;
	s22 =	smul.u32 $0xC8000, s5  }
0xc: {  	s10 =	simm.s32 $0x8B00;
	s9 =	smul.u32 $0x3200, s6;
	s25 =	sshrl.u32 s8, $0x1  }
0xd: {  	s6 =	smul.u32 $0x640000, s6;
	s7 =	sshrl.u32 s7, $0x2;
	[dreg:$0x5] =	wrdreg s11  }
0xe: {  	s24 =	sadd.s32 s21, s1;
	s8 =	ssub.s32 s8, s25;
	s7 =	sadd.s32 s7, s2  }
0xf: {  	s12 =	sadd.s32 s12, s26;
	s23 =	sadd.s32 s19, s18;
	s19 =	simm.s32 $0x500  }
0x10: {  	s18 =	simm.s32 $0x9;
	s31 =	sadd.s32 s0, s9;
	s6 =	sshrl.u32 s6, $0x3  }
0x11: {  	s15 =	sor.u32 $0xA00, s12;
	s8 =	smax.u32 s8, $0x1;
	s17 =	sor.u32 $0x800, s12  }
0x12: {  	s5 =	sor.u32 $0x8000, s23;
	s9 =	sadd.s32 $0x40, s31;
	[dreg:$0x6] =	wrdreg s31  }
0x13: {  	s14 =	sadd.s32 $0x80, s31;
	s6 =	sadd.s32 s1, s6;
	[dreg:$0x9] =	wrdreg s8  }
0x14: {  	s16 =	sshrl.u32 s15, $0x3;
	s8 =	sor.u32 $0x10000, s23;
	s5 =	sshrl.u32 s5, $0x3  }
0x15: {  	s31 =	sshrl.u32 s7, $0x3;
	s23 =	simm.s32 $0x80;
	[dreg:$0x7] =	wrdreg s9  }
0x16: {  	s7 =	simm.s32 $0x800;
	s15 =	simm.s32 $0x0;
	[dreg:$0x8] =	wrdreg s14  }
0x17: {  	s6 =	sadd.s32 $0xC7000, s6;
	s11 =	sadd.s32 s16, s0;
	s9 =	sor.u32 $0x600, s12  }
0x18: {  	s25 =	sshrl.u32 s8, $0x3;
	s26 =	sadd.s32 s5, s1;
	[dreg:$0xe] =	wrdreg s31  }
0x19: {  	s8 =	simm.s32 $0xCB00;
	s14 =	simm.s32 $0x2;
	[dreg:$0xa] =	wrdreg s6  }
0x1a: {  	s6 =	sshrl.u32 s17, $0x3;
	s20 =	sshrl.u32 s9, $0x3;
	[dreg:$0xd] =	wrdreg s26  }
.Ltmp0:
0x1b: {  	s9 =	simm.s32 $0x880;
	s17 =	simm.s32 $0x10B00;
	(pc) =	sbr.rel .LBB2_1-.Ltmp0, $4  }
0x1c: {  	s12 =	sadd.s32 s6, s0;
	s13 =	sadd.s32 s20, s0;
	s0 =	sadd.s32 s22, s24  }
0x1d: {  	s20 =	simm.s32 $0x700;
	s22 =	simm.s32 $0x7;
	s24 =	simm.s32 $0xB00  }
0x1e: {  	s6 =	simm.s32 $0xEB00;
	[dreg:$0xb] =	wrdreg s0;
	s0 =	sadd.s32 s25, s1  }
0x1f: {  	v0 =	vmov s4;
	s1 =	simm.s32 $0x8;
	[dreg:$0xc] =	wrdreg s0;
	s0 =	simm.s32 $0x1  }
.LBB2_3:
0x20: {  	s4 =	rddreg [dreg:$0xa]  }
0x21: {  	[hbm4b:s4+s3] =	stream.linear.scatter [tilespmem:s10], [sflag:$0x5], $0x8000, $0x38;
	[tilespmem:$0x18B00] =	vst v63  }
.LBB2_5:
0x22: {  	s4 =	simm.s32 $0x4  }
0x23: {  	_ =	swait.ge [sflag:s4], $0x8000  }
0x24: {  	[sflag:s4] =	ssyncset.done $0x0  }
0x25: {  	s26 =	simm.s32 $0x5;
	[sflag:s4] =	ssyncadd.s32 $0xFFFF8000  }
0x26: {  	_ =	swait.ge [sflag:s26], $0x8000  }
0x27: {  	[sflag:s26] =	ssyncset.done $0x0  }
0x28: {  	s5 =	simm.s32 $0x6;
	[sflag:s26] =	ssyncadd.s32 $0xFFFF8000  }
0x29: {  	_ =	swait.ge [sflag:s5], $0x8000  }
0x2a: {  	s15 =	rddreg [dreg:$0xf]  }
0x2b: {  	s31 =	rddreg [dreg:$0x9];
	s15 =	sadd.s32 $0x1, s15  }
0x2c: {  	p0 =	sne.s32 s15, s31  }
.Ltmp1:
0x2d: {  	_ = 	snop;
	(pc) =	sbr.rel @!p0 .LBB2_6-.Ltmp1, $3  }
0x2e: {  	_ =	sdelay $0x1  }
0x2f: {  	[sflag:s5] =	ssyncset.done $0x0  }
0x30: {  	[sflag:s5] =	ssyncadd.s32 $0xFFFF8000  }
.LBB2_1:
0x31: {  	[dreg:$0xf] =	wrdreg s15  }
0x32: {  	s4 =	rddreg [dreg:$0x4]  }
0x33: {  	s5 =	rddreg [dreg:$0x5]  }
0x34: {  	s26 =	rddreg [dreg:$0xe];
	s15 =	simm.s32 $0xA  }
0x35: {  	[spmem:s26], [sflag:s5] =	dma.local [hbm:s4], $0xA0  }
0x36: {  	_ =	swait.ge [sflag:s15], $0xA0  }
0x37: {  	[sflag:s15] =	ssyncset.done $0x0  }
0x38: {  	[sflag:s15] =	ssyncadd.s32 $0xFFFFFF60  }
0x39: {  	[bflag:$0x0] =	sbarrier.arrive $0xFFFF  }
0x3a: {  	s16 =	rddreg [dreg:$0x6]  }
0x3b: {  	s21 =	rddreg [dreg:$0x7]  }
0x3c: {  	s25 =	rddreg [dreg:$0x8]  }
0x3d: {  	s31 =	rddreg [dreg:$0xd]  }
0x3e: {  	[tilespmem:s19], [sflag:$0x7] =	stream.linear.gather [hbm4b:s16+s3], $0x200, $0x38;
	[tilespmem:$0x18B00] =	vst v63  }
0x3f: {  	s26 =	simm.s32 $0x900;
	s15 =	rddreg [dreg:$0xc]  }
0x40: {  	[tilespmem:s20], [sflag:$0x8] =	stream.linear.gather [hbm4b:s21+s3], $0x200, $0x38;
	[tilespmem:$0x18B00] =	vst v63  }
0x41: {  	s4 =	simm.s32 $0x0;
	s16 =	rddreg [dreg:$0xb];
	s21 =	simm.s32 $0x0  }
0x42: {  	[tilespmem:s26], [sflag:$0x9] =	stream.linear.gather [hbm4b:s25+s3], $0x200, $0x38;
	[tilespmem:$0x18B00] =	vst v63  }
.LBB2_2:
0x43: {  	p0 =	seq.s32 s4, $0x0  }
0x44: {  	s25 =	simm.s32 @!p0 $0x4  }
0x45: {  	_ =	swait.ge @!p0 [sflag:s25], $0x8000  }
0x46: {  	[sflag:s25] =	ssyncset.done @!p0 $0x0  }
0x47: {  	[sflag:s25] =	ssyncadd.s32 @!p0 $0xFFFF8000  }
0x48: {  	_ =	swait.ge [sflag:s22], $0x200  }
0x49: {  	[sflag:s22] =	ssyncset.done $0x0  }
0x4a: {  	[sflag:s22] =	ssyncadd.s32 $0xFFFFFE00  }
0x4b: {  	v1 =	vld [tilespmem:$0x500]  }
0x4c: {  	v2 =	vld [tilespmem:$0x510]  }
0x4d: {  	v3 =	vld [tilespmem:$0x520]  }
0x4e: {  	v4 =	vld [tilespmem:$0x530]  }
0x4f: {  	v5 =	vld [tilespmem:$0x540]  }
0x50: {  	v6 =	vld [tilespmem:$0x550];
	v1 =	vadd.s32 v0, v1  }
0x51: {  	[tilespmem:$0x500] =	vst v1;
	v1 =	vadd.s32 v0, v2;
	v2 =	vld [tilespmem:$0x560]  }
0x52: {  	[tilespmem:$0x510] =	vst v1;
	v1 =	vadd.s32 v0, v3;
	v3 =	vld [tilespmem:$0x570]  }
0x53: {  	[tilespmem:$0x520] =	vst v1;
	v1 =	vadd.s32 v0, v4  }
0x54: {  	[tilespmem:$0x530] =	vst v1;
	v1 =	vadd.s32 v0, v5  }
0x55: {  	[tilespmem:$0x540] =	vst v1;
	v1 =	vadd.s32 v0, v6  }
0x56: {  	[tilespmem:$0x550] =	vst v1;
	v1 =	vadd.s32 v0, v2  }
0x57: {  	[tilespmem:$0x560] =	vst v1;
	v1 =	vadd.s32 v0, v3  }
0x58: {  	[tilespmem:$0x570] =	vst v1  }
0x59: {  	[tilespmem:s24], [sflag:$0x1] =	stream.indirect.gather [spmem:s2], $0x40, s19, s23, $0xb8;
	[tilespmem:$0x18B00] =	vst v63  }
0x5a: {  	v1 =	vld [tilespmem:$0x580]  }
0x5b: {  	v2 =	vld [tilespmem:$0x590]  }
0x5c: {  	v3 =	vld [tilespmem:$0x5A0]  }
0x5d: {  	v43 =	vld [tilespmem:$0x5B0]  }
0x5e: {  	v44 =	vld [tilespmem:$0x5C0]  }
0x5f: {  	v45 =	vld [tilespmem:$0x5D0];
	v1 =	vadd.s32 v0, v1  }
0x60: {  	[tilespmem:$0x580] =	vst v1;
	v1 =	vadd.s32 v0, v2;
	v2 =	vld [tilespmem:$0x5E0]  }
0x61: {  	[tilespmem:$0x590] =	vst v1;
	v1 =	vadd.s32 v0, v3;
	v3 =	vld [tilespmem:$0x5F0]  }
0x62: {  	[tilespmem:$0x5A0] =	vst v1;
	v1 =	vadd.s32 v0, v43  }
0x63: {  	[tilespmem:$0x5B0] =	vst v1;
	v1 =	vadd.s32 v0, v44  }
0x64: {  	[tilespmem:$0x5C0] =	vst v1;
	v1 =	vadd.s32 v0, v45  }
0x65: {  	[tilespmem:$0x5D0] =	vst v1;
	v1 =	vadd.s32 v0, v2  }
0x66: {  	[tilespmem:$0x5E0] =	vst v1;
	v1 =	vadd.s32 v0, v3  }
0x67: {  	s5 =	simm.s32 $0x580;
	s26 =	simm.s32 $0x2B00;
	[tilespmem:$0x5F0] =	vst v1  }
0x68: {  	[tilespmem:s26], [sflag:$0x1] =	stream.indirect.gather [spmem:s2], $0x40, s5, s23, $0xb8;
	[tilespmem:$0x18B00] =	vst v63  }
0x69: {  	v1 =	vld [tilespmem:$0x600]  }
0x6a: {  	v2 =	vld [tilespmem:$0x610]  }
0x6b: {  	v3 =	vld [tilespmem:$0x620]  }
0x6c: {  	v46 =	vld [tilespmem:$0x630]  }
0x6d: {  	v47 =	vld [tilespmem:$0x640]  }
0x6e: {  	v48 =	vld [tilespmem:$0x650];
	v1 =	vadd.s32 v0, v1  }
0x6f: {  	[tilespmem:$0x600] =	vst v1;
	v1 =	vadd.s32 v0, v2;
	v2 =	vld [tilespmem:$0x660]  }
0x70: {  	[tilespmem:$0x610] =	vst v1;
	v1 =	vadd.s32 v0, v3;
	v3 =	vld [tilespmem:$0x670]  }
0x71: {  	[tilespmem:$0x620] =	vst v1;
	v1 =	vadd.s32 v0, v46  }
0x72: {  	[tilespmem:$0x630] =	vst v1;
	v1 =	vadd.s32 v0, v47  }
0x73: {  	[tilespmem:$0x640] =	vst v1;
	v1 =	vadd.s32 v0, v48  }
0x74: {  	[tilespmem:$0x650] =	vst v1;
	v1 =	vadd.s32 v0, v2  }
0x75: {  	[tilespmem:$0x660] =	vst v1;
	v1 =	vadd.s32 v0, v3  }
0x76: {  	s25 =	simm.s32 $0x600;
	s26 =	simm.s32 $0x4B00;
	[tilespmem:$0x670] =	vst v1  }
0x77: {  	[tilespmem:s26], [sflag:$0x1] =	stream.indirect.gather [spmem:s2], $0x40, s25, s23, $0xb8;
	[tilespmem:$0x18B00] =	vst v63  }
0x78: {  	v1 =	vld [tilespmem:$0x680]  }
0x79: {  	v2 =	vld [tilespmem:$0x690]  }
0x7a: {  	v3 =	vld [tilespmem:$0x6A0]  }
0x7b: {  	v49 =	vld [tilespmem:$0x6B0]  }
0x7c: {  	v50 =	vld [tilespmem:$0x6C0]  }
0x7d: {  	v51 =	vld [tilespmem:$0x6D0];
	v1 =	vadd.s32 v0, v1  }
0x7e: {  	[tilespmem:$0x680] =	vst v1;
	v1 =	vadd.s32 v0, v2;
	v2 =	vld [tilespmem:$0x6E0]  }
0x7f: {  	[tilespmem:$0x690] =	vst v1;
	v1 =	vadd.s32 v0, v3;
	v3 =	vld [tilespmem:$0x6F0]  }
0x80: {  	[tilespmem:$0x6A0] =	vst v1;
	v1 =	vadd.s32 v0, v49  }
0x81: {  	[tilespmem:$0x6B0] =	vst v1;
	v1 =	vadd.s32 v0, v50  }
0x82: {  	[tilespmem:$0x6C0] =	vst v1;
	v1 =	vadd.s32 v0, v51  }
0x83: {  	[tilespmem:$0x6D0] =	vst v1;
	v1 =	vadd.s32 v0, v2  }
0x84: {  	[tilespmem:$0x6E0] =	vst v1;
	v1 =	vadd.s32 v0, v3  }
0x85: {  	s25 =	simm.s32 $0x680;
	s26 =	simm.s32 $0x6B00;
	[tilespmem:$0x6F0] =	vst v1  }
0x86: {  	[tilespmem:s26], [sflag:$0x1] =	stream.indirect.gather [spmem:s2], $0x40, s25, s23, $0xb8;
	[tilespmem:$0x18B00] =	vst v63  }
0x87: {  	p1 =	seq.s32 s4, $0x3180;
	_ =	swait.ge [sflag:s0], $0x8000  }
0x88: {  	s5 =	simm.s32 @!p1 $0x0;
	[sflag:s0] =	ssyncset.done $0x0  }
0x89: {  	s25 =	sadd.s32 @!p1 s4, s13;
	s26 =	simm.s32 @!p1 $0x500;
	[sflag:s0] =	ssyncadd.s32 $0xFFFF8000  }
0x8a: {  	[tilespmem:s26], [sflag:$0x7] =	stream.linear.gather @!p1 [hbm4b:s25+s5], $0x200, $0x38;
	[tilespmem:$0x18B00] =	vst v63  }
0x8b: {  	s5 =	simm.s32 @!p0 $0x5  }
0x8c: {  	[hbm4b:s16+s3] =	stream.linear.scatter [tilespmem:s24], [sflag:$0x4], $0x8000, $0x38;
	[tilespmem:$0x18B00] =	vst v63  }
0x8d: {  	_ =	swait.ge @!p0 [sflag:s5], $0x8000  }
0x8e: {  	[sflag:s5] =	ssyncset.done @!p0 $0x0  }
0x8f: {  	[sflag:s5] =	ssyncadd.s32 @!p0 $0xFFFF8000  }
0x90: {  	_ =	swait.ge [sflag:s1], $0x200  }
0x91: {  	[sflag:s1] =	ssyncset.done $0x0  }
0x92: {  	[sflag:s1] =	ssyncadd.s32 $0xFFFFFE00  }
0x93: {  	v1 =	vld [tilespmem:$0x700]  }
0x94: {  	v2 =	vld [tilespmem:$0x710]  }
0x95: {  	v3 =	vld [tilespmem:$0x720]  }
0x96: {  	v52 =	vld [tilespmem:$0x730]  }
0x97: {  	v53 =	vld [tilespmem:$0x740]  }
0x98: {  	v54 =	vld [tilespmem:$0x750];
	v1 =	vadd.s32 v0, v1  }
0x99: {  	[tilespmem:$0x700] =	vst v1;
	v1 =	vadd.s32 v0, v2;
	v2 =	vld [tilespmem:$0x760]  }
0x9a: {  	[tilespmem:$0x710] =	vst v1;
	v1 =	vadd.s32 v0, v3;
	v3 =	vld [tilespmem:$0x770]  }
0x9b: {  	[tilespmem:$0x720] =	vst v1;
	v1 =	vadd.s32 v0, v52  }
0x9c: {  	[tilespmem:$0x730] =	vst v1;
	v1 =	vadd.s32 v0, v53  }
0x9d: {  	[tilespmem:$0x740] =	vst v1;
	v1 =	vadd.s32 v0, v54  }
0x9e: {  	[tilespmem:$0x750] =	vst v1;
	v1 =	vadd.s32 v0, v2  }
0x9f: {  	[tilespmem:$0x760] =	vst v1;
	v1 =	vadd.s32 v0, v3  }
0xa0: {  	[tilespmem:$0x770] =	vst v1  }
0xa1: {  	[tilespmem:s10], [sflag:$0x2] =	stream.indirect.gather [spmem:s2], $0x40, s20, s23, $0xb8;
	[tilespmem:$0x18B00] =	vst v63  }
0xa2: {  	v1 =	vld [tilespmem:$0x780]  }
0xa3: {  	v2 =	vld [tilespmem:$0x790]  }
0xa4: {  	v3 =	vld [tilespmem:$0x7A0]  }
0xa5: {  	v55 =	vld [tilespmem:$0x7B0]  }
0xa6: {  	v56 =	vld [tilespmem:$0x7C0]  }
0xa7: {  	v57 =	vld [tilespmem:$0x7D0];
	v1 =	vadd.s32 v0, v1  }
0xa8: {  	[tilespmem:$0x780] =	vst v1;
	v1 =	vadd.s32 v0, v2;
	v2 =	vld [tilespmem:$0x7E0]  }
0xa9: {  	[tilespmem:$0x790] =	vst v1;
	v1 =	vadd.s32 v0, v3;
	v3 =	vld [tilespmem:$0x7F0]  }
0xaa: {  	[tilespmem:$0x7A0] =	vst v1;
	v1 =	vadd.s32 v0, v55  }
0xab: {  	[tilespmem:$0x7B0] =	vst v1;
	v1 =	vadd.s32 v0, v56  }
0xac: {  	[tilespmem:$0x7C0] =	vst v1;
	v1 =	vadd.s32 v0, v57  }
0xad: {  	[tilespmem:$0x7D0] =	vst v1;
	v1 =	vadd.s32 v0, v2  }
0xae: {  	[tilespmem:$0x7E0] =	vst v1;
	v1 =	vadd.s32 v0, v3  }
0xaf: {  	s25 =	simm.s32 $0x780;
	s26 =	simm.s32 $0xAB00;
	[tilespmem:$0x7F0] =	vst v1  }
0xb0: {  	[tilespmem:s26], [sflag:$0x2] =	stream.indirect.gather [spmem:s2], $0x40, s25, s23, $0xb8;
	[tilespmem:$0x18B00] =	vst v63  }
0xb1: {  	v1 =	vld [tilespmem:$0x800]  }
0xb2: {  	v2 =	vld [tilespmem:$0x810]  }
0xb3: {  	v3 =	vld [tilespmem:$0x820]  }
0xb4: {  	v58 =	vld [tilespmem:$0x830]  }
0xb5: {  	v59 =	vld [tilespmem:$0x840]  }
0xb6: {  	v60 =	vld [tilespmem:$0x850];
	v1 =	vadd.s32 v0, v1  }
0xb7: {  	[tilespmem:$0x800] =	vst v1;
	v1 =	vadd.s32 v0, v2;
	v2 =	vld [tilespmem:$0x860]  }
0xb8: {  	[tilespmem:$0x810] =	vst v1;
	v1 =	vadd.s32 v0, v3;
	v3 =	vld [tilespmem:$0x870]  }
0xb9: {  	[tilespmem:$0x820] =	vst v1;
	v1 =	vadd.s32 v0, v58  }
0xba: {  	[tilespmem:$0x830] =	vst v1;
	v1 =	vadd.s32 v0, v59  }
0xbb: {  	[tilespmem:$0x840] =	vst v1;
	v1 =	vadd.s32 v0, v60  }
0xbc: {  	[tilespmem:$0x850] =	vst v1;
	v1 =	vadd.s32 v0, v2  }
0xbd: {  	[tilespmem:$0x860] =	vst v1;
	v1 =	vadd.s32 v0, v3  }
0xbe: {  	[tilespmem:$0x870] =	vst v1  }
0xbf: {  	[tilespmem:s8], [sflag:$0x2] =	stream.indirect.gather [spmem:s2], $0x40, s7, s23, $0xb8;
	[tilespmem:$0x18B00] =	vst v63  }
0xc0: {  	v1 =	vld [tilespmem:$0x880]  }
0xc1: {  	v2 =	vld [tilespmem:$0x890]  }
0xc2: {  	v3 =	vld [tilespmem:$0x8A0]  }
0xc3: {  	v61 =	vld [tilespmem:$0x8B0]  }
0xc4: {  	v62 =	vld [tilespmem:$0x8C0]  }
0xc5: {  	v63 =	vld [tilespmem:$0x8D0];
	v1 =	vadd.s32 v0, v1  }
0xc6: {  	[tilespmem:$0x880] =	vst v1;
	v1 =	vadd.s32 v0, v2;
	v2 =	vld [tilespmem:$0x8E0]  }
0xc7: {  	[tilespmem:$0x890] =	vst v1;
	v1 =	vadd.s32 v0, v3;
	v3 =	vld [tilespmem:$0x8F0]  }
0xc8: {  	[tilespmem:$0x8A0] =	vst v1;
	v1 =	vadd.s32 v0, v61  }
0xc9: {  	[tilespmem:$0x8B0] =	vst v1;
	v1 =	vadd.s32 v0, v62  }
0xca: {  	[tilespmem:$0x8C0] =	vst v1;
	v1 =	vadd.s32 v0, v63  }
0xcb: {  	[tilespmem:$0x8D0] =	vst v1;
	v1 =	vadd.s32 v0, v2  }
0xcc: {  	p1 =	sne.s32 s4, $0x3180;
	[tilespmem:$0x8E0] =	vst v1;
	v1 =	vadd.s32 v0, v3  }
.Ltmp2:
0xcd: {  	[tilespmem:$0x8F0] =	vst v1;
	(pc) =	sbr.rel @!p1 .LBB2_3-.Ltmp2, $4  }
0xce: {  	[tilespmem:s6], [sflag:$0x2] =	stream.indirect.gather [spmem:s2], $0x40, s9, s23, $0xb8;
	[tilespmem:$0x18B00] =	vst v63  }
0xcf: {  	_ =	swait.ge [sflag:s14], $0x8000  }
0xd0: {  	[sflag:s14] =	ssyncset.done $0x0  }
0xd1: {  	[sflag:s14] =	ssyncadd.s32 $0xFFFF8000  }
0xd2: {  	s5 =	sadd.s32 s4, s12  }
0xd3: {  	[tilespmem:s20], [sflag:$0x8] =	stream.linear.gather [hbm4b:s5+s3], $0x200, $0x38;
	[tilespmem:$0x18B00] =	vst v63  }
0xd4: {  	s5 =	simm.s32 @!p0 $0x6  }
0xd5: {  	[hbm4b:s31+s3] =	stream.linear.scatter [tilespmem:s10], [sflag:$0x5], $0x8000, $0x38;
	[tilespmem:$0x18B00] =	vst v63  }
0xd6: {  	_ =	swait.ge @!p0 [sflag:s5], $0x8000  }
0xd7: {  	[sflag:s5] =	ssyncset.done @!p0 $0x0  }
0xd8: {  	[sflag:s5] =	ssyncadd.s32 @!p0 $0xFFFF8000  }
0xd9: {  	_ =	swait.ge [sflag:s18], $0x200  }
0xda: {  	[sflag:s18] =	ssyncset.done $0x0  }
0xdb: {  	[sflag:s18] =	ssyncadd.s32 $0xFFFFFE00  }
0xdc: {  	v1 =	vld [tilespmem:$0x900]  }
0xdd: {  	v2 =	vld [tilespmem:$0x910]  }
0xde: {  	v3 =	vld [tilespmem:$0x920]  }
0xdf: {  	v4 =	vld [tilespmem:$0x930]  }
0xe0: {  	v5 =	vld [tilespmem:$0x940]  }
0xe1: {  	v6 =	vld [tilespmem:$0x950];
	v1 =	vadd.s32 v0, v1  }
0xe2: {  	[tilespmem:$0x900] =	vst v1;
	v1 =	vadd.s32 v0, v2;
	v2 =	vld [tilespmem:$0x960]  }
0xe3: {  	[tilespmem:$0x910] =	vst v1;
	v1 =	vadd.s32 v0, v3;
	v3 =	vld [tilespmem:$0x970]  }
0xe4: {  	[tilespmem:$0x920] =	vst v1;
	v1 =	vadd.s32 v0, v4  }
0xe5: {  	[tilespmem:$0x930] =	vst v1;
	v1 =	vadd.s32 v0, v5  }
0xe6: {  	[tilespmem:$0x940] =	vst v1;
	v1 =	vadd.s32 v0, v6  }
0xe7: {  	[tilespmem:$0x950] =	vst v1;
	v1 =	vadd.s32 v0, v2  }
0xe8: {  	[tilespmem:$0x960] =	vst v1;
	v1 =	vadd.s32 v0, v3  }
0xe9: {  	s25 =	simm.s32 $0x900;
	[tilespmem:$0x970] =	vst v1  }
0xea: {  	[tilespmem:s17], [sflag:$0x3] =	stream.indirect.gather [spmem:s2], $0x40, s25, s23, $0xb8;
	[tilespmem:$0x18B00] =	vst v63  }
0xeb: {  	v1 =	vld [tilespmem:$0x980]  }
0xec: {  	v2 =	vld [tilespmem:$0x990]  }
0xed: {  	v3 =	vld [tilespmem:$0x9A0]  }
0xee: {  	v55 =	vld [tilespmem:$0x9B0]  }
0xef: {  	v56 =	vld [tilespmem:$0x9C0]  }
0xf0: {  	v57 =	vld [tilespmem:$0x9D0];
	v1 =	vadd.s32 v0, v1  }
0xf1: {  	[tilespmem:$0x980] =	vst v1;
	v1 =	vadd.s32 v0, v2;
	v2 =	vld [tilespmem:$0x9E0]  }
0xf2: {  	[tilespmem:$0x990] =	vst v1;
	v1 =	vadd.s32 v0, v3;
	v3 =	vld [tilespmem:$0x9F0]  }
0xf3: {  	[tilespmem:$0x9A0] =	vst v1;
	v1 =	vadd.s32 v0, v55  }
0xf4: {  	[tilespmem:$0x9B0] =	vst v1;
	v1 =	vadd.s32 v0, v56  }
0xf5: {  	[tilespmem:$0x9C0] =	vst v1;
	v1 =	vadd.s32 v0, v57  }
0xf6: {  	[tilespmem:$0x9D0] =	vst v1;
	v1 =	vadd.s32 v0, v2  }
0xf7: {  	[tilespmem:$0x9E0] =	vst v1;
	v1 =	vadd.s32 v0, v3  }
0xf8: {  	s26 =	simm.s32 $0x980;
	s25 =	simm.s32 $0x12B00;
	[tilespmem:$0x9F0] =	vst v1  }
0xf9: {  	[tilespmem:s25], [sflag:$0x3] =	stream.indirect.gather [spmem:s2], $0x40, s26, s23, $0xb8;
	[tilespmem:$0x18B00] =	vst v63  }
0xfa: {  	v1 =	vld [tilespmem:$0xA00]  }
0xfb: {  	v2 =	vld [tilespmem:$0xA10]  }
0xfc: {  	v3 =	vld [tilespmem:$0xA20]  }
0xfd: {  	v58 =	vld [tilespmem:$0xA30]  }
0xfe: {  	v59 =	vld [tilespmem:$0xA40]  }
0xff: {  	v60 =	vld [tilespmem:$0xA50];
	v1 =	vadd.s32 v0, v1  }
0x100: {  	[tilespmem:$0xA00] =	vst v1;
	v1 =	vadd.s32 v0, v2;
	v2 =	vld [tilespmem:$0xA60]  }
0x101: {  	[tilespmem:$0xA10] =	vst v1;
	v1 =	vadd.s32 v0, v3;
	v3 =	vld [tilespmem:$0xA70]  }
0x102: {  	[tilespmem:$0xA20] =	vst v1;
	v1 =	vadd.s32 v0, v58  }
0x103: {  	[tilespmem:$0xA30] =	vst v1;
	v1 =	vadd.s32 v0, v59  }
0x104: {  	[tilespmem:$0xA40] =	vst v1;
	v1 =	vadd.s32 v0, v60  }
0x105: {  	[tilespmem:$0xA50] =	vst v1;
	v1 =	vadd.s32 v0, v2  }
0x106: {  	[tilespmem:$0xA60] =	vst v1;
	v1 =	vadd.s32 v0, v3  }
0x107: {  	s25 =	simm.s32 $0xA00;
	s26 =	simm.s32 $0x14B00;
	[tilespmem:$0xA70] =	vst v1  }
0x108: {  	[tilespmem:s26], [sflag:$0x3] =	stream.indirect.gather [spmem:s2], $0x40, s25, s23, $0xb8;
	[tilespmem:$0x18B00] =	vst v63  }
0x109: {  	v1 =	vld [tilespmem:$0xA80]  }
0x10a: {  	v2 =	vld [tilespmem:$0xA90]  }
0x10b: {  	v3 =	vld [tilespmem:$0xAA0]  }
0x10c: {  	v61 =	vld [tilespmem:$0xAB0]  }
0x10d: {  	v62 =	vld [tilespmem:$0xAC0]  }
0x10e: {  	v63 =	vld [tilespmem:$0xAD0];
	v1 =	vadd.s32 v0, v1  }
0x10f: {  	[tilespmem:$0xA80] =	vst v1;
	v1 =	vadd.s32 v0, v2;
	v2 =	vld [tilespmem:$0xAE0]  }
0x110: {  	[tilespmem:$0xA90] =	vst v1;
	v1 =	vadd.s32 v0, v3;
	v3 =	vld [tilespmem:$0xAF0]  }
0x111: {  	[tilespmem:$0xAA0] =	vst v1;
	v1 =	vadd.s32 v0, v61  }
0x112: {  	[tilespmem:$0xAB0] =	vst v1;
	v1 =	vadd.s32 v0, v62  }
0x113: {  	[tilespmem:$0xAC0] =	vst v1;
	v1 =	vadd.s32 v0, v63  }
0x114: {  	[tilespmem:$0xAD0] =	vst v1;
	v1 =	vadd.s32 v0, v2  }
0x115: {  	[tilespmem:$0xAE0] =	vst v1;
	v1 =	vadd.s32 v0, v3  }
0x116: {  	[tilespmem:$0xAF0] =	vst v1  }
0x117: {  	[tilespmem:s29], [sflag:$0x3] =	stream.indirect.gather [spmem:s2], $0x40, s28, s23, $0xb8;
	[tilespmem:$0x18B00] =	vst v63  }
0x118: {  	p0 =	sgt.u32 s21, $0x40;
	_ =	swait.ge [sflag:s30], $0x8000  }
0x119: {  	s5 =	sadd.s32 @!p0 s4, s11;
	s4 =	sadd.s32 $0xC0, s4;
	[sflag:s30] =	ssyncset.done $0x0  }
0x11a: {  	s25 =	simm.s32 @!p0 $0x0;
	s26 =	simm.s32 @!p0 $0x900;
	[sflag:s30] =	ssyncadd.s32 $0xFFFF8000  }
0x11b: {  	[tilespmem:s26], [sflag:$0x9] =	stream.linear.gather @!p0 [hbm4b:s5+s25], $0x200, $0x38;
	[tilespmem:$0x18B00] =	vst v63  }
0x11c: {  	p0 =	sne.s32 s4, $0x3240  }
.Ltmp3:
0x11d: {  	_ = 	snop;
	(pc) =	sbr.rel @p0 .LBB2_2-.Ltmp3, $4  }
.Ltmp4:
0x11e: {  	_ = 	snop;
	(pc) =	sbr.rel @!p0 .LBB2_5-.Ltmp4, $4  }
0x11f: {  	s16 =	sadd.s32 $0x3000, s16  }
0x120: {  	[hbm4b:s15+s3] =	stream.linear.scatter [tilespmem:s17], [sflag:$0x6], $0x8000, $0x38;
	[tilespmem:$0x18B00] =	vst v63  }
0x121: {  	s31 =	sadd.s32 $0x3000, s31;
	s21 =	sadd.s32 $0x1, s21;
	s15 =	sadd.s32 $0x3000, s15  }
0x122: {  	_ = 	snop  }
.LBB2_6:
0x123: {  	_ =	sfence.sel $0x180000  }
0x124: {  	[bflag:$0x0] =	sbarrier.arrive $0xFFFF  }
0x125: {  	_ =	strace $0x90000047  }
0x126: {  	s0 =	stileid.u32;
	[bflag:$0x2] =	sbarrier.arrive $0xFFFF  }
0x127: {  	p0 =	sne.s32 s0, $0x0;
	s0 =	rddreg [dreg:$0x3]  }
0x128: {  	s0 =	sadd.s32 @!p0 $0x100000, s0  }
0x129: {  	[sflag:s0] =	ssyncadd.tile.s32 @!p0 $0x1;
	_ =	shalt  }
.Lfunc_end2:
_tile_overlayer_lowered:
.L_overlay_start_2:
0x12a: {  	(tag) =	ssettag $0x2  }
0x12b: {  	s0 =	rddreg [dreg:$0x0];
	s2 =	stileid.u32  }
0x12c: {  	s1 =	rddreg [dreg:$0x1];
	p0 =	sne.s32 s2, $0x0  }
0x12d: {  	s3 =	rddreg [dreg:$0x2];
	[bflag:$0x3] =	sbarrier.arrive $0xFFFF;
	s2 =	simm.s32 @!p0 $0x1C0A  }
0x12e: {  	[timem:s3], [sflag:s2] =	dma.local @!p0 [hbm:s0], s1  }
0x12f: {  	s0 =	simm.s32 @!p0 $0xA  }
0x130: {  	_ =	swait.ge @!p0 [sflag:s0], s1  }
0x131: {  	s1 =	ssub.s32 @!p0 $0x0, s1;
	[sflag:s0] =	ssyncset.done @!p0 $0x0  }
0x132: {  	[sflag:s0] =	ssyncadd.s32 @!p0 s1  }
0x133: {  	[bflag:$0x3] =	sbarrier.arrive $0xFFFF  }
0x134: {  	_ =	shalt  }

// kernel: sparse-core-data-format-call.cloned.1.call-start
scs
called_computation_lowered:
.L_overlay_start_0:
0x0: {  	s2 =	sld [smem:$0x3FD9]  }
0x1: {  	s3 =	sld [smem:$0x3FFE];
	_ =	sdelay $0x1  }
0x2: {  	s1 =	srdreg.scid  }
0x3: {  	s0 =	sand.u32 $0x1, s1  }
0x4: {  	s18 =	sshll.u32 s0, $0xA;
	s2 =	sadd.s32 s3, s2  }
0x5: {  	s2 =	sadd.s32 s2, s18  }
0x6: {  	[smem:$0x3FC6] =	sst s2  }
0x7: {  	_ = 	snop  }
0x8: {  	s2 =	sld [smem:$0x3FD0];
	(tm) =	ssettm $0x1  }
0x9: {  	s19 =	sld [smem:$0x3FFB];
	_ =	sdelay $0x3  }
0xa: {  	_ =	strace s19  }
0xb: {  	s3 =	sld [smem:$0x3FFC];
	_ =	sdelay $0x3  }
0xc: {  	_ =	strace s3  }
0xd: {  	s3 =	sld [smem:$0x3FFD];
	_ =	sdelay $0x3  }
0xe: {  	_ =	strace s3  }
0xf: {  	_ =	strace $0x8FFFFFFF  }
0x10: {  	s20 =	sld [smem:$0x3FDB];
	_ =	sdelay $0x1  }
0x11: {  	s4 =	simm.s32 $_scs_section_size  }
0x12: {  	s5 =	simm.s32 $_size__tile_overlayer_lowered;
	s6 =	simm.s32 $_tile_overlayer_lowered  }
0x13: {  	s23 =	simm.s32 $0x1BFF;
	s22 =	sshll.u32 s6, $0x1;
	s3 =	sadd.s32 s4, s20  }
0x14: {  	s7 =	simm.s32 $0x0;
	s21 =	sshll.u32 s5, $0x1;
	s5 =	sadd.s32 s22, s3  }
0x15: {  	[timem:s7], [sflag:s23] =	dma.local [hbm:s5], s21  }
0x16: {  	_ =	swait.ge [sflag:s23], s21  }
0x17: {  	s4 =	ssub.s32 $0x0, s21;
	[sflag:s23] =	ssyncset.done $0x0  }
0x18: {  	[sflag:s23] =	ssyncadd.s32 s4;
	_ =	sdelay $0x1  }
0x19: {  	s24 =	simm.s32 $0x1B8B  }
0x1a: {  	_ =	swait.ge [sflag:s24], $0x1  }
0x1b: {  	[sflag:s24] =	ssyncset.done $0x0  }
0x1c: {  	s26 =	simm.s32 $0x1B8E;
	s25 =	sld [smem:$0x3FFE];
	[sflag:s24] =	ssyncadd.s32 $0xFFFFFFFF  }
0x1d: {  	s27 =	simm.s32 $execute0_lowered;
	[smem:$0x3FD2] =	sst s26  }
0x1e: {  	s5 =	sshll.u32 s27, $0x1;
	_ =	strace $0x80000049;
	[dreg:$0x1] =	wrdreg $0xFFFFFFFF  }
0x1f: {  	s28 =	simm.s32 $_size_execute0_lowered;
	s3 =	sadd.s32 s3, s5;
	[dreg:$0x0] =	wrdreg $0x0  }
0x20: {  	s5 =	sshll.u32 s28, $0x1;
	[dreg:$0x2] =	wrdreg s3  }
0x21: {  	[dreg:$0x3] =	wrdreg s5  }
0x22: {  	[dreg:$0x4] =	wrdreg $0xC0  }
0x23: {  	_ =	task [dreg:s7], $0x5FFFF  }
0x24: {  	[dreg:$0x1] =	wrdreg $0xFFFFFFFF  }
0x25: {  	[dreg:$0x0] =	wrdreg $0x60  }
0x26: {  	[dreg:$0x2] =	wrdreg s25  }
0x27: {  	[dreg:$0x3] =	wrdreg s2  }
0x28: {  	[dreg:$0x4] =	wrdreg $0x9  }
0x29: {  	_ =	task.clear_ibuf [dreg:s7], $0x5FFFF;
	_ =	strace $0x90000049  }
0x2a: {  	s29 =	simm.s32 $0x9;
	_ =	strace $0x8000004B  }
0x2b: {  	_ =	swait.ge [sflag:s29], $0x1  }
0x2c: {  	[sflag:s29] =	ssyncadd.s32 $0xFFFFFFFF  }
0x2d: {  	_ =	strace $0x9000004B  }
0x2e: {  	_ =	sfence  }
0x2f: {  	s30 =	sld [smem:$0x0];
	_ =	sdelay $0x2  }
0x30: {  	s31 =	sshll.u32 s1, $0xD;
	s1 =	sshrl.u32 s1, $0x2  }
0x31: {  	s3 =	sand.u32 $0x4000, s31;
	s1 =	sadd.s32 s1, s30  }
0x32: {  	s0 =	sor.u32 s3, s0;
	s1 =	sshll.u32 s1, $0x11  }
0x33: {  	s0 =	sor.u32 s1, s0  }
0x34: {  	s0 =	sadd.s32 $0x8F2B, s0  }
0x35: {  	[sflag:s0] =	ssyncadd.remote.s32 $0x1  }
0x36: {  	_ =	sfence.sel $0xFFFF  }
0x37: {  	[dreg:$0x0] =	wrdreg $0xFFFFFFFF;
	(pc) =	sbr.abs _section_cstart, $3  }
0x38: {  	[dreg:$0x1] =	wrdreg $0xFFFFFFFF  }
0x39: {  	_ =	task.clear_ibuf [dreg:s7], $0x2FFFF;
	_ =	strace $0x9FFFFFFF  }
0x3a: {  	(tm) =	ssettm $0x7FFFFFFF  }
0x3b: {  	_ =	shalt  }
tec
execute0_lowered:
.L_overlay_start_1:
0x0: {  	(tag) =	ssettag $0x1  }
0x1: {  	s0 =	srdreg.scid  }
0x2: {  	s1 =	sshll.u32 s0, $0x4  }
0x3: {  	s0 =	stileid.u32;
	s1 =	sand.u32 $0x10, s1  }
0x4: {  	s1 =	sor.u32 s0, s1  }
0x5: {  	s6 =	rddreg [dreg:$0x0];
	s4 =	simm.s32 $0x1;
	s2 =	sshll.u32 s1, $0x7  }
0x6: {  	s7 =	simm.s32 $0x2;
	s12 =	simm.s32 $0x0;
	s1 =	ssub.s32 $0x4000, s2  }
0x7: {  	s8 =	simm.s32 $0x20000;
	s13 =	simm.s32 $0x0;
	s3 =	sand.u32 $0xF80, s1  }
0x8: {  	s9 =	simm.s32 $0x0;
	s5 =	sshrl.u32 s1, $0xC;
	p0 =	sne.s32 s3, $0x0  }
.Ltmp0:
0x9: {  	s1 =	rddreg [dreg:$0x2];
	s4 =	simm.s32 @!p0 $0x0;
	(pc) =	sbr.rel .LBB1_1-.Ltmp0, $4  }
0xa: {  	s11 =	simm.s32 $0x0;
	s3 =	rddreg [dreg:$0x1];
	s5 =	sadd.s32 s4, s5  }
0xb: {  	_ =	strace $0x8000004A;
	s4 =	simm.s32 $0x1;
	s5 =	smul.u32 $0xC8, s5  }
0xc: {  	s6 =	sadd.s32 $0x800, s6;
	s10 =	smov.u32 s2;
	[sflag:s4] =	ssyncpa.u1 $0x0  }
0xd: {  	p0 =	por $0x0, $0x0;
	[sflag:s7] =	ssyncpa.u1 $0x0;
	s7 =	sor.u32 $0x1, s5  }
.LBB1_4:
0xe: {  	s16 =	sshll.u32 s13, $0x3;
	s17 =	sand.u32 $0x78, s13  }
0xf: {  	s30 =	sand.u32 $0x1F800, s13;
	s12 =	sshll.u32 s12, $0x11;
	s16 =	sand.u32 $0x3C00, s16  }
0x10: {  	[tilespmem:s15+$0x810 ss:$0x81] =	vst.msk $0xffff, v2;
	s31 =	sand.u32 $0x7, s13;
	s16 =	sor.u32 s17, s16;
	s17 =	sadd.s32 s3, s30  }
0x11: {  	[tilespmem:s15+$0x1020 ss:$0x81] =	vst.msk $0xffff, v0;
	s13 =	sshll.u32 s31, $0x12;
	s12 =	sadd.s32 s12, s17;
	s16 =	sshrl.u32 s16, $0x3  }
0x12: {  	[tilespmem:s15+$0x0 ss:$0x81] =	vst.msk $0xffff, v1;
	s13 =	sor.u32 $0x400, s13;
	s12 =	sadd.s32 s16, s12  }
0x13: {  	[hbm4b:s12+s13] =	stream.strided.scatter [tilespmem:s14], [sflag:$0x2], $0x2000, s8, s13, $0x20;
	[tilespmem:$0x8080] =	vst v63  }
.LBB1_5:
0x14: {  	s14 =	sadd.s32 $0x1, s9  }
0x15: {  	s12 =	sadd.s32 $0x1000, s10;
	s16 =	smov.u32 s10;
	p2 =	sgt.s32 s14, $0xC7  }
0x16: {  	s16 =	smov.u32 @p2 s12  }
0x17: {  	s14 =	simm.s32 @p2 $0x0;
	p2 =	sgt.s32 s16, $0x3FFF  }
0x18: {  	s16 =	smov.u32 @p2 s2;
	p2 =	sne.s32 s11, s7  }
.Ltmp1:
0x19: {  	p1 =	slt.u32 s11, $0x2;
	(pc) =	sbr.rel @!p2 .LBB1_6-.Ltmp1, $4  }
0x1a: {  	s15 =	simm.s32 @!p1 $0x2  }
0x1b: {  	s13 =	smov.u32 s10;
	p0 =	por !p0, !p0;
	_ =	swait.ge @!p1 [sflag:s15], $0x2000  }
0x1c: {  	s12 =	smov.u32 s9;
	[sflag:s15] =	ssyncset.done @!p1 $0x0;
	s9 =	smov.u32 s14  }
0x1d: {  	s11 =	sadd.s32 $0x1, s11;
	[sflag:s15] =	ssyncadd.s32 @!p1 $0xFFFFE000;
	s10 =	smov.u32 s16  }
.LBB1_1:
0x1e: {  	p1 =	sge.u32 s11, s5  }
0x1f: {  	s14 =	sand.u32 @!p1 $0x1FFFFFF, s9  }
0x20: {  	s15 =	smulhi.u32 @!p1 $0x147AE15, s14;
	_ =	sdelay $0x1  }
0x21: {  	s15 =	smul.u32 @!p1 $0xC8, s15  }
0x22: {  	s16 =	sxor.u32 @!p1 $0xFFFFFFFF, s11;
	s17 =	smul.u32 @!p1 $0xC80, s10  }
0x23: {  	s31 =	sadd.s32 $0xFFFFFFFF, s11;
	s16 =	sshll.u32 @!p1 s16, $0xD;
	s14 =	ssub.s32 @!p1 s14, s15  }
0x24: {  	s15 =	sand.u32 @!p1 $0x2000, s16;
	s16 =	sadd.s32 @!p1 s6, s17;
	s14 =	sshll.u32 @!p1 s14, $0x4  }
0x25: {  	s17 =	simm.s32 @!p1 $0x6400;
	s14 =	sadd.s32 @!p1 s14, s16;
	s16 =	simm.s32 @!p1 $0x40  }
0x26: {  	[tilespmem:s15], [sflag:$0x1] =	stream.strided.gather @!p1 [hbm4b:s14+s16], $0x2000, s17, s16, $0x38;
	[tilespmem:$0x8080] =	vst v63  }
0x27: {  	p1 =	sge.u32 s31, s5  }
.Ltmp2:
0x28: {  	_ = 	snop;
	(pc) =	sbr.rel @p1 .LBB1_5-.Ltmp2, $1  }
0x29: {  	_ =	sdelay $0x3  }
0x2a: {  	s14 =	simm.s32 $0x1  }
0x2b: {  	_ =	swait.ge [sflag:s4], $0x2000;
	s14 =	simm.s32 @!p0 $0x0  }
0x2c: {  	[sflag:s4] =	ssyncset.done $0x0;
	s15 =	sshll.u32 s14, $0xD  }
0x2d: {  	[sflag:s4] =	ssyncadd.s32 $0xFFFFE000;
	s18 =	sor.u32 $0x20, s15  }
0x2e: {  	s14 =	smul.u32 $0x8100, s14;
	v3 =	vld [tilespmem:s18+$0x10]  }
0x2f: {  	s30 =	sand.u32 $0x1, s11;
	v2 =	vld [tilespmem:s18+$0xFFFFFFF0]  }
0x30: {  	s15 =	smul.u32 $0x8100, s30;
	s14 =	sshrl.u32 s14, $0x2;
	v0 =	vld [tilespmem:s18+$0x0]  }
0x31: {  	v1 =	vld [tilespmem:s18+$0xFFFFFFE0];
	s16 =	sor.u32 $0x4000, s14  }
0x32: {  	s31 =	sshrl.u32 s15, $0x2;
	s15 =	sadd.s32 $0x0, s16  }
0x33: {  	s17 =	simm.s32 $0x4;
	s18 =	sadd.s32 $0x40, s18;
	s14 =	sor.u32 $0x4000, s31;
	[tilespmem:s15+$0x1830 ss:$0x81] =	vst.msk $0xffff, v3  }
.LBB1_3:
0x34: {  	v3 =	vld [tilespmem:s18+$0x10];
	p1 =	sne.s32 s17, $0x1FC;
	[tilespmem:s15+$0x810 ss:$0x81] =	vst.msk $0xffff, v2;
	s19 =	smov.u32 s17;
	s17 =	sadd.s32 $0x4, s17  }
.Ltmp3:
0x35: {  	v2 =	vld [tilespmem:s18+$0xFFFFFFF0];
	[tilespmem:s15+$0x1020 ss:$0x81] =	vst.msk $0xffff, v0;
	(pc) =	sbr.rel @p1 .LBB1_3-.Ltmp3, $4  }
0x36: {  	v0 =	vld [tilespmem:s18+$0x0];
	[tilespmem:s15+$0x0 ss:$0x81] =	vst.msk $0xffff, v1  }
0x37: {  	s15 =	sshra.s32 s19, $0x2;
	v1 =	vld [tilespmem:s18+$0xFFFFFFE0]  }
0x38: {  	s15 =	sadd.s32 s15, s16  }
0x39: {  	s18 =	sadd.s32 $0x40, s18;
	[tilespmem:s15+$0x1830 ss:$0x81] =	vst.msk $0xffff, v3  }
.Ltmp4:
0x3a: {  	_ = 	snop;
	(pc) =	sbr.rel .LBB1_4-.Ltmp4, $1  }
0x3b: {  	_ =	sdelay $0x3  }
.LBB1_6:
0x3c: {  	_ =	sfence.sel $0x180000  }
0x3d: {  	s2 =	simm.s32 $0x1;
	[bflag:$0x0] =	sbarrier.arrive $0xFFFF  }
0x3e: {  	s31 =	simm.s32 $0x2;
	[sflag:s2] =	ssyncpa.u1 $0x1  }
0x3f: {  	[sflag:s31] =	ssyncpa.u1 $0x1  }
0x40: {  	p0 =	sne.s32 s0, $0x0;
	_ =	strace $0x9000004A  }
0x41: {  	s0 =	sadd.s32 @!p0 $0x100000, s1;
	[bflag:$0x2] =	sbarrier.arrive $0xFFFF  }
0x42: {  	[sflag:s0] =	ssyncadd.tile.s32 @!p0 $0x1;
	_ =	shalt  }
.Lfunc_end1:
_tile_overlayer_lowered:
.L_overlay_start_2:
0x43: {  	(tag) =	ssettag $0x2  }
0x44: {  	s0 =	rddreg [dreg:$0x0];
	s2 =	stileid.u32  }
0x45: {  	s1 =	rddreg [dreg:$0x1];
	p0 =	sne.s32 s2, $0x0  }
0x46: {  	s3 =	rddreg [dreg:$0x2];
	[bflag:$0x3] =	sbarrier.arrive $0xFFFF;
	s2 =	simm.s32 @!p0 $0x1C01  }
0x47: {  	[timem:s3], [sflag:s2] =	dma.local @!p0 [hbm:s0], s1  }
0x48: {  	s0 =	simm.s32 @!p0 $0x1  }
0x49: {  	_ =	swait.ge @!p0 [sflag:s0], s1  }
0x4a: {  	s1 =	ssub.s32 @!p0 $0x0, s1;
	[sflag:s0] =	ssyncset.done @!p0 $0x0  }
0x4b: {  	[sflag:s0] =	ssyncadd.s32 @!p0 s1  }
0x4c: {  	[bflag:$0x3] =	sbarrier.arrive $0xFFFF  }
0x4d: {  	_ =	shalt  }

</sc_bundles>
